<compile_context>
chip_gen: v7x
topology: tpu7x:2x2x1
jax: 0.10.2.dev20260603
libtpu: 0.0.44.dev20260713+nightly
codegen_flags: <defaults>
</compile_context>

<pallas_src>
import functools

import jax
import jax.numpy as jnp
from jax import lax
from jax.experimental import pallas as pl
from jax.experimental.pallas import tpu as pltpu
from jax.experimental.pallas import tpu_sc as plsc

N = 10000
E = 160000
B = 64
NP = 10240
EP = 163840
KD = 128
STR = NP // 16
D1 = 112
D2 = 32
RB = 1024
GRID = NP // RB

f32 = jnp.float32


def _mm_body(x_ref, w_ref, o_ref):
    y = jnp.dot(x_ref[...], w_ref[...], preferred_element_type=f32)
    lane = lax.broadcasted_iota(jnp.int32, y.shape, 1)
    o_ref[...] = jnp.where(lane == 100, 1.0, y)


def _tc_y1(xp, w1t):
    return pl.pallas_call(
        _mm_body,
        grid=(GRID,),
        in_specs=[
            pl.BlockSpec((RB, 256), lambda i: (i, 0)),
            pl.BlockSpec((256, D1), lambda i: (0, 0)),
        ],
        out_specs=pl.BlockSpec((RB, D1), lambda i: (i, 0)),
        out_shape=jax.ShapeDtypeStruct((NP, D1), f32),
    )(xp, w1t)




@functools.lru_cache(maxsize=None)
def _make_sc_agg(Dh, KD, GRP):
    EPTc = EP // 16
    NCH = EPTc // KD
    NBODY = NCH // (2 * GRP)
    mesh = plsc.VectorSubcoreMesh(
        core_axis_name="c", subcore_axis_name="s", num_cores=2, num_subcores=16
    )

    @functools.partial(
        pl.kernel,
        out_type=jax.ShapeDtypeStruct((2 * NP, Dh), f32),
        mesh=mesh,
        compiler_params=pltpu.CompilerParams(use_tc_tiling_on_sc=False),
        scratch_types=[
            pltpu.VMEM((EPTc,), jnp.int32),
            pltpu.VMEM((NCH, KD), jnp.int32),
            pltpu.VMEM((2 * GRP, KD, Dh), f32),
            pltpu.VMEM_SHARED((NP, Dh), f32),
            pltpu.SemaphoreType.DMA,
            pltpu.SemaphoreType.DMA,
            pltpu.SemaphoreType.DMA,
            pltpu.SemaphoreType.DMA,
        ],
    )
    def sc_agg(y_hbm, src_hbm, dst_hbm, z_hbm, out_hbm,
               src_all, dst_all, rows, agg, gsa, gsb, ssa, ssb):
        cid = lax.axis_index("c")
        sid = lax.axis_index("s")
        wid = sid

        def fire_g(c0, b0, sem):
            for b in range(GRP):
                idx = src_all.at[pl.ds((c0 + b) * KD, KD)]
                pltpu.async_copy(y_hbm.at[idx], rows.at[b0 + b], sem)

        def drain_g(c0, b0, sem):
            for b in range(GRP):
                idx = src_all.at[pl.ds((c0 + b) * KD, KD)]
                pltpu.make_async_copy(y_hbm.at[idx], rows.at[b0 + b], sem).wait()

        def fire_s(c0, b0, sem):
            for b in range(GRP):
                pltpu.async_copy(rows.at[b0 + b], agg.at[dst_all.at[c0 + b]],
                                 sem, add=True)

        def drain_s(c0, b0, sem):
            for b in range(GRP):
                pltpu.make_async_copy(rows.at[b0 + b],
                                      agg.at[dst_all.at[c0 + b]], sem).wait()

        pltpu.sync_copy(src_hbm.at[cid, wid], src_all)
        pltpu.sync_copy(dst_hbm.at[wid], dst_all)
        pltpu.sync_copy(z_hbm, agg.at[pl.ds(sid * STR, STR)])
        plsc.subcore_barrier()

        fire_g(0, 0, gsa)

        def body(g, carry):
            cA = g * 2 * GRP
            cB = cA + GRP

            @pl.when(g > 0)
            def _():
                drain_s(cA - GRP, GRP, ssb)

            fire_g(cB, GRP, gsb)
            drain_g(cA, 0, gsa)
            fire_s(cA, 0, ssa)
            drain_g(cB, GRP, gsb)
            fire_s(cB, GRP, ssb)
            drain_s(cA, 0, ssa)

            @pl.when(g < NBODY - 1)
            def _():
                fire_g(cA + 2 * GRP, 0, gsa)

            return carry

        lax.fori_loop(0, NBODY, body, 0)
        drain_s((NBODY - 1) * 2 * GRP + GRP, GRP, ssb)
        plsc.subcore_barrier()
        row0 = cid * NP + sid * STR
        pltpu.sync_copy(agg.at[pl.ds(sid * STR, STR)], out_hbm.at[pl.ds(row0, STR)])

    return sc_agg


def _mid_body(y1_ref, a0_ref, a1_ref, w_ref, b_ref, o_ref):
    a = jnp.concatenate([a0_ref[...], a1_ref[...]], axis=1)
    deg = a[:, 100:101]
    mean = a / jnp.maximum(deg, 1.0)
    h1 = jnp.maximum(jnp.where(deg > 0, mean, y1_ref[...]) + b_ref[...], 0.0)
    y2 = jnp.dot(h1, w_ref[...], preferred_element_type=f32)
    lane = lax.broadcasted_iota(jnp.int32, y2.shape, 1)
    o_ref[...] = jnp.where(lane == 20, 1.0, jnp.where(lane == 21, deg, y2))


def _tc_mid(y1, a0, a1, w2t, b1p):
    return pl.pallas_call(
        _mid_body,
        grid=(GRID,),
        in_specs=[
            pl.BlockSpec((RB, D1), lambda i: (i, 0)),
            pl.BlockSpec((RB, D1 // 2), lambda i: (i, 0)),
            pl.BlockSpec((RB, D1 // 2), lambda i: (i, 0)),
            pl.BlockSpec((D1, D2), lambda i: (0, 0)),
            pl.BlockSpec((1, D1), lambda i: (0, 0)),
        ],
        out_specs=pl.BlockSpec((RB, D2), lambda i: (i, 0)),
        out_shape=jax.ShapeDtypeStruct((NP, D2), f32),
    )(y1, a0, a1, w2t, b1p)


def _head_body(y2_ref, a0_ref, a1_ref, gid_ref, b2_ref, d2_ref,
               gwh_ref, gwd_ref, gb_ref, wv_ref, wc_ref, fb1_ref,
               bn1g_ref, bn1b_ref, f2t_ref, f2b_ref, bn2g_ref, bn2b_ref,
               f3_ref, f3b_ref, o_ref, acc_ref):
    i = pl.program_id(0)

    @pl.when(i == 0)
    def _():
        acc_ref[...] = jnp.zeros((B, D2), f32)

    a = jnp.concatenate([a0_ref[...], a1_ref[...]], axis=1)
    y2 = y2_ref[...]
    deg = y2[:, 21:22]
    mean = a / jnp.maximum(deg, 1.0)
    h2 = jnp.maximum(jnp.where(deg > 0, mean, y2) + b2_ref[...], 0.0)
    lane = lax.broadcasted_iota(jnp.int32, h2.shape, 1)
    h2 = jnp.where(lane > 20, 0.0, h2)
    g = (gid_ref[...] == lax.broadcasted_iota(jnp.int32, (RB, B), 1)).astype(f32)
    acc_ref[...] += lax.dot_general(
        g, h2, (((0,), (0,)), ((), ())), preferred_element_type=f32)

    @pl.when(i == GRID - 1)
    def _():
        hgs = acc_ref[...]
        cnt = hgs[:, 20:21]
        hg = hgs / jnp.maximum(cnt, 1.0)
        lane32 = lax.broadcasted_iota(jnp.int32, hg.shape, 1)
        hg = jnp.where(lane32 >= 20, 0.0, hg)
        d2 = d2_ref[...]
        z = (jnp.dot(hg, gwh_ref[...], preferred_element_type=f32)
             + jnp.dot(d2, gwd_ref[...], preferred_element_type=f32)
             + gb_ref[...])
        g2 = 1.0 / (1.0 + jnp.exp(-z))
        v2 = g2 * d2
        out1 = fb1_ref[...] + jnp.zeros((B, 128), f32)
        for ii in range(21):
            t = (jnp.dot(v2, wv_ref[ii], preferred_element_type=f32)
                 + wc_ref[ii:ii + 1, :])
            if ii == 20:
                out1 = out1 + t
            else:
                out1 = out1 + hg[:, ii:ii + 1] * t
        mu1 = jnp.mean(out1, axis=0, keepdims=True)
        var1 = jnp.mean((out1 - mu1) ** 2, axis=0, keepdims=True)
        h = jnp.maximum((out1 - mu1) / jnp.sqrt(var1 + 1e-5) * bn1g_ref[...]
                        + bn1b_ref[...], 0.0)
        o2 = jnp.dot(h, f2t_ref[...], preferred_element_type=f32) + f2b_ref[...]
        mu2 = jnp.mean(o2, axis=0, keepdims=True)
        var2 = jnp.mean((o2 - mu2) ** 2, axis=0, keepdims=True)
        o2 = jnp.maximum((o2 - mu2) / jnp.sqrt(var2 + 1e-5) * bn2g_ref[...]
                         + bn2b_ref[...], 0.0)
        o3 = jnp.sum(o2 * f3_ref[...], axis=1, keepdims=True) + f3b_ref[...]
        o_ref[...] = o3


def _tc_head(y2, a0, a1, gids, b2p, d2, gwh, gwd, gb, wv, wc, fb1,
             bn1g, bn1b, f2t, f2b, bn2g, bn2b, f3, f3b):
    blk = lambda r, c: pl.BlockSpec((r, c), lambda i: (i, 0))
    cst = lambda *s: pl.BlockSpec(s, lambda i: tuple(0 for _ in s))
    return pl.pallas_call(
        _head_body,
        grid=(GRID,),
        in_specs=[
            blk(RB, D2), blk(RB, D2 // 2), blk(RB, D2 // 2),
            pl.BlockSpec((RB, 1), lambda i: (i, 0)),
            cst(1, D2), cst(B, 200), cst(D2, 200), cst(200, 200), cst(1, 200),
            cst(21, 200, 128), cst(24, 128), cst(1, 128),
            cst(1, 128), cst(1, 128), cst(128, D2), cst(1, D2),
            cst(1, D2), cst(1, D2), cst(1, D2), cst(1, 1),
        ],
        out_specs=pl.BlockSpec((B, 1), lambda i: (0, 0)),
        out_shape=jax.ShapeDtypeStruct((B, 1), f32),
        scratch_shapes=[pltpu.VMEM((B, D2), f32)],
    )(y2, a0, a1, gids, b2p, d2, gwh, gwd, gb, wv, wc, fb1,
      bn1g, bn1b, f2t, f2b, bn2g, bn2b, f3, f3b)


def kernel(x, edge_index, node_graph_ids, desc_2d, desc_3d,
           W1, b1, W2, b2, gate_W, gate_b,
           fc1_W, fc1_b, fc2_W, fc2_b, fc3_W, fc3_b,
           bn1_g, bn1_b, bn2_g, bn2_b):
    del desc_3d
    i32 = jnp.int32
    xp = jnp.pad(x, ((0, NP - N), (0, 0)))
    src = jnp.concatenate(
        [edge_index[0].astype(i32), jnp.full((EP - E,), N, i32)])
    dst = jnp.concatenate(
        [edge_index[1].astype(i32), N + jnp.arange(EP - E, dtype=i32) % (NP - N)])
    srcT2 = jnp.stack([2 * src, 2 * src + 1]).reshape(2, 16, EP // 16)
    dstT = dst.reshape(16, EP // 16 // KD, KD)
    gids = jnp.concatenate(
        [node_graph_ids.astype(i32), jnp.full((NP - N,), B, i32)]
    ).reshape(NP, 1)

    w1t = jnp.pad(W1, ((0, D1 - 100), (0, 0))).T
    b1p = jnp.pad(b1, (0, D1 - 100)).reshape(1, D1)
    w2t = jnp.pad(W2, ((0, D2 - 20), (0, D1 - 100))).T
    b2p = jnp.pad(b2, (0, D2 - 20)).reshape(1, D2)
    gwh = jnp.pad(gate_W[:, :20].T, ((0, D2 - 20), (0, 0)))
    gwd = gate_W[:, 20:].T
    gb = gate_b.reshape(1, 200)
    wv3 = fc1_W.T.reshape(21, 201, 128)
    wv = wv3[:, :200, :]
    wc = jnp.pad(wv3[:, 200, :], ((0, 3), (0, 0)))
    fb1 = fc1_b.reshape(1, 128)
    f2t = fc2_W.T
    f2b = fc2_b.reshape(1, D2)
    f3 = fc3_W.reshape(1, 32)
    f3b = fc3_b.reshape(1, 1)
    bn1g = bn1_g.reshape(1, 128)
    bn1b = bn1_b.reshape(1, 128)
    bn2g = bn2_g.reshape(1, D2)
    bn2b = bn2_b.reshape(1, D2)

    z1 = jnp.zeros((STR, D1 // 2), f32)
    z2 = jnp.zeros((STR, D2 // 2), f32)

    y1 = _tc_y1(xp, w1t)
    agg1 = _make_sc_agg(D1 // 2, KD, 4)(
        y1.reshape(2 * NP, D1 // 2), srcT2, dstT, z1)
    y2 = _tc_mid(y1, agg1[:NP], agg1[NP:], w2t, b1p)
    agg2 = _make_sc_agg(D2 // 2, KD, 4)(
        y2.reshape(2 * NP, D2 // 2), srcT2, dstT, z2)
    return _tc_head(y2, agg2[:NP], agg2[NP:], gids, b2p, desc_2d, gwh, gwd,
                    gb, wv, wc, fb1, bn1g, bn1b, f2t, f2b, bn2g, bn2b, f3, f3b)

# --- scband reference (transcript-rebuilt; emitter-appended) ---
"""Pipeline reference for scband-net-contextual-gate-84954453115093 (READ-ONLY COPY).

The authoritative reference and input builder live on the scoring server;
editing this copy changes nothing except your own understanding.
"""

import jax, jax.numpy as jnp
import numpy as np

N = 10000
E = 160000
B = 64
DIM_IN = 256
D_G = 20
DIM_2D = 200
DIM_3D = 12


def setup_inputs(seed: int = 0) -> dict:
    key = jax.random.key(seed)
    ks = jax.random.split(key, 24)
    inp = {}
    inp['x'] = jax.random.normal(ks[0], (N, DIM_IN), dtype=jnp.float32)
    inp['edge_index'] = jax.random.randint(ks[1], (2, E), 0, N)
    inp['node_graph_ids'] = jnp.sort(jax.random.randint(ks[2], (N,), 0, B))
    inp['desc_2d'] = jax.random.normal(ks[3], (B, DIM_2D), dtype=jnp.float32)
    inp['desc_3d'] = jax.random.normal(ks[4], (B, DIM_3D), dtype=jnp.float32)
    inp['W1'] = jax.random.normal(ks[5], (100, DIM_IN), dtype=jnp.float32) * 0.05
    inp['b1'] = jnp.zeros((100,), dtype=jnp.float32)
    inp['W2'] = jax.random.normal(ks[6], (D_G, 100), dtype=jnp.float32) * 0.05
    inp['b2'] = jnp.zeros((D_G,), dtype=jnp.float32)
    inp['gate_W'] = jax.random.normal(ks[7], (DIM_2D, D_G + DIM_2D), dtype=jnp.float32) * 0.05
    inp['gate_b'] = jnp.zeros((DIM_2D,), dtype=jnp.float32)
    fusion_dim = (D_G + 1) * (DIM_2D + 1)
    inp['fc1_W'] = jax.random.normal(ks[8], (128, fusion_dim), dtype=jnp.float32) * 0.02
    inp['fc1_b'] = jnp.zeros((128,), dtype=jnp.float32)
    inp['fc2_W'] = jax.random.normal(ks[9], (32, 128), dtype=jnp.float32) * 0.05
    inp['fc2_b'] = jnp.zeros((32,), dtype=jnp.float32)
    inp['fc3_W'] = jax.random.normal(ks[10], (1, 32), dtype=jnp.float32) * 0.05
    inp['fc3_b'] = jnp.zeros((1,), dtype=jnp.float32)
    inp['bn1_g'] = jnp.ones((128,), dtype=jnp.float32)
    inp['bn1_b'] = jnp.zeros((128,), dtype=jnp.float32)
    inp['bn2_g'] = jnp.ones((32,), dtype=jnp.float32)
    inp['bn2_b'] = jnp.zeros((32,), dtype=jnp.float32)
    return inp


def _gcn_layer(h, src, dst, W, b):
    # DGL copy_u + mean reduce: nodes with zero in-degree keep their old h
    deg = jax.ops.segment_sum(jnp.ones((src.shape[0],), dtype=h.dtype), dst, num_segments=N)
    agg = jax.ops.segment_sum(h[src], dst, num_segments=N)
    mean = agg / jnp.maximum(deg, 1.0)[:, None]
    h_new = jnp.where((deg > 0)[:, None], mean, h)
    return h_new @ W.T + b


def _batchnorm(x, gamma, beta):
    mu = jnp.mean(x, axis=0)
    var = jnp.var(x, axis=0)
    return (x - mu) / jnp.sqrt(var + 1e-5) * gamma + beta


def reference(x, edge_index, node_graph_ids, desc_2d, desc_3d,
              W1, b1, W2, b2, gate_W, gate_b,
              fc1_W, fc1_b, fc2_W, fc2_b, fc3_W, fc3_b,
              bn1_g, bn1_b, bn2_g, bn2_b):
    src = edge_index[0]
    dst = edge_index[1]
    h = jax.nn.relu(_gcn_layer(x, src, dst, W1, b1))
    h = jax.nn.relu(_gcn_layer(h, src, dst, W2, b2))
    # dgl.mean_nodes readout
    counts = jax.ops.segment_sum(jnp.ones((N,), dtype=h.dtype), node_graph_ids, num_segments=B)
    hg = jax.ops.segment_sum(h, node_graph_ids, num_segments=B) / jnp.maximum(counts, 1.0)[:, None]
    gate_in_2d = jnp.concatenate([hg, desc_2d], axis=1)
    g2 = jax.nn.sigmoid(gate_in_2d @ gate_W.T + gate_b)
    v2 = g2 * desc_2d
    ones = jnp.ones((B, 1), dtype=hg.dtype)
    hg_aug = jnp.concatenate([hg, ones], axis=1)
    v2_aug = jnp.concatenate([v2, ones], axis=1)
    fusion = (hg_aug[:, :, None] * v2_aug[:, None, :]).reshape(B, -1)
    out = jax.nn.relu(_batchnorm(fusion @ fc1_W.T + fc1_b, bn1_g, bn1_b))
    # dropout is identity in deterministic reference
    out = jax.nn.relu(_batchnorm(out @ fc2_W.T + fc2_b, bn2_g, bn2_b))
    out = out @ fc3_W.T + fc3_b
    return out

if __name__ == "__main__":
    import jax
    _d = setup_inputs()
    print(jax.jit(kernel)(*tuple(_d.values())))

</pallas_src>

<mosaic_0001>
#map = affine_map<(d0, d1) -> (0, 0)>
#map1 = affine_map<(d0, d1) -> (0, 0, 0)>
module attributes {stable_mosaic.version = 14 : i64} {
  func.func @sc_agg(%arg0: i32, %arg1: i32, %arg2: memref<20480x16xf32, #tpu.memory_space<hbm>>, %arg3: memref<2x16x10240xi32, #tpu.memory_space<hbm>>, %arg4: memref<16x80x128xi32, #tpu.memory_space<hbm>>, %arg5: memref<640x16xf32, #tpu.memory_space<hbm>>, %arg6: memref<20480x16xf32, #tpu.memory_space<hbm>>, %arg7: memref<10240xi32, #tpu.memory_space<vmem>>, %arg8: memref<80x128xi32, #tpu.memory_space<vmem>>, %arg9: memref<8x128x16xf32, #tpu.memory_space<vmem>>, %arg10: memref<10240x16xf32, #tpu.memory_space<vmem_shared>>, %arg11: memref<!tpu.dma_semaphore, #tpu.memory_space<semaphore_mem>>, %arg12: memref<!tpu.dma_semaphore, #tpu.memory_space<semaphore_mem>>, %arg13: memref<!tpu.dma_semaphore, #tpu.memory_space<semaphore_mem>>, %arg14: memref<!tpu.dma_semaphore, #tpu.memory_space<semaphore_mem>>) attributes {dimension_semantics = [#tpu.dimension_semantics<core_parallel>, #tpu.dimension_semantics<subcore_parallel>], iteration_bounds = array<i64: 2, 16>, scalar_prefetch = 0 : i64, scratch_operands = 8 : i64, tpu.core_type = #tpu.core_type<sc_vector_subcore>, window_params = [{transform_indices = #map}, {transform_indices = #map1}, {transform_indices = #map1}, {transform_indices = #map}, {transform_indices = #map}]} {
    "tpu.region"() ({
      %run_scoped3A = tpu.sem_alloc : memref<!tpu.dma_semaphore, #tpu.memory_space<semaphore_mem>>
      %dma_start3A_99 = arith.constant 0 : i32
      %dma_start3A_100 = tpu.memref_slice %arg3[%arg0, %arg1, %dma_start3A_99] : memref<2x16x10240xi32, #tpu.memory_space<hbm>> -> memref<1x1x10240xi32, #tpu.memory_space<hbm>>
      %dma_start3A_101 = tpu.memref_squeeze %dma_start3A_100 : memref<1x1x10240xi32, #tpu.memory_space<hbm>> -> memref<10240xi32, #tpu.memory_space<hbm>>
      %dma_start3A_102 = arith.constant 0 : i32
      %dma_start3A_103 = tpu.memref_slice %arg3[%arg0, %arg1, %dma_start3A_102] : memref<2x16x10240xi32, #tpu.memory_space<hbm>> -> memref<1x1x10240xi32, #tpu.memory_space<hbm>>
      %dma_start3A_104 = tpu.memref_squeeze %dma_start3A_103 : memref<1x1x10240xi32, #tpu.memory_space<hbm>> -> memref<10240xi32, #tpu.memory_space<hbm>>
      tpu.enqueue_dma source(%dma_start3A_104 : memref<10240xi32, #tpu.memory_space<hbm>>) target(%arg7 : memref<10240xi32, #tpu.memory_space<vmem>>) target_semaphore(%run_scoped3A : memref<!tpu.dma_semaphore, #tpu.memory_space<semaphore_mem>>)
      %dma_wait3A_105 = arith.constant 0 : i32
      %dma_wait3A_106 = tpu.memref_slice %arg3[%arg0, %arg1, %dma_wait3A_105] : memref<2x16x10240xi32, #tpu.memory_space<hbm>> -> memref<1x1x10240xi32, #tpu.memory_space<hbm>>
      %dma_wait3A_107 = tpu.memref_squeeze %dma_wait3A_106 : memref<1x1x10240xi32, #tpu.memory_space<hbm>> -> memref<10240xi32, #tpu.memory_space<hbm>>
      %dma_wait3A_108 = arith.constant 0 : i32
      %dma_wait3A_109 = tpu.memref_slice %arg3[%arg0, %arg1, %dma_wait3A_108] : memref<2x16x10240xi32, #tpu.memory_space<hbm>> -> memref<1x1x10240xi32, #tpu.memory_space<hbm>>
      %dma_wait3A_110 = tpu.memref_squeeze %dma_wait3A_109 : memref<1x1x10240xi32, #tpu.memory_space<hbm>> -> memref<10240xi32, #tpu.memory_space<hbm>>
      tpu.wait_dma2 semaphore(%run_scoped3A : memref<!tpu.dma_semaphore, #tpu.memory_space<semaphore_mem>>) src(%dma_wait3A_110 : memref<10240xi32, #tpu.memory_space<hbm>>) dst(%arg7 : memref<10240xi32, #tpu.memory_space<vmem>>)
      tpu.yield
    }) : () -> ()
    "tpu.region"() ({
      %run_scoped3A = tpu.sem_alloc : memref<!tpu.dma_semaphore, #tpu.memory_space<semaphore_mem>>
      %dma_start3A_99 = arith.constant 0 : i32
      %dma_start3A_100 = arith.constant 0 : i32
      %dma_start3A_101 = tpu.memref_slice %arg4[%arg1, %dma_start3A_99, %dma_start3A_100] : memref<16x80x128xi32, #tpu.memory_space<hbm>> -> memref<1x80x128xi32, #tpu.memory_space<hbm>>
      %dma_start3A_102 = tpu.memref_squeeze %dma_start3A_101 : memref<1x80x128xi32, #tpu.memory_space<hbm>> -> memref<80x128xi32, #tpu.memory_space<hbm>>
      %dma_start3A_103 = arith.constant 0 : i32
      %dma_start3A_104 = arith.constant 0 : i32
      %dma_start3A_105 = tpu.memref_slice %arg4[%arg1, %dma_start3A_103, %dma_start3A_104] : memref<16x80x128xi32, #tpu.memory_space<hbm>> -> memref<1x80x128xi32, #tpu.memory_space<hbm>>
      %dma_start3A_106 = tpu.memref_squeeze %dma_start3A_105 : memref<1x80x128xi32, #tpu.memory_space<hbm>> -> memref<80x128xi32, #tpu.memory_space<hbm>>
      tpu.enqueue_dma source(%dma_start3A_106 : memref<80x128xi32, #tpu.memory_space<hbm>>) target(%arg8 : memref<80x128xi32, #tpu.memory_space<vmem>>) target_semaphore(%run_scoped3A : memref<!tpu.dma_semaphore, #tpu.memory_space<semaphore_mem>>)
      %dma_wait3A_107 = arith.constant 0 : i32
      %dma_wait3A_108 = arith.constant 0 : i32
      %dma_wait3A_109 = tpu.memref_slice %arg4[%arg1, %dma_wait3A_107, %dma_wait3A_108] : memref<16x80x128xi32, #tpu.memory_space<hbm>> -> memref<1x80x128xi32, #tpu.memory_space<hbm>>
      %dma_wait3A_110 = tpu.memref_squeeze %dma_wait3A_109 : memref<1x80x128xi32, #tpu.memory_space<hbm>> -> memref<80x128xi32, #tpu.memory_space<hbm>>
      %dma_wait3A_111 = arith.constant 0 : i32
      %dma_wait3A_112 = arith.constant 0 : i32
      %dma_wait3A_113 = tpu.memref_slice %arg4[%arg1, %dma_wait3A_111, %dma_wait3A_112] : memref<16x80x128xi32, #tpu.memory_space<hbm>> -> memref<1x80x128xi32, #tpu.memory_space<hbm>>
      %dma_wait3A_114 = tpu.memref_squeeze %dma_wait3A_113 : memref<1x80x128xi32, #tpu.memory_space<hbm>> -> memref<80x128xi32, #tpu.memory_space<hbm>>
      tpu.wait_dma2 semaphore(%run_scoped3A : memref<!tpu.dma_semaphore, #tpu.memory_space<semaphore_mem>>) src(%dma_wait3A_114 : memref<80x128xi32, #tpu.memory_space<hbm>>) dst(%arg8 : memref<80x128xi32, #tpu.memory_space<vmem>>)
      tpu.yield
    }) : () -> ()
    %mul3A = arith.constant 640 : i32
    %mul3A_0 = arith.muli %arg1, %mul3A : i32
    "tpu.region"() ({
      %run_scoped3A = tpu.sem_alloc : memref<!tpu.dma_semaphore, #tpu.memory_space<semaphore_mem>>
      %dma_start3A_99 = arith.constant 0 : i32
      %dma_start3A_100 = tpu.memref_slice %arg10[%mul3A_0, %dma_start3A_99] : memref<10240x16xf32, #tpu.memory_space<vmem_shared>> -> memref<640x16xf32, #tpu.memory_space<vmem_shared>>
      tpu.enqueue_dma source(%arg5 : memref<640x16xf32, #tpu.memory_space<hbm>>) target(%dma_start3A_100 : memref<640x16xf32, #tpu.memory_space<vmem_shared>>) target_semaphore(%run_scoped3A : memref<!tpu.dma_semaphore, #tpu.memory_space<semaphore_mem>>)
      %dma_wait3A_101 = arith.constant 0 : i32
      %dma_wait3A_102 = tpu.memref_slice %arg10[%mul3A_0, %dma_wait3A_101] : memref<10240x16xf32, #tpu.memory_space<vmem_shared>> -> memref<640x16xf32, #tpu.memory_space<vmem_shared>>
      tpu.wait_dma2 semaphore(%run_scoped3A : memref<!tpu.dma_semaphore, #tpu.memory_space<semaphore_mem>>) src(%arg5 : memref<640x16xf32, #tpu.memory_space<hbm>>) dst(%dma_wait3A_102 : memref<640x16xf32, #tpu.memory_space<vmem_shared>>)
      tpu.yield
    }) : () -> ()
    %barrier3A = arith.constant 0 : index
    tpu.barrier barrier_id(%barrier3A)
    %dma_start3A = arith.constant 0 : i32
    %dma_start3A_1 = arith.constant 0 : i32
    %dma_start3A_2 = arith.constant 0 : i32
    %dma_start3A_3 = tpu.memref_slice %arg9[%dma_start3A, %dma_start3A_1, %dma_start3A_2] : memref<8x128x16xf32, #tpu.memory_space<vmem>> -> memref<1x128x16xf32, #tpu.memory_space<vmem>>
    %dma_start3A_4 = tpu.memref_squeeze %dma_start3A_3 : memref<1x128x16xf32, #tpu.memory_space<vmem>> -> memref<128x16xf32, #tpu.memory_space<vmem>>
    %dma_start3A_5 = arith.constant 0 : i32
    %dma_start3A_6 = tpu.memref_slice %arg7[%dma_start3A_5] : memref<10240xi32, #tpu.memory_space<vmem>> -> memref<128xi32, #tpu.memory_space<vmem>>
    %dma_start3A_7 = arith.constant 0 : i32
    %dma_start3A_8 = arith.constant 0 : i32
    %dma_start3A_9 = tpu.memref_slice %arg2[%dma_start3A_7, %dma_start3A_8] : memref<20480x16xf32, #tpu.memory_space<hbm>> -> memref<20480x16xf32, #tpu.memory_space<hbm>>
    tpu.enqueue_indirect_dma source(%dma_start3A_9 : memref<20480x16xf32, #tpu.memory_space<hbm>>) target(%dma_start3A_4 : memref<128x16xf32, #tpu.memory_space<vmem>>) offsets(%dma_start3A_6 : memref<128xi32, #tpu.memory_space<vmem>>) semaphore(%arg11 : memref<!tpu.dma_semaphore, #tpu.memory_space<semaphore_mem>>)
    %dma_start3A_10 = arith.constant 1 : i32
    %dma_start3A_11 = arith.constant 0 : i32
    %dma_start3A_12 = arith.constant 0 : i32
    %dma_start3A_13 = tpu.memref_slice %arg9[%dma_start3A_10, %dma_start3A_11, %dma_start3A_12] : memref<8x128x16xf32, #tpu.memory_space<vmem>> -> memref<1x128x16xf32, #tpu.memory_space<vmem>>
    %dma_start3A_14 = tpu.memref_squeeze %dma_start3A_13 : memref<1x128x16xf32, #tpu.memory_space<vmem>> -> memref<128x16xf32, #tpu.memory_space<vmem>>
    %dma_start3A_15 = arith.constant 128 : i32
    %dma_start3A_16 = tpu.memref_slice %arg7[%dma_start3A_15] : memref<10240xi32, #tpu.memory_space<vmem>> -> memref<128xi32, #tpu.memory_space<vmem>>
    %dma_start3A_17 = arith.constant 0 : i32
    %dma_start3A_18 = arith.constant 0 : i32
    %dma_start3A_19 = tpu.memref_slice %arg2[%dma_start3A_17, %dma_start3A_18] : memref<20480x16xf32, #tpu.memory_space<hbm>> -> memref<20480x16xf32, #tpu.memory_space<hbm>>
    tpu.enqueue_indirect_dma source(%dma_start3A_19 : memref<20480x16xf32, #tpu.memory_space<hbm>>) target(%dma_start3A_14 : memref<128x16xf32, #tpu.memory_space<vmem>>) offsets(%dma_start3A_16 : memref<128xi32, #tpu.memory_space<vmem>>) semaphore(%arg11 : memref<!tpu.dma_semaphore, #tpu.memory_space<semaphore_mem>>)
    %dma_start3A_20 = arith.constant 2 : i32
    %dma_start3A_21 = arith.constant 0 : i32
    %dma_start3A_22 = arith.constant 0 : i32
    %dma_start3A_23 = tpu.memref_slice %arg9[%dma_start3A_20, %dma_start3A_21, %dma_start3A_22] : memref<8x128x16xf32, #tpu.memory_space<vmem>> -> memref<1x128x16xf32, #tpu.memory_space<vmem>>
    %dma_start3A_24 = tpu.memref_squeeze %dma_start3A_23 : memref<1x128x16xf32, #tpu.memory_space<vmem>> -> memref<128x16xf32, #tpu.memory_space<vmem>>
    %dma_start3A_25 = arith.constant 256 : i32
    %dma_start3A_26 = tpu.memref_slice %arg7[%dma_start3A_25] : memref<10240xi32, #tpu.memory_space<vmem>> -> memref<128xi32, #tpu.memory_space<vmem>>
    %dma_start3A_27 = arith.constant 0 : i32
    %dma_start3A_28 = arith.constant 0 : i32
    %dma_start3A_29 = tpu.memref_slice %arg2[%dma_start3A_27, %dma_start3A_28] : memref<20480x16xf32, #tpu.memory_space<hbm>> -> memref<20480x16xf32, #tpu.memory_space<hbm>>
    tpu.enqueue_indirect_dma source(%dma_start3A_29 : memref<20480x16xf32, #tpu.memory_space<hbm>>) target(%dma_start3A_24 : memref<128x16xf32, #tpu.memory_space<vmem>>) offsets(%dma_start3A_26 : memref<128xi32, #tpu.memory_space<vmem>>) semaphore(%arg11 : memref<!tpu.dma_semaphore, #tpu.memory_space<semaphore_mem>>)
    %dma_start3A_30 = arith.constant 3 : i32
    %dma_start3A_31 = arith.constant 0 : i32
    %dma_start3A_32 = arith.constant 0 : i32
    %dma_start3A_33 = tpu.memref_slice %arg9[%dma_start3A_30, %dma_start3A_31, %dma_start3A_32] : memref<8x128x16xf32, #tpu.memory_space<vmem>> -> memref<1x128x16xf32, #tpu.memory_space<vmem>>
    %dma_start3A_34 = tpu.memref_squeeze %dma_start3A_33 : memref<1x128x16xf32, #tpu.memory_space<vmem>> -> memref<128x16xf32, #tpu.memory_space<vmem>>
    %dma_start3A_35 = arith.constant 384 : i32
    %dma_start3A_36 = tpu.memref_slice %arg7[%dma_start3A_35] : memref<10240xi32, #tpu.memory_space<vmem>> -> memref<128xi32, #tpu.memory_space<vmem>>
    %dma_start3A_37 = arith.constant 0 : i32
    %dma_start3A_38 = arith.constant 0 : i32
    %dma_start3A_39 = tpu.memref_slice %arg2[%dma_start3A_37, %dma_start3A_38] : memref<20480x16xf32, #tpu.memory_space<hbm>> -> memref<20480x16xf32, #tpu.memory_space<hbm>>
    tpu.enqueue_indirect_dma source(%dma_start3A_39 : memref<20480x16xf32, #tpu.memory_space<hbm>>) target(%dma_start3A_34 : memref<128x16xf32, #tpu.memory_space<vmem>>) offsets(%dma_start3A_36 : memref<128xi32, #tpu.memory_space<vmem>>) semaphore(%arg11 : memref<!tpu.dma_semaphore, #tpu.memory_space<semaphore_mem>>)
    %scan3A = arith.constant 0 : i32
    %scan3A_40 = arith.constant 0 : i32
    %scan3A_41 = arith.constant 10 : i32
    %scan3A_42 = arith.addi %scan3A_40, %scan3A_41 : i32
    %scan3A_43 = arith.constant 1 : i32
    scf.for %scan3A_99 = %scan3A_40 to %scan3A_42 step %scan3A_43  : i32 {
      %mul3A_100 = arith.constant 2 : i32
      %mul3A_101 = arith.muli %scan3A_99, %mul3A_100 : i32
      %mul3A_102 = arith.constant 4 : i32
      %mul3A_103 = arith.muli %mul3A_101, %mul3A_102 : i32
      %add3A_104 = arith.constant 4 : i32
      %add3A_105 = arith.addi %mul3A_103, %add3A_104 : i32
      %gt3A = arith.constant 0 : i32
      %gt3A_106 = arith.cmpi sgt, %scan3A_99, %gt3A : i32
      %convert_element_type3A = arith.extui %gt3A_106 : i1 to i32
      %cond3A = arith.constant 0 : i32
      %cond3A_107 = arith.cmpi ne, %convert_element_type3A, %cond3A : i32
      scf.if %cond3A_107 {
        %sub3A = arith.constant 4 : i32
        %sub3A_424 = arith.subi %mul3A_103, %sub3A : i32
        %add3A_425 = arith.constant 0 : i32
        %add3A_426 = arith.addi %sub3A_424, %add3A_425 : i32
        %dma_wait3A_427 = arith.constant 4 : i32
        %dma_wait3A_428 = arith.constant 0 : i32
        %dma_wait3A_429 = arith.constant 0 : i32
        %dma_wait3A_430 = tpu.memref_slice %arg9[%dma_wait3A_427, %dma_wait3A_428, %dma_wait3A_429] : memref<8x128x16xf32, #tpu.memory_space<vmem>> -> memref<1x128x16xf32, #tpu.memory_space<vmem>>
        %dma_wait3A_431 = tpu.memref_squeeze %dma_wait3A_430 : memref<1x128x16xf32, #tpu.memory_space<vmem>> -> memref<128x16xf32, #tpu.memory_space<vmem>>
        %dma_wait3A_432 = arith.constant 0 : i32
        %dma_wait3A_433 = tpu.memref_slice %arg8[%add3A_426, %dma_wait3A_432] : memref<80x128xi32, #tpu.memory_space<vmem>> -> memref<1x128xi32, #tpu.memory_space<vmem>>
        %dma_wait3A_434 = tpu.memref_squeeze %dma_wait3A_433 : memref<1x128xi32, #tpu.memory_space<vmem>> -> memref<128xi32, #tpu.memory_space<vmem>>
        %dma_wait3A_435 = arith.constant 0 : i32
        %dma_wait3A_436 = arith.constant 0 : i32
        %dma_wait3A_437 = tpu.memref_slice %arg10[%dma_wait3A_435, %dma_wait3A_436] : memref<10240x16xf32, #tpu.memory_space<vmem_shared>> -> memref<10240x16xf32, #tpu.memory_space<vmem_shared>>
        tpu.wait_indirect_dma semaphore(%arg14 : memref<!tpu.dma_semaphore, #tpu.memory_space<semaphore_mem>>) src(%dma_wait3A_431 : memref<128x16xf32, #tpu.memory_space<vmem>>) dst(%dma_wait3A_437 : memref<10240x16xf32, #tpu.memory_space<vmem_shared>>)
        %add3A_438 = arith.constant 1 : i32
        %add3A_439 = arith.addi %sub3A_424, %add3A_438 : i32
        %dma_wait3A_440 = arith.constant 5 : i32
        %dma_wait3A_441 = arith.constant 0 : i32
        %dma_wait3A_442 = arith.constant 0 : i32
        %dma_wait3A_443 = tpu.memref_slice %arg9[%dma_wait3A_440, %dma_wait3A_441, %dma_wait3A_442] : memref<8x128x16xf32, #tpu.memory_space<vmem>> -> memref<1x128x16xf32, #tpu.memory_space<vmem>>
        %dma_wait3A_444 = tpu.memref_squeeze %dma_wait3A_443 : memref<1x128x16xf32, #tpu.memory_space<vmem>> -> memref<128x16xf32, #tpu.memory_space<vmem>>
        %dma_wait3A_445 = arith.constant 0 : i32
        %dma_wait3A_446 = tpu.memref_slice %arg8[%add3A_439, %dma_wait3A_445] : memref<80x128xi32, #tpu.memory_space<vmem>> -> memref<1x128xi32, #tpu.memory_space<vmem>>
        %dma_wait3A_447 = tpu.memref_squeeze %dma_wait3A_446 : memref<1x128xi32, #tpu.memory_space<vmem>> -> memref<128xi32, #tpu.memory_space<vmem>>
        %dma_wait3A_448 = arith.constant 0 : i32
        %dma_wait3A_449 = arith.constant 0 : i32
        %dma_wait3A_450 = tpu.memref_slice %arg10[%dma_wait3A_448, %dma_wait3A_449] : memref<10240x16xf32, #tpu.memory_space<vmem_shared>> -> memref<10240x16xf32, #tpu.memory_space<vmem_shared>>
        tpu.wait_indirect_dma semaphore(%arg14 : memref<!tpu.dma_semaphore, #tpu.memory_space<semaphore_mem>>) src(%dma_wait3A_444 : memref<128x16xf32, #tpu.memory_space<vmem>>) dst(%dma_wait3A_450 : memref<10240x16xf32, #tpu.memory_space<vmem_shared>>)
        %add3A_451 = arith.constant 2 : i32
        %add3A_452 = arith.addi %sub3A_424, %add3A_451 : i32
        %dma_wait3A_453 = arith.constant 6 : i32
        %dma_wait3A_454 = arith.constant 0 : i32
        %dma_wait3A_455 = arith.constant 0 : i32
        %dma_wait3A_456 = tpu.memref_slice %arg9[%dma_wait3A_453, %dma_wait3A_454, %dma_wait3A_455] : memref<8x128x16xf32, #tpu.memory_space<vmem>> -> memref<1x128x16xf32, #tpu.memory_space<vmem>>
        %dma_wait3A_457 = tpu.memref_squeeze %dma_wait3A_456 : memref<1x128x16xf32, #tpu.memory_space<vmem>> -> memref<128x16xf32, #tpu.memory_space<vmem>>
        %dma_wait3A_458 = arith.constant 0 : i32
        %dma_wait3A_459 = tpu.memref_slice %arg8[%add3A_452, %dma_wait3A_458] : memref<80x128xi32, #tpu.memory_space<vmem>> -> memref<1x128xi32, #tpu.memory_space<vmem>>
        %dma_wait3A_460 = tpu.memref_squeeze %dma_wait3A_459 : memref<1x128xi32, #tpu.memory_space<vmem>> -> memref<128xi32, #tpu.memory_space<vmem>>
        %dma_wait3A_461 = arith.constant 0 : i32
        %dma_wait3A_462 = arith.constant 0 : i32
        %dma_wait3A_463 = tpu.memref_slice %arg10[%dma_wait3A_461, %dma_wait3A_462] : memref<10240x16xf32, #tpu.memory_space<vmem_shared>> -> memref<10240x16xf32, #tpu.memory_space<vmem_shared>>
        tpu.wait_indirect_dma semaphore(%arg14 : memref<!tpu.dma_semaphore, #tpu.memory_space<semaphore_mem>>) src(%dma_wait3A_457 : memref<128x16xf32, #tpu.memory_space<vmem>>) dst(%dma_wait3A_463 : memref<10240x16xf32, #tpu.memory_space<vmem_shared>>)
        %add3A_464 = arith.constant 3 : i32
        %add3A_465 = arith.addi %sub3A_424, %add3A_464 : i32
        %dma_wait3A_466 = arith.constant 7 : i32
        %dma_wait3A_467 = arith.constant 0 : i32
        %dma_wait3A_468 = arith.constant 0 : i32
        %dma_wait3A_469 = tpu.memref_slice %arg9[%dma_wait3A_466, %dma_wait3A_467, %dma_wait3A_468] : memref<8x128x16xf32, #tpu.memory_space<vmem>> -> memref<1x128x16xf32, #tpu.memory_space<vmem>>
        %dma_wait3A_470 = tpu.memref_squeeze %dma_wait3A_469 : memref<1x128x16xf32, #tpu.memory_space<vmem>> -> memref<128x16xf32, #tpu.memory_space<vmem>>
        %dma_wait3A_471 = arith.constant 0 : i32
        %dma_wait3A_472 = tpu.memref_slice %arg8[%add3A_465, %dma_wait3A_471] : memref<80x128xi32, #tpu.memory_space<vmem>> -> memref<1x128xi32, #tpu.memory_space<vmem>>
        %dma_wait3A_473 = tpu.memref_squeeze %dma_wait3A_472 : memref<1x128xi32, #tpu.memory_space<vmem>> -> memref<128xi32, #tpu.memory_space<vmem>>
        %dma_wait3A_474 = arith.constant 0 : i32
        %dma_wait3A_475 = arith.constant 0 : i32
        %dma_wait3A_476 = tpu.memref_slice %arg10[%dma_wait3A_474, %dma_wait3A_475] : memref<10240x16xf32, #tpu.memory_space<vmem_shared>> -> memref<10240x16xf32, #tpu.memory_space<vmem_shared>>
        tpu.wait_indirect_dma semaphore(%arg14 : memref<!tpu.dma_semaphore, #tpu.memory_space<semaphore_mem>>) src(%dma_wait3A_470 : memref<128x16xf32, #tpu.memory_space<vmem>>) dst(%dma_wait3A_476 : memref<10240x16xf32, #tpu.memory_space<vmem_shared>>)
      } else {
      }
      %add3A_108 = arith.constant 0 : i32
      %add3A_109 = arith.addi %add3A_105, %add3A_108 : i32
      %mul3A_110 = arith.constant 128 : i32
      %mul3A_111 = arith.muli %add3A_109, %mul3A_110 : i32
      %dma_start3A_112 = arith.constant 4 : i32
      %dma_start3A_113 = arith.constant 0 : i32
      %dma_start3A_114 = arith.constant 0 : i32
      %dma_start3A_115 = tpu.memref_slice %arg9[%dma_start3A_112, %dma_start3A_113, %dma_start3A_114] : memref<8x128x16xf32, #tpu.memory_space<vmem>> -> memref<1x128x16xf32, #tpu.memory_space<vmem>>
      %dma_start3A_116 = tpu.memref_squeeze %dma_start3A_115 : memref<1x128x16xf32, #tpu.memory_space<vmem>> -> memref<128x16xf32, #tpu.memory_space<vmem>>
      %dma_start3A_117 = tpu.memref_slice %arg7[%mul3A_111] : memref<10240xi32, #tpu.memory_space<vmem>> -> memref<128xi32, #tpu.memory_space<vmem>>
      %dma_start3A_118 = arith.constant 0 : i32
      %dma_start3A_119 = arith.constant 0 : i32
      %dma_start3A_120 = tpu.memref_slice %arg2[%dma_start3A_118, %dma_start3A_119] : memref<20480x16xf32, #tpu.memory_space<hbm>> -> memref<20480x16xf32, #tpu.memory_space<hbm>>
      tpu.enqueue_indirect_dma source(%dma_start3A_120 : memref<20480x16xf32, #tpu.memory_space<hbm>>) target(%dma_start3A_116 : memref<128x16xf32, #tpu.memory_space<vmem>>) offsets(%dma_start3A_117 : memref<128xi32, #tpu.memory_space<vmem>>) semaphore(%arg12 : memref<!tpu.dma_semaphore, #tpu.memory_space<semaphore_mem>>)
      %add3A_121 = arith.constant 1 : i32
      %add3A_122 = arith.addi %add3A_105, %add3A_121 : i32
      %mul3A_123 = arith.constant 128 : i32
      %mul3A_124 = arith.muli %add3A_122, %mul3A_123 : i32
      %dma_start3A_125 = arith.constant 5 : i32
      %dma_start3A_126 = arith.constant 0 : i32
      %dma_start3A_127 = arith.constant 0 : i32
      %dma_start3A_128 = tpu.memref_slice %arg9[%dma_start3A_125, %dma_start3A_126, %dma_start3A_127] : memref<8x128x16xf32, #tpu.memory_space<vmem>> -> memref<1x128x16xf32, #tpu.memory_space<vmem>>
      %dma_start3A_129 = tpu.memref_squeeze %dma_start3A_128 : memref<1x128x16xf32, #tpu.memory_space<vmem>> -> memref<128x16xf32, #tpu.memory_space<vmem>>
      %dma_start3A_130 = tpu.memref_slice %arg7[%mul3A_124] : memref<10240xi32, #tpu.memory_space<vmem>> -> memref<128xi32, #tpu.memory_space<vmem>>
      %dma_start3A_131 = arith.constant 0 : i32
      %dma_start3A_132 = arith.constant 0 : i32
      %dma_start3A_133 = tpu.memref_slice %arg2[%dma_start3A_131, %dma_start3A_132] : memref<20480x16xf32, #tpu.memory_space<hbm>> -> memref<20480x16xf32, #tpu.memory_space<hbm>>
      tpu.enqueue_indirect_dma source(%dma_start3A_133 : memref<20480x16xf32, #tpu.memory_space<hbm>>) target(%dma_start3A_129 : memref<128x16xf32, #tpu.memory_space<vmem>>) offsets(%dma_start3A_130 : memref<128xi32, #tpu.memory_space<vmem>>) semaphore(%arg12 : memref<!tpu.dma_semaphore, #tpu.memory_space<semaphore_mem>>)
      %add3A_134 = arith.constant 2 : i32
      %add3A_135 = arith.addi %add3A_105, %add3A_134 : i32
      %mul3A_136 = arith.constant 128 : i32
      %mul3A_137 = arith.muli %add3A_135, %mul3A_136 : i32
      %dma_start3A_138 = arith.constant 6 : i32
      %dma_start3A_139 = arith.constant 0 : i32
      %dma_start3A_140 = arith.constant 0 : i32
      %dma_start3A_141 = tpu.memref_slice %arg9[%dma_start3A_138, %dma_start3A_139, %dma_start3A_140] : memref<8x128x16xf32, #tpu.memory_space<vmem>> -> memref<1x128x16xf32, #tpu.memory_space<vmem>>
      %dma_start3A_142 = tpu.memref_squeeze %dma_start3A_141 : memref<1x128x16xf32, #tpu.memory_space<vmem>> -> memref<128x16xf32, #tpu.memory_space<vmem>>
      %dma_start3A_143 = tpu.memref_slice %arg7[%mul3A_137] : memref<10240xi32, #tpu.memory_space<vmem>> -> memref<128xi32, #tpu.memory_space<vmem>>
      %dma_start3A_144 = arith.constant 0 : i32
      %dma_start3A_145 = arith.constant 0 : i32
      %dma_start3A_146 = tpu.memref_slice %arg2[%dma_start3A_144, %dma_start3A_145] : memref<20480x16xf32, #tpu.memory_space<hbm>> -> memref<20480x16xf32, #tpu.memory_space<hbm>>
      tpu.enqueue_indirect_dma source(%dma_start3A_146 : memref<20480x16xf32, #tpu.memory_space<hbm>>) target(%dma_start3A_142 : memref<128x16xf32, #tpu.memory_space<vmem>>) offsets(%dma_start3A_143 : memref<128xi32, #tpu.memory_space<vmem>>) semaphore(%arg12 : memref<!tpu.dma_semaphore, #tpu.memory_space<semaphore_mem>>)
      %add3A_147 = arith.constant 3 : i32
      %add3A_148 = arith.addi %add3A_105, %add3A_147 : i32
      %mul3A_149 = arith.constant 128 : i32
      %mul3A_150 = arith.muli %add3A_148, %mul3A_149 : i32
      %dma_start3A_151 = arith.constant 7 : i32
      %dma_start3A_152 = arith.constant 0 : i32
      %dma_start3A_153 = arith.constant 0 : i32
      %dma_start3A_154 = tpu.memref_slice %arg9[%dma_start3A_151, %dma_start3A_152, %dma_start3A_153] : memref<8x128x16xf32, #tpu.memory_space<vmem>> -> memref<1x128x16xf32, #tpu.memory_space<vmem>>
      %dma_start3A_155 = tpu.memref_squeeze %dma_start3A_154 : memref<1x128x16xf32, #tpu.memory_space<vmem>> -> memref<128x16xf32, #tpu.memory_space<vmem>>
      %dma_start3A_156 = tpu.memref_slice %arg7[%mul3A_150] : memref<10240xi32, #tpu.memory_space<vmem>> -> memref<128xi32, #tpu.memory_space<vmem>>
      %dma_start3A_157 = arith.constant 0 : i32
      %dma_start3A_158 = arith.constant 0 : i32
      %dma_start3A_159 = tpu.memref_slice %arg2[%dma_start3A_157, %dma_start3A_158] : memref<20480x16xf32, #tpu.memory_space<hbm>> -> memref<20480x16xf32, #tpu.memory_space<hbm>>
      tpu.enqueue_indirect_dma source(%dma_start3A_159 : memref<20480x16xf32, #tpu.memory_space<hbm>>) target(%dma_start3A_155 : memref<128x16xf32, #tpu.memory_space<vmem>>) offsets(%dma_start3A_156 : memref<128xi32, #tpu.memory_space<vmem>>) semaphore(%arg12 : memref<!tpu.dma_semaphore, #tpu.memory_space<semaphore_mem>>)
      %add3A_160 = arith.constant 0 : i32
      %add3A_161 = arith.addi %mul3A_103, %add3A_160 : i32
      %mul3A_162 = arith.constant 128 : i32
      %mul3A_163 = arith.muli %add3A_161, %mul3A_162 : i32
      %dma_wait3A_164 = arith.constant 0 : i32
      %dma_wait3A_165 = arith.constant 0 : i32
      %dma_wait3A_166 = arith.constant 0 : i32
      %dma_wait3A_167 = tpu.memref_slice %arg9[%dma_wait3A_164, %dma_wait3A_165, %dma_wait3A_166] : memref<8x128x16xf32, #tpu.memory_space<vmem>> -> memref<1x128x16xf32, #tpu.memory_space<vmem>>
      %dma_wait3A_168 = tpu.memref_squeeze %dma_wait3A_167 : memref<1x128x16xf32, #tpu.memory_space<vmem>> -> memref<128x16xf32, #tpu.memory_space<vmem>>
      %dma_wait3A_169 = tpu.memref_slice %arg7[%mul3A_163] : memref<10240xi32, #tpu.memory_space<vmem>> -> memref<128xi32, #tpu.memory_space<vmem>>
      %dma_wait3A_170 = arith.constant 0 : i32
      %dma_wait3A_171 = arith.constant 0 : i32
      %dma_wait3A_172 = tpu.memref_slice %arg2[%dma_wait3A_170, %dma_wait3A_171] : memref<20480x16xf32, #tpu.memory_space<hbm>> -> memref<20480x16xf32, #tpu.memory_space<hbm>>
      tpu.wait_indirect_dma semaphore(%arg11 : memref<!tpu.dma_semaphore, #tpu.memory_space<semaphore_mem>>) src(%dma_wait3A_172 : memref<20480x16xf32, #tpu.memory_space<hbm>>) dst(%dma_wait3A_168 : memref<128x16xf32, #tpu.memory_space<vmem>>)
      %add3A_173 = arith.constant 1 : i32
      %add3A_174 = arith.addi %mul3A_103, %add3A_173 : i32
      %mul3A_175 = arith.constant 128 : i32
      %mul3A_176 = arith.muli %add3A_174, %mul3A_175 : i32
      %dma_wait3A_177 = arith.constant 1 : i32
      %dma_wait3A_178 = arith.constant 0 : i32
      %dma_wait3A_179 = arith.constant 0 : i32
      %dma_wait3A_180 = tpu.memref_slice %arg9[%dma_wait3A_177, %dma_wait3A_178, %dma_wait3A_179] : memref<8x128x16xf32, #tpu.memory_space<vmem>> -> memref<1x128x16xf32, #tpu.memory_space<vmem>>
      %dma_wait3A_181 = tpu.memref_squeeze %dma_wait3A_180 : memref<1x128x16xf32, #tpu.memory_space<vmem>> -> memref<128x16xf32, #tpu.memory_space<vmem>>
      %dma_wait3A_182 = tpu.memref_slice %arg7[%mul3A_176] : memref<10240xi32, #tpu.memory_space<vmem>> -> memref<128xi32, #tpu.memory_space<vmem>>
      %dma_wait3A_183 = arith.constant 0 : i32
      %dma_wait3A_184 = arith.constant 0 : i32
      %dma_wait3A_185 = tpu.memref_slice %arg2[%dma_wait3A_183, %dma_wait3A_184] : memref<20480x16xf32, #tpu.memory_space<hbm>> -> memref<20480x16xf32, #tpu.memory_space<hbm>>
      tpu.wait_indirect_dma semaphore(%arg11 : memref<!tpu.dma_semaphore, #tpu.memory_space<semaphore_mem>>) src(%dma_wait3A_185 : memref<20480x16xf32, #tpu.memory_space<hbm>>) dst(%dma_wait3A_181 : memref<128x16xf32, #tpu.memory_space<vmem>>)
      %add3A_186 = arith.constant 2 : i32
      %add3A_187 = arith.addi %mul3A_103, %add3A_186 : i32
      %mul3A_188 = arith.constant 128 : i32
      %mul3A_189 = arith.muli %add3A_187, %mul3A_188 : i32
      %dma_wait3A_190 = arith.constant 2 : i32
      %dma_wait3A_191 = arith.constant 0 : i32
      %dma_wait3A_192 = arith.constant 0 : i32
      %dma_wait3A_193 = tpu.memref_slice %arg9[%dma_wait3A_190, %dma_wait3A_191, %dma_wait3A_192] : memref<8x128x16xf32, #tpu.memory_space<vmem>> -> memref<1x128x16xf32, #tpu.memory_space<vmem>>
      %dma_wait3A_194 = tpu.memref_squeeze %dma_wait3A_193 : memref<1x128x16xf32, #tpu.memory_space<vmem>> -> memref<128x16xf32, #tpu.memory_space<vmem>>
      %dma_wait3A_195 = tpu.memref_slice %arg7[%mul3A_189] : memref<10240xi32, #tpu.memory_space<vmem>> -> memref<128xi32, #tpu.memory_space<vmem>>
      %dma_wait3A_196 = arith.constant 0 : i32
      %dma_wait3A_197 = arith.constant 0 : i32
      %dma_wait3A_198 = tpu.memref_slice %arg2[%dma_wait3A_196, %dma_wait3A_197] : memref<20480x16xf32, #tpu.memory_space<hbm>> -> memref<20480x16xf32, #tpu.memory_space<hbm>>
      tpu.wait_indirect_dma semaphore(%arg11 : memref<!tpu.dma_semaphore, #tpu.memory_space<semaphore_mem>>) src(%dma_wait3A_198 : memref<20480x16xf32, #tpu.memory_space<hbm>>) dst(%dma_wait3A_194 : memref<128x16xf32, #tpu.memory_space<vmem>>)
      %add3A_199 = arith.constant 3 : i32
      %add3A_200 = arith.addi %mul3A_103, %add3A_199 : i32
      %mul3A_201 = arith.constant 128 : i32
      %mul3A_202 = arith.muli %add3A_200, %mul3A_201 : i32
      %dma_wait3A_203 = arith.constant 3 : i32
      %dma_wait3A_204 = arith.constant 0 : i32
      %dma_wait3A_205 = arith.constant 0 : i32
      %dma_wait3A_206 = tpu.memref_slice %arg9[%dma_wait3A_203, %dma_wait3A_204, %dma_wait3A_205] : memref<8x128x16xf32, #tpu.memory_space<vmem>> -> memref<1x128x16xf32, #tpu.memory_space<vmem>>
      %dma_wait3A_207 = tpu.memref_squeeze %dma_wait3A_206 : memref<1x128x16xf32, #tpu.memory_space<vmem>> -> memref<128x16xf32, #tpu.memory_space<vmem>>
      %dma_wait3A_208 = tpu.memref_slice %arg7[%mul3A_202] : memref<10240xi32, #tpu.memory_space<vmem>> -> memref<128xi32, #tpu.memory_space<vmem>>
      %dma_wait3A_209 = arith.constant 0 : i32
      %dma_wait3A_210 = arith.constant 0 : i32
      %dma_wait3A_211 = tpu.memref_slice %arg2[%dma_wait3A_209, %dma_wait3A_210] : memref<20480x16xf32, #tpu.memory_space<hbm>> -> memref<20480x16xf32, #tpu.memory_space<hbm>>
      tpu.wait_indirect_dma semaphore(%arg11 : memref<!tpu.dma_semaphore, #tpu.memory_space<semaphore_mem>>) src(%dma_wait3A_211 : memref<20480x16xf32, #tpu.memory_space<hbm>>) dst(%dma_wait3A_207 : memref<128x16xf32, #tpu.memory_space<vmem>>)
      %add3A_212 = arith.constant 0 : i32
      %add3A_213 = arith.addi %mul3A_103, %add3A_212 : i32
      %dma_start3A_214 = arith.constant 0 : i32
      %dma_start3A_215 = arith.constant 0 : i32
      %dma_start3A_216 = arith.constant 0 : i32
      %dma_start3A_217 = tpu.memref_slice %arg9[%dma_start3A_214, %dma_start3A_215, %dma_start3A_216] : memref<8x128x16xf32, #tpu.memory_space<vmem>> -> memref<1x128x16xf32, #tpu.memory_space<vmem>>
      %dma_start3A_218 = tpu.memref_squeeze %dma_start3A_217 : memref<1x128x16xf32, #tpu.memory_space<vmem>> -> memref<128x16xf32, #tpu.memory_space<vmem>>
      %dma_start3A_219 = arith.constant 0 : i32
      %dma_start3A_220 = tpu.memref_slice %arg8[%add3A_213, %dma_start3A_219] : memref<80x128xi32, #tpu.memory_space<vmem>> -> memref<1x128xi32, #tpu.memory_space<vmem>>
      %dma_start3A_221 = tpu.memref_squeeze %dma_start3A_220 : memref<1x128xi32, #tpu.memory_space<vmem>> -> memref<128xi32, #tpu.memory_space<vmem>>
      %dma_start3A_222 = arith.constant 0 : i32
      %dma_start3A_223 = arith.constant 0 : i32
      %dma_start3A_224 = tpu.memref_slice %arg10[%dma_start3A_222, %dma_start3A_223] : memref<10240x16xf32, #tpu.memory_space<vmem_shared>> -> memref<10240x16xf32, #tpu.memory_space<vmem_shared>>
      tpu.enqueue_indirect_dma source(%dma_start3A_218 : memref<128x16xf32, #tpu.memory_space<vmem>>) target(%dma_start3A_224 : memref<10240x16xf32, #tpu.memory_space<vmem_shared>>) offsets(%dma_start3A_221 : memref<128xi32, #tpu.memory_space<vmem>>) semaphore(%arg13 : memref<!tpu.dma_semaphore, #tpu.memory_space<semaphore_mem>>) {add = true}
      %add3A_225 = arith.constant 1 : i32
      %add3A_226 = arith.addi %mul3A_103, %add3A_225 : i32
      %dma_start3A_227 = arith.constant 1 : i32
      %dma_start3A_228 = arith.constant 0 : i32
      %dma_start3A_229 = arith.constant 0 : i32
      %dma_start3A_230 = tpu.memref_slice %arg9[%dma_start3A_227, %dma_start3A_228, %dma_start3A_229] : memref<8x128x16xf32, #tpu.memory_space<vmem>> -> memref<1x128x16xf32, #tpu.memory_space<vmem>>
      %dma_start3A_231 = tpu.memref_squeeze %dma_start3A_230 : memref<1x128x16xf32, #tpu.memory_space<vmem>> -> memref<128x16xf32, #tpu.memory_space<vmem>>
      %dma_start3A_232 = arith.constant 0 : i32
      %dma_start3A_233 = tpu.memref_slice %arg8[%add3A_226, %dma_start3A_232] : memref<80x128xi32, #tpu.memory_space<vmem>> -> memref<1x128xi32, #tpu.memory_space<vmem>>
      %dma_start3A_234 = tpu.memref_squeeze %dma_start3A_233 : memref<1x128xi32, #tpu.memory_space<vmem>> -> memref<128xi32, #tpu.memory_space<vmem>>
      %dma_start3A_235 = arith.constant 0 : i32
      %dma_start3A_236 = arith.constant 0 : i32
      %dma_start3A_237 = tpu.memref_slice %arg10[%dma_start3A_235, %dma_start3A_236] : memref<10240x16xf32, #tpu.memory_space<vmem_shared>> -> memref<10240x16xf32, #tpu.memory_space<vmem_shared>>
      tpu.enqueue_indirect_dma source(%dma_start3A_231 : memref<128x16xf32, #tpu.memory_space<vmem>>) target(%dma_start3A_237 : memref<10240x16xf32, #tpu.memory_space<vmem_shared>>) offsets(%dma_start3A_234 : memref<128xi32, #tpu.memory_space<vmem>>) semaphore(%arg13 : memref<!tpu.dma_semaphore, #tpu.memory_space<semaphore_mem>>) {add = true}
      %add3A_238 = arith.constant 2 : i32
      %add3A_239 = arith.addi %mul3A_103, %add3A_238 : i32
      %dma_start3A_240 = arith.constant 2 : i32
      %dma_start3A_241 = arith.constant 0 : i32
      %dma_start3A_242 = arith.constant 0 : i32
      %dma_start3A_243 = tpu.memref_slice %arg9[%dma_start3A_240, %dma_start3A_241, %dma_start3A_242] : memref<8x128x16xf32, #tpu.memory_space<vmem>> -> memref<1x128x16xf32, #tpu.memory_space<vmem>>
      %dma_start3A_244 = tpu.memref_squeeze %dma_start3A_243 : memref<1x128x16xf32, #tpu.memory_space<vmem>> -> memref<128x16xf32, #tpu.memory_space<vmem>>
      %dma_start3A_245 = arith.constant 0 : i32
      %dma_start3A_246 = tpu.memref_slice %arg8[%add3A_239, %dma_start3A_245] : memref<80x128xi32, #tpu.memory_space<vmem>> -> memref<1x128xi32, #tpu.memory_space<vmem>>
      %dma_start3A_247 = tpu.memref_squeeze %dma_start3A_246 : memref<1x128xi32, #tpu.memory_space<vmem>> -> memref<128xi32, #tpu.memory_space<vmem>>
      %dma_start3A_248 = arith.constant 0 : i32
      %dma_start3A_249 = arith.constant 0 : i32
      %dma_start3A_250 = tpu.memref_slice %arg10[%dma_start3A_248, %dma_start3A_249] : memref<10240x16xf32, #tpu.memory_space<vmem_shared>> -> memref<10240x16xf32, #tpu.memory_space<vmem_shared>>
      tpu.enqueue_indirect_dma source(%dma_start3A_244 : memref<128x16xf32, #tpu.memory_space<vmem>>) target(%dma_start3A_250 : memref<10240x16xf32, #tpu.memory_space<vmem_shared>>) offsets(%dma_start3A_247 : memref<128xi32, #tpu.memory_space<vmem>>) semaphore(%arg13 : memref<!tpu.dma_semaphore, #tpu.memory_space<semaphore_mem>>) {add = true}
      %add3A_251 = arith.constant 3 : i32
      %add3A_252 = arith.addi %mul3A_103, %add3A_251 : i32
      %dma_start3A_253 = arith.constant 3 : i32
      %dma_start3A_254 = arith.constant 0 : i32
      %dma_start3A_255 = arith.constant 0 : i32
      %dma_start3A_256 = tpu.memref_slice %arg9[%dma_start3A_253, %dma_start3A_254, %dma_start3A_255] : memref<8x128x16xf32, #tpu.memory_space<vmem>> -> memref<1x128x16xf32, #tpu.memory_space<vmem>>
      %dma_start3A_257 = tpu.memref_squeeze %dma_start3A_256 : memref<1x128x16xf32, #tpu.memory_space<vmem>> -> memref<128x16xf32, #tpu.memory_space<vmem>>
      %dma_start3A_258 = arith.constant 0 : i32
      %dma_start3A_259 = tpu.memref_slice %arg8[%add3A_252, %dma_start3A_258] : memref<80x128xi32, #tpu.memory_space<vmem>> -> memref<1x128xi32, #tpu.memory_space<vmem>>
      %dma_start3A_260 = tpu.memref_squeeze %dma_start3A_259 : memref<1x128xi32, #tpu.memory_space<vmem>> -> memref<128xi32, #tpu.memory_space<vmem>>
      %dma_start3A_261 = arith.constant 0 : i32
      %dma_start3A_262 = arith.constant 0 : i32
      %dma_start3A_263 = tpu.memref_slice %arg10[%dma_start3A_261, %dma_start3A_262] : memref<10240x16xf32, #tpu.memory_space<vmem_shared>> -> memref<10240x16xf32, #tpu.memory_space<vmem_shared>>
      tpu.enqueue_indirect_dma source(%dma_start3A_257 : memref<128x16xf32, #tpu.memory_space<vmem>>) target(%dma_start3A_263 : memref<10240x16xf32, #tpu.memory_space<vmem_shared>>) offsets(%dma_start3A_260 : memref<128xi32, #tpu.memory_space<vmem>>) semaphore(%arg13 : memref<!tpu.dma_semaphore, #tpu.memory_space<semaphore_mem>>) {add = true}
      %add3A_264 = arith.constant 0 : i32
      %add3A_265 = arith.addi %add3A_105, %add3A_264 : i32
      %mul3A_266 = arith.constant 128 : i32
      %mul3A_267 = arith.muli %add3A_265, %mul3A_266 : i32
      %dma_wait3A_268 = arith.constant 4 : i32
      %dma_wait3A_269 = arith.constant 0 : i32
      %dma_wait3A_270 = arith.constant 0 : i32
      %dma_wait3A_271 = tpu.memref_slice %arg9[%dma_wait3A_268, %dma_wait3A_269, %dma_wait3A_270] : memref<8x128x16xf32, #tpu.memory_space<vmem>> -> memref<1x128x16xf32, #tpu.memory_space<vmem>>
      %dma_wait3A_272 = tpu.memref_squeeze %dma_wait3A_271 : memref<1x128x16xf32, #tpu.memory_space<vmem>> -> memref<128x16xf32, #tpu.memory_space<vmem>>
      %dma_wait3A_273 = tpu.memref_slice %arg7[%mul3A_267] : memref<10240xi32, #tpu.memory_space<vmem>> -> memref<128xi32, #tpu.memory_space<vmem>>
      %dma_wait3A_274 = arith.constant 0 : i32
      %dma_wait3A_275 = arith.constant 0 : i32
      %dma_wait3A_276 = tpu.memref_slice %arg2[%dma_wait3A_274, %dma_wait3A_275] : memref<20480x16xf32, #tpu.memory_space<hbm>> -> memref<20480x16xf32, #tpu.memory_space<hbm>>
      tpu.wait_indirect_dma semaphore(%arg12 : memref<!tpu.dma_semaphore, #tpu.memory_space<semaphore_mem>>) src(%dma_wait3A_276 : memref<20480x16xf32, #tpu.memory_space<hbm>>) dst(%dma_wait3A_272 : memref<128x16xf32, #tpu.memory_space<vmem>>)
      %add3A_277 = arith.constant 1 : i32
      %add3A_278 = arith.addi %add3A_105, %add3A_277 : i32
      %mul3A_279 = arith.constant 128 : i32
      %mul3A_280 = arith.muli %add3A_278, %mul3A_279 : i32
      %dma_wait3A_281 = arith.constant 5 : i32
      %dma_wait3A_282 = arith.constant 0 : i32
      %dma_wait3A_283 = arith.constant 0 : i32
      %dma_wait3A_284 = tpu.memref_slice %arg9[%dma_wait3A_281, %dma_wait3A_282, %dma_wait3A_283] : memref<8x128x16xf32, #tpu.memory_space<vmem>> -> memref<1x128x16xf32, #tpu.memory_space<vmem>>
      %dma_wait3A_285 = tpu.memref_squeeze %dma_wait3A_284 : memref<1x128x16xf32, #tpu.memory_space<vmem>> -> memref<128x16xf32, #tpu.memory_space<vmem>>
      %dma_wait3A_286 = tpu.memref_slice %arg7[%mul3A_280] : memref<10240xi32, #tpu.memory_space<vmem>> -> memref<128xi32, #tpu.memory_space<vmem>>
      %dma_wait3A_287 = arith.constant 0 : i32
      %dma_wait3A_288 = arith.constant 0 : i32
      %dma_wait3A_289 = tpu.memref_slice %arg2[%dma_wait3A_287, %dma_wait3A_288] : memref<20480x16xf32, #tpu.memory_space<hbm>> -> memref<20480x16xf32, #tpu.memory_space<hbm>>
      tpu.wait_indirect_dma semaphore(%arg12 : memref<!tpu.dma_semaphore, #tpu.memory_space<semaphore_mem>>) src(%dma_wait3A_289 : memref<20480x16xf32, #tpu.memory_space<hbm>>) dst(%dma_wait3A_285 : memref<128x16xf32, #tpu.memory_space<vmem>>)
      %add3A_290 = arith.constant 2 : i32
      %add3A_291 = arith.addi %add3A_105, %add3A_290 : i32
      %mul3A_292 = arith.constant 128 : i32
      %mul3A_293 = arith.muli %add3A_291, %mul3A_292 : i32
      %dma_wait3A_294 = arith.constant 6 : i32
      %dma_wait3A_295 = arith.constant 0 : i32
      %dma_wait3A_296 = arith.constant 0 : i32
      %dma_wait3A_297 = tpu.memref_slice %arg9[%dma_wait3A_294, %dma_wait3A_295, %dma_wait3A_296] : memref<8x128x16xf32, #tpu.memory_space<vmem>> -> memref<1x128x16xf32, #tpu.memory_space<vmem>>
      %dma_wait3A_298 = tpu.memref_squeeze %dma_wait3A_297 : memref<1x128x16xf32, #tpu.memory_space<vmem>> -> memref<128x16xf32, #tpu.memory_space<vmem>>
      %dma_wait3A_299 = tpu.memref_slice %arg7[%mul3A_293] : memref<10240xi32, #tpu.memory_space<vmem>> -> memref<128xi32, #tpu.memory_space<vmem>>
      %dma_wait3A_300 = arith.constant 0 : i32
      %dma_wait3A_301 = arith.constant 0 : i32
      %dma_wait3A_302 = tpu.memref_slice %arg2[%dma_wait3A_300, %dma_wait3A_301] : memref<20480x16xf32, #tpu.memory_space<hbm>> -> memref<20480x16xf32, #tpu.memory_space<hbm>>
      tpu.wait_indirect_dma semaphore(%arg12 : memref<!tpu.dma_semaphore, #tpu.memory_space<semaphore_mem>>) src(%dma_wait3A_302 : memref<20480x16xf32, #tpu.memory_space<hbm>>) dst(%dma_wait3A_298 : memref<128x16xf32, #tpu.memory_space<vmem>>)
      %add3A_303 = arith.constant 3 : i32
      %add3A_304 = arith.addi %add3A_105, %add3A_303 : i32
      %mul3A_305 = arith.constant 128 : i32
      %mul3A_306 = arith.muli %add3A_304, %mul3A_305 : i32
      %dma_wait3A_307 = arith.constant 7 : i32
      %dma_wait3A_308 = arith.constant 0 : i32
      %dma_wait3A_309 = arith.constant 0 : i32
      %dma_wait3A_310 = tpu.memref_slice %arg9[%dma_wait3A_307, %dma_wait3A_308, %dma_wait3A_309] : memref<8x128x16xf32, #tpu.memory_space<vmem>> -> memref<1x128x16xf32, #tpu.memory_space<vmem>>
      %dma_wait3A_311 = tpu.memref_squeeze %dma_wait3A_310 : memref<1x128x16xf32, #tpu.memory_space<vmem>> -> memref<128x16xf32, #tpu.memory_space<vmem>>
      %dma_wait3A_312 = tpu.memref_slice %arg7[%mul3A_306] : memref<10240xi32, #tpu.memory_space<vmem>> -> memref<128xi32, #tpu.memory_space<vmem>>
      %dma_wait3A_313 = arith.constant 0 : i32
      %dma_wait3A_314 = arith.constant 0 : i32
      %dma_wait3A_315 = tpu.memref_slice %arg2[%dma_wait3A_313, %dma_wait3A_314] : memref<20480x16xf32, #tpu.memory_space<hbm>> -> memref<20480x16xf32, #tpu.memory_space<hbm>>
      tpu.wait_indirect_dma semaphore(%arg12 : memref<!tpu.dma_semaphore, #tpu.memory_space<semaphore_mem>>) src(%dma_wait3A_315 : memref<20480x16xf32, #tpu.memory_space<hbm>>) dst(%dma_wait3A_311 : memref<128x16xf32, #tpu.memory_space<vmem>>)
      %add3A_316 = arith.constant 0 : i32
      %add3A_317 = arith.addi %add3A_105, %add3A_316 : i32
      %dma_start3A_318 = arith.constant 4 : i32
      %dma_start3A_319 = arith.constant 0 : i32
      %dma_start3A_320 = arith.constant 0 : i32
      %dma_start3A_321 = tpu.memref_slice %arg9[%dma_start3A_318, %dma_start3A_319, %dma_start3A_320] : memref<8x128x16xf32, #tpu.memory_space<vmem>> -> memref<1x128x16xf32, #tpu.memory_space<vmem>>
      %dma_start3A_322 = tpu.memref_squeeze %dma_start3A_321 : memref<1x128x16xf32, #tpu.memory_space<vmem>> -> memref<128x16xf32, #tpu.memory_space<vmem>>
      %dma_start3A_323 = arith.constant 0 : i32
      %dma_start3A_324 = tpu.memref_slice %arg8[%add3A_317, %dma_start3A_323] : memref<80x128xi32, #tpu.memory_space<vmem>> -> memref<1x128xi32, #tpu.memory_space<vmem>>
      %dma_start3A_325 = tpu.memref_squeeze %dma_start3A_324 : memref<1x128xi32, #tpu.memory_space<vmem>> -> memref<128xi32, #tpu.memory_space<vmem>>
      %dma_start3A_326 = arith.constant 0 : i32
      %dma_start3A_327 = arith.constant 0 : i32
      %dma_start3A_328 = tpu.memref_slice %arg10[%dma_start3A_326, %dma_start3A_327] : memref<10240x16xf32, #tpu.memory_space<vmem_shared>> -> memref<10240x16xf32, #tpu.memory_space<vmem_shared>>
      tpu.enqueue_indirect_dma source(%dma_start3A_322 : memref<128x16xf32, #tpu.memory_space<vmem>>) target(%dma_start3A_328 : memref<10240x16xf32, #tpu.memory_space<vmem_shared>>) offsets(%dma_start3A_325 : memref<128xi32, #tpu.memory_space<vmem>>) semaphore(%arg14 : memref<!tpu.dma_semaphore, #tpu.memory_space<semaphore_mem>>) {add = true}
      %add3A_329 = arith.constant 1 : i32
      %add3A_330 = arith.addi %add3A_105, %add3A_329 : i32
      %dma_start3A_331 = arith.constant 5 : i32
      %dma_start3A_332 = arith.constant 0 : i32
      %dma_start3A_333 = arith.constant 0 : i32
      %dma_start3A_334 = tpu.memref_slice %arg9[%dma_start3A_331, %dma_start3A_332, %dma_start3A_333] : memref<8x128x16xf32, #tpu.memory_space<vmem>> -> memref<1x128x16xf32, #tpu.memory_space<vmem>>
      %dma_start3A_335 = tpu.memref_squeeze %dma_start3A_334 : memref<1x128x16xf32, #tpu.memory_space<vmem>> -> memref<128x16xf32, #tpu.memory_space<vmem>>
      %dma_start3A_336 = arith.constant 0 : i32
      %dma_start3A_337 = tpu.memref_slice %arg8[%add3A_330, %dma_start3A_336] : memref<80x128xi32, #tpu.memory_space<vmem>> -> memref<1x128xi32, #tpu.memory_space<vmem>>
      %dma_start3A_338 = tpu.memref_squeeze %dma_start3A_337 : memref<1x128xi32, #tpu.memory_space<vmem>> -> memref<128xi32, #tpu.memory_space<vmem>>
      %dma_start3A_339 = arith.constant 0 : i32
      %dma_start3A_340 = arith.constant 0 : i32
      %dma_start3A_341 = tpu.memref_slice %arg10[%dma_start3A_339, %dma_start3A_340] : memref<10240x16xf32, #tpu.memory_space<vmem_shared>> -> memref<10240x16xf32, #tpu.memory_space<vmem_shared>>
      tpu.enqueue_indirect_dma source(%dma_start3A_335 : memref<128x16xf32, #tpu.memory_space<vmem>>) target(%dma_start3A_341 : memref<10240x16xf32, #tpu.memory_space<vmem_shared>>) offsets(%dma_start3A_338 : memref<128xi32, #tpu.memory_space<vmem>>) semaphore(%arg14 : memref<!tpu.dma_semaphore, #tpu.memory_space<semaphore_mem>>) {add = true}
      %add3A_342 = arith.constant 2 : i32
      %add3A_343 = arith.addi %add3A_105, %add3A_342 : i32
      %dma_start3A_344 = arith.constant 6 : i32
      %dma_start3A_345 = arith.constant 0 : i32
      %dma_start3A_346 = arith.constant 0 : i32
      %dma_start3A_347 = tpu.memref_slice %arg9[%dma_start3A_344, %dma_start3A_345, %dma_start3A_346] : memref<8x128x16xf32, #tpu.memory_space<vmem>> -> memref<1x128x16xf32, #tpu.memory_space<vmem>>
      %dma_start3A_348 = tpu.memref_squeeze %dma_start3A_347 : memref<1x128x16xf32, #tpu.memory_space<vmem>> -> memref<128x16xf32, #tpu.memory_space<vmem>>
      %dma_start3A_349 = arith.constant 0 : i32
      %dma_start3A_350 = tpu.memref_slice %arg8[%add3A_343, %dma_start3A_349] : memref<80x128xi32, #tpu.memory_space<vmem>> -> memref<1x128xi32, #tpu.memory_space<vmem>>
      %dma_start3A_351 = tpu.memref_squeeze %dma_start3A_350 : memref<1x128xi32, #tpu.memory_space<vmem>> -> memref<128xi32, #tpu.memory_space<vmem>>
      %dma_start3A_352 = arith.constant 0 : i32
      %dma_start3A_353 = arith.constant 0 : i32
      %dma_start3A_354 = tpu.memref_slice %arg10[%dma_start3A_352, %dma_start3A_353] : memref<10240x16xf32, #tpu.memory_space<vmem_shared>> -> memref<10240x16xf32, #tpu.memory_space<vmem_shared>>
      tpu.enqueue_indirect_dma source(%dma_start3A_348 : memref<128x16xf32, #tpu.memory_space<vmem>>) target(%dma_start3A_354 : memref<10240x16xf32, #tpu.memory_space<vmem_shared>>) offsets(%dma_start3A_351 : memref<128xi32, #tpu.memory_space<vmem>>) semaphore(%arg14 : memref<!tpu.dma_semaphore, #tpu.memory_space<semaphore_mem>>) {add = true}
      %add3A_355 = arith.constant 3 : i32
      %add3A_356 = arith.addi %add3A_105, %add3A_355 : i32
      %dma_start3A_357 = arith.constant 7 : i32
      %dma_start3A_358 = arith.constant 0 : i32
      %dma_start3A_359 = arith.constant 0 : i32
      %dma_start3A_360 = tpu.memref_slice %arg9[%dma_start3A_357, %dma_start3A_358, %dma_start3A_359] : memref<8x128x16xf32, #tpu.memory_space<vmem>> -> memref<1x128x16xf32, #tpu.memory_space<vmem>>
      %dma_start3A_361 = tpu.memref_squeeze %dma_start3A_360 : memref<1x128x16xf32, #tpu.memory_space<vmem>> -> memref<128x16xf32, #tpu.memory_space<vmem>>
      %dma_start3A_362 = arith.constant 0 : i32
      %dma_start3A_363 = tpu.memref_slice %arg8[%add3A_356, %dma_start3A_362] : memref<80x128xi32, #tpu.memory_space<vmem>> -> memref<1x128xi32, #tpu.memory_space<vmem>>
      %dma_start3A_364 = tpu.memref_squeeze %dma_start3A_363 : memref<1x128xi32, #tpu.memory_space<vmem>> -> memref<128xi32, #tpu.memory_space<vmem>>
      %dma_start3A_365 = arith.constant 0 : i32
      %dma_start3A_366 = arith.constant 0 : i32
      %dma_start3A_367 = tpu.memref_slice %arg10[%dma_start3A_365, %dma_start3A_366] : memref<10240x16xf32, #tpu.memory_space<vmem_shared>> -> memref<10240x16xf32, #tpu.memory_space<vmem_shared>>
      tpu.enqueue_indirect_dma source(%dma_start3A_361 : memref<128x16xf32, #tpu.memory_space<vmem>>) target(%dma_start3A_367 : memref<10240x16xf32, #tpu.memory_space<vmem_shared>>) offsets(%dma_start3A_364 : memref<128xi32, #tpu.memory_space<vmem>>) semaphore(%arg14 : memref<!tpu.dma_semaphore, #tpu.memory_space<semaphore_mem>>) {add = true}
      %add3A_368 = arith.constant 0 : i32
      %add3A_369 = arith.addi %mul3A_103, %add3A_368 : i32
      %dma_wait3A_370 = arith.constant 0 : i32
      %dma_wait3A_371 = arith.constant 0 : i32
      %dma_wait3A_372 = arith.constant 0 : i32
      %dma_wait3A_373 = tpu.memref_slice %arg9[%dma_wait3A_370, %dma_wait3A_371, %dma_wait3A_372] : memref<8x128x16xf32, #tpu.memory_space<vmem>> -> memref<1x128x16xf32, #tpu.memory_space<vmem>>
      %dma_wait3A_374 = tpu.memref_squeeze %dma_wait3A_373 : memref<1x128x16xf32, #tpu.memory_space<vmem>> -> memref<128x16xf32, #tpu.memory_space<vmem>>
      %dma_wait3A_375 = arith.constant 0 : i32
      %dma_wait3A_376 = tpu.memref_slice %arg8[%add3A_369, %dma_wait3A_375] : memref<80x128xi32, #tpu.memory_space<vmem>> -> memref<1x128xi32, #tpu.memory_space<vmem>>
      %dma_wait3A_377 = tpu.memref_squeeze %dma_wait3A_376 : memref<1x128xi32, #tpu.memory_space<vmem>> -> memref<128xi32, #tpu.memory_space<vmem>>
      %dma_wait3A_378 = arith.constant 0 : i32
      %dma_wait3A_379 = arith.constant 0 : i32
      %dma_wait3A_380 = tpu.memref_slice %arg10[%dma_wait3A_378, %dma_wait3A_379] : memref<10240x16xf32, #tpu.memory_space<vmem_shared>> -> memref<10240x16xf32, #tpu.memory_space<vmem_shared>>
      tpu.wait_indirect_dma semaphore(%arg13 : memref<!tpu.dma_semaphore, #tpu.memory_space<semaphore_mem>>) src(%dma_wait3A_374 : memref<128x16xf32, #tpu.memory_space<vmem>>) dst(%dma_wait3A_380 : memref<10240x16xf32, #tpu.memory_space<vmem_shared>>)
      %add3A_381 = arith.constant 1 : i32
      %add3A_382 = arith.addi %mul3A_103, %add3A_381 : i32
      %dma_wait3A_383 = arith.constant 1 : i32
      %dma_wait3A_384 = arith.constant 0 : i32
      %dma_wait3A_385 = arith.constant 0 : i32
      %dma_wait3A_386 = tpu.memref_slice %arg9[%dma_wait3A_383, %dma_wait3A_384, %dma_wait3A_385] : memref<8x128x16xf32, #tpu.memory_space<vmem>> -> memref<1x128x16xf32, #tpu.memory_space<vmem>>
      %dma_wait3A_387 = tpu.memref_squeeze %dma_wait3A_386 : memref<1x128x16xf32, #tpu.memory_space<vmem>> -> memref<128x16xf32, #tpu.memory_space<vmem>>
      %dma_wait3A_388 = arith.constant 0 : i32
      %dma_wait3A_389 = tpu.memref_slice %arg8[%add3A_382, %dma_wait3A_388] : memref<80x128xi32, #tpu.memory_space<vmem>> -> memref<1x128xi32, #tpu.memory_space<vmem>>
      %dma_wait3A_390 = tpu.memref_squeeze %dma_wait3A_389 : memref<1x128xi32, #tpu.memory_space<vmem>> -> memref<128xi32, #tpu.memory_space<vmem>>
      %dma_wait3A_391 = arith.constant 0 : i32
      %dma_wait3A_392 = arith.constant 0 : i32
      %dma_wait3A_393 = tpu.memref_slice %arg10[%dma_wait3A_391, %dma_wait3A_392] : memref<10240x16xf32, #tpu.memory_space<vmem_shared>> -> memref<10240x16xf32, #tpu.memory_space<vmem_shared>>
      tpu.wait_indirect_dma semaphore(%arg13 : memref<!tpu.dma_semaphore, #tpu.memory_space<semaphore_mem>>) src(%dma_wait3A_387 : memref<128x16xf32, #tpu.memory_space<vmem>>) dst(%dma_wait3A_393 : memref<10240x16xf32, #tpu.memory_space<vmem_shared>>)
      %add3A_394 = arith.constant 2 : i32
      %add3A_395 = arith.addi %mul3A_103, %add3A_394 : i32
      %dma_wait3A_396 = arith.constant 2 : i32
      %dma_wait3A_397 = arith.constant 0 : i32
      %dma_wait3A_398 = arith.constant 0 : i32
      %dma_wait3A_399 = tpu.memref_slice %arg9[%dma_wait3A_396, %dma_wait3A_397, %dma_wait3A_398] : memref<8x128x16xf32, #tpu.memory_space<vmem>> -> memref<1x128x16xf32, #tpu.memory_space<vmem>>
      %dma_wait3A_400 = tpu.memref_squeeze %dma_wait3A_399 : memref<1x128x16xf32, #tpu.memory_space<vmem>> -> memref<128x16xf32, #tpu.memory_space<vmem>>
      %dma_wait3A_401 = arith.constant 0 : i32
      %dma_wait3A_402 = tpu.memref_slice %arg8[%add3A_395, %dma_wait3A_401] : memref<80x128xi32, #tpu.memory_space<vmem>> -> memref<1x128xi32, #tpu.memory_space<vmem>>
      %dma_wait3A_403 = tpu.memref_squeeze %dma_wait3A_402 : memref<1x128xi32, #tpu.memory_space<vmem>> -> memref<128xi32, #tpu.memory_space<vmem>>
      %dma_wait3A_404 = arith.constant 0 : i32
      %dma_wait3A_405 = arith.constant 0 : i32
      %dma_wait3A_406 = tpu.memref_slice %arg10[%dma_wait3A_404, %dma_wait3A_405] : memref<10240x16xf32, #tpu.memory_space<vmem_shared>> -> memref<10240x16xf32, #tpu.memory_space<vmem_shared>>
      tpu.wait_indirect_dma semaphore(%arg13 : memref<!tpu.dma_semaphore, #tpu.memory_space<semaphore_mem>>) src(%dma_wait3A_400 : memref<128x16xf32, #tpu.memory_space<vmem>>) dst(%dma_wait3A_406 : memref<10240x16xf32, #tpu.memory_space<vmem_shared>>)
      %add3A_407 = arith.constant 3 : i32
      %add3A_408 = arith.addi %mul3A_103, %add3A_407 : i32
      %dma_wait3A_409 = arith.constant 3 : i32
      %dma_wait3A_410 = arith.constant 0 : i32
      %dma_wait3A_411 = arith.constant 0 : i32
      %dma_wait3A_412 = tpu.memref_slice %arg9[%dma_wait3A_409, %dma_wait3A_410, %dma_wait3A_411] : memref<8x128x16xf32, #tpu.memory_space<vmem>> -> memref<1x128x16xf32, #tpu.memory_space<vmem>>
      %dma_wait3A_413 = tpu.memref_squeeze %dma_wait3A_412 : memref<1x128x16xf32, #tpu.memory_space<vmem>> -> memref<128x16xf32, #tpu.memory_space<vmem>>
      %dma_wait3A_414 = arith.constant 0 : i32
      %dma_wait3A_415 = tpu.memref_slice %arg8[%add3A_408, %dma_wait3A_414] : memref<80x128xi32, #tpu.memory_space<vmem>> -> memref<1x128xi32, #tpu.memory_space<vmem>>
      %dma_wait3A_416 = tpu.memref_squeeze %dma_wait3A_415 : memref<1x128xi32, #tpu.memory_space<vmem>> -> memref<128xi32, #tpu.memory_space<vmem>>
      %dma_wait3A_417 = arith.constant 0 : i32
      %dma_wait3A_418 = arith.constant 0 : i32
      %dma_wait3A_419 = tpu.memref_slice %arg10[%dma_wait3A_417, %dma_wait3A_418] : memref<10240x16xf32, #tpu.memory_space<vmem_shared>> -> memref<10240x16xf32, #tpu.memory_space<vmem_shared>>
      tpu.wait_indirect_dma semaphore(%arg13 : memref<!tpu.dma_semaphore, #tpu.memory_space<semaphore_mem>>) src(%dma_wait3A_413 : memref<128x16xf32, #tpu.memory_space<vmem>>) dst(%dma_wait3A_419 : memref<10240x16xf32, #tpu.memory_space<vmem_shared>>)
      %lt3A = arith.constant 9 : i32
      %lt3A_420 = arith.cmpi slt, %scan3A_99, %lt3A : i32
      %convert_element_type3A_421 = arith.extui %lt3A_420 : i1 to i32
      %cond3A_422 = arith.constant 0 : i32
      %cond3A_423 = arith.cmpi ne, %convert_element_type3A_421, %cond3A_422 : i32
      scf.if %cond3A_423 {
        %add3A_424 = arith.constant 8 : i32
        %add3A_425 = arith.addi %mul3A_103, %add3A_424 : i32
        %add3A_426 = arith.constant 0 : i32
        %add3A_427 = arith.addi %add3A_425, %add3A_426 : i32
        %mul3A_428 = arith.constant 128 : i32
        %mul3A_429 = arith.muli %add3A_427, %mul3A_428 : i32
        %dma_start3A_430 = arith.constant 0 : i32
        %dma_start3A_431 = arith.constant 0 : i32
        %dma_start3A_432 = arith.constant 0 : i32
        %dma_start3A_433 = tpu.memref_slice %arg9[%dma_start3A_430, %dma_start3A_431, %dma_start3A_432] : memref<8x128x16xf32, #tpu.memory_space<vmem>> -> memref<1x128x16xf32, #tpu.memory_space<vmem>>
        %dma_start3A_434 = tpu.memref_squeeze %dma_start3A_433 : memref<1x128x16xf32, #tpu.memory_space<vmem>> -> memref<128x16xf32, #tpu.memory_space<vmem>>
        %dma_start3A_435 = tpu.memref_slice %arg7[%mul3A_429] : memref<10240xi32, #tpu.memory_space<vmem>> -> memref<128xi32, #tpu.memory_space<vmem>>
        %dma_start3A_436 = arith.constant 0 : i32
        %dma_start3A_437 = arith.constant 0 : i32
        %dma_start3A_438 = tpu.memref_slice %arg2[%dma_start3A_436, %dma_start3A_437] : memref<20480x16xf32, #tpu.memory_space<hbm>> -> memref<20480x16xf32, #tpu.memory_space<hbm>>
        tpu.enqueue_indirect_dma source(%dma_start3A_438 : memref<20480x16xf32, #tpu.memory_space<hbm>>) target(%dma_start3A_434 : memref<128x16xf32, #tpu.memory_space<vmem>>) offsets(%dma_start3A_435 : memref<128xi32, #tpu.memory_space<vmem>>) semaphore(%arg11 : memref<!tpu.dma_semaphore, #tpu.memory_space<semaphore_mem>>)
        %add3A_439 = arith.constant 1 : i32
        %add3A_440 = arith.addi %add3A_425, %add3A_439 : i32
        %mul3A_441 = arith.constant 128 : i32
        %mul3A_442 = arith.muli %add3A_440, %mul3A_441 : i32
        %dma_start3A_443 = arith.constant 1 : i32
        %dma_start3A_444 = arith.constant 0 : i32
        %dma_start3A_445 = arith.constant 0 : i32
        %dma_start3A_446 = tpu.memref_slice %arg9[%dma_start3A_443, %dma_start3A_444, %dma_start3A_445] : memref<8x128x16xf32, #tpu.memory_space<vmem>> -> memref<1x128x16xf32, #tpu.memory_space<vmem>>
        %dma_start3A_447 = tpu.memref_squeeze %dma_start3A_446 : memref<1x128x16xf32, #tpu.memory_space<vmem>> -> memref<128x16xf32, #tpu.memory_space<vmem>>
        %dma_start3A_448 = tpu.memref_slice %arg7[%mul3A_442] : memref<10240xi32, #tpu.memory_space<vmem>> -> memref<128xi32, #tpu.memory_space<vmem>>
        %dma_start3A_449 = arith.constant 0 : i32
        %dma_start3A_450 = arith.constant 0 : i32
        %dma_start3A_451 = tpu.memref_slice %arg2[%dma_start3A_449, %dma_start3A_450] : memref<20480x16xf32, #tpu.memory_space<hbm>> -> memref<20480x16xf32, #tpu.memory_space<hbm>>
        tpu.enqueue_indirect_dma source(%dma_start3A_451 : memref<20480x16xf32, #tpu.memory_space<hbm>>) target(%dma_start3A_447 : memref<128x16xf32, #tpu.memory_space<vmem>>) offsets(%dma_start3A_448 : memref<128xi32, #tpu.memory_space<vmem>>) semaphore(%arg11 : memref<!tpu.dma_semaphore, #tpu.memory_space<semaphore_mem>>)
        %add3A_452 = arith.constant 2 : i32
        %add3A_453 = arith.addi %add3A_425, %add3A_452 : i32
        %mul3A_454 = arith.constant 128 : i32
        %mul3A_455 = arith.muli %add3A_453, %mul3A_454 : i32
        %dma_start3A_456 = arith.constant 2 : i32
        %dma_start3A_457 = arith.constant 0 : i32
        %dma_start3A_458 = arith.constant 0 : i32
        %dma_start3A_459 = tpu.memref_slice %arg9[%dma_start3A_456, %dma_start3A_457, %dma_start3A_458] : memref<8x128x16xf32, #tpu.memory_space<vmem>> -> memref<1x128x16xf32, #tpu.memory_space<vmem>>
        %dma_start3A_460 = tpu.memref_squeeze %dma_start3A_459 : memref<1x128x16xf32, #tpu.memory_space<vmem>> -> memref<128x16xf32, #tpu.memory_space<vmem>>
        %dma_start3A_461 = tpu.memref_slice %arg7[%mul3A_455] : memref<10240xi32, #tpu.memory_space<vmem>> -> memref<128xi32, #tpu.memory_space<vmem>>
        %dma_start3A_462 = arith.constant 0 : i32
        %dma_start3A_463 = arith.constant 0 : i32
        %dma_start3A_464 = tpu.memref_slice %arg2[%dma_start3A_462, %dma_start3A_463] : memref<20480x16xf32, #tpu.memory_space<hbm>> -> memref<20480x16xf32, #tpu.memory_space<hbm>>
        tpu.enqueue_indirect_dma source(%dma_start3A_464 : memref<20480x16xf32, #tpu.memory_space<hbm>>) target(%dma_start3A_460 : memref<128x16xf32, #tpu.memory_space<vmem>>) offsets(%dma_start3A_461 : memref<128xi32, #tpu.memory_space<vmem>>) semaphore(%arg11 : memref<!tpu.dma_semaphore, #tpu.memory_space<semaphore_mem>>)
        %add3A_465 = arith.constant 3 : i32
        %add3A_466 = arith.addi %add3A_425, %add3A_465 : i32
        %mul3A_467 = arith.constant 128 : i32
        %mul3A_468 = arith.muli %add3A_466, %mul3A_467 : i32
        %dma_start3A_469 = arith.constant 3 : i32
        %dma_start3A_470 = arith.constant 0 : i32
        %dma_start3A_471 = arith.constant 0 : i32
        %dma_start3A_472 = tpu.memref_slice %arg9[%dma_start3A_469, %dma_start3A_470, %dma_start3A_471] : memref<8x128x16xf32, #tpu.memory_space<vmem>> -> memref<1x128x16xf32, #tpu.memory_space<vmem>>
        %dma_start3A_473 = tpu.memref_squeeze %dma_start3A_472 : memref<1x128x16xf32, #tpu.memory_space<vmem>> -> memref<128x16xf32, #tpu.memory_space<vmem>>
        %dma_start3A_474 = tpu.memref_slice %arg7[%mul3A_468] : memref<10240xi32, #tpu.memory_space<vmem>> -> memref<128xi32, #tpu.memory_space<vmem>>
        %dma_start3A_475 = arith.constant 0 : i32
        %dma_start3A_476 = arith.constant 0 : i32
        %dma_start3A_477 = tpu.memref_slice %arg2[%dma_start3A_475, %dma_start3A_476] : memref<20480x16xf32, #tpu.memory_space<hbm>> -> memref<20480x16xf32, #tpu.memory_space<hbm>>
        tpu.enqueue_indirect_dma source(%dma_start3A_477 : memref<20480x16xf32, #tpu.memory_space<hbm>>) target(%dma_start3A_473 : memref<128x16xf32, #tpu.memory_space<vmem>>) offsets(%dma_start3A_474 : memref<128xi32, #tpu.memory_space<vmem>>) semaphore(%arg11 : memref<!tpu.dma_semaphore, #tpu.memory_space<semaphore_mem>>)
      } else {
      }
    }
    %scan3A_44 = arith.constant 10 : i32
    %dma_wait3A = arith.constant 4 : i32
    %dma_wait3A_45 = arith.constant 76 : i32
    %dma_wait3A_46 = arith.constant 0 : i32
    %dma_wait3A_47 = arith.constant 0 : i32
    %dma_wait3A_48 = tpu.memref_slice %arg9[%dma_wait3A, %dma_wait3A_46, %dma_wait3A_47] : memref<8x128x16xf32, #tpu.memory_space<vmem>> -> memref<1x128x16xf32, #tpu.memory_space<vmem>>
    %dma_wait3A_49 = tpu.memref_squeeze %dma_wait3A_48 : memref<1x128x16xf32, #tpu.memory_space<vmem>> -> memref<128x16xf32, #tpu.memory_space<vmem>>
    %dma_wait3A_50 = arith.constant 0 : i32
    %dma_wait3A_51 = tpu.memref_slice %arg8[%dma_wait3A_45, %dma_wait3A_50] : memref<80x128xi32, #tpu.memory_space<vmem>> -> memref<1x128xi32, #tpu.memory_space<vmem>>
    %dma_wait3A_52 = tpu.memref_squeeze %dma_wait3A_51 : memref<1x128xi32, #tpu.memory_space<vmem>> -> memref<128xi32, #tpu.memory_space<vmem>>
    %dma_wait3A_53 = arith.constant 0 : i32
    %dma_wait3A_54 = arith.constant 0 : i32
    %dma_wait3A_55 = tpu.memref_slice %arg10[%dma_wait3A_53, %dma_wait3A_54] : memref<10240x16xf32, #tpu.memory_space<vmem_shared>> -> memref<10240x16xf32, #tpu.memory_space<vmem_shared>>
    tpu.wait_indirect_dma semaphore(%arg14 : memref<!tpu.dma_semaphore, #tpu.memory_space<semaphore_mem>>) src(%dma_wait3A_49 : memref<128x16xf32, #tpu.memory_space<vmem>>) dst(%dma_wait3A_55 : memref<10240x16xf32, #tpu.memory_space<vmem_shared>>)
    %dma_wait3A_56 = arith.constant 5 : i32
    %dma_wait3A_57 = arith.constant 77 : i32
    %dma_wait3A_58 = arith.constant 0 : i32
    %dma_wait3A_59 = arith.constant 0 : i32
    %dma_wait3A_60 = tpu.memref_slice %arg9[%dma_wait3A_56, %dma_wait3A_58, %dma_wait3A_59] : memref<8x128x16xf32, #tpu.memory_space<vmem>> -> memref<1x128x16xf32, #tpu.memory_space<vmem>>
    %dma_wait3A_61 = tpu.memref_squeeze %dma_wait3A_60 : memref<1x128x16xf32, #tpu.memory_space<vmem>> -> memref<128x16xf32, #tpu.memory_space<vmem>>
    %dma_wait3A_62 = arith.constant 0 : i32
    %dma_wait3A_63 = tpu.memref_slice %arg8[%dma_wait3A_57, %dma_wait3A_62] : memref<80x128xi32, #tpu.memory_space<vmem>> -> memref<1x128xi32, #tpu.memory_space<vmem>>
    %dma_wait3A_64 = tpu.memref_squeeze %dma_wait3A_63 : memref<1x128xi32, #tpu.memory_space<vmem>> -> memref<128xi32, #tpu.memory_space<vmem>>
    %dma_wait3A_65 = arith.constant 0 : i32
    %dma_wait3A_66 = arith.constant 0 : i32
    %dma_wait3A_67 = tpu.memref_slice %arg10[%dma_wait3A_65, %dma_wait3A_66] : memref<10240x16xf32, #tpu.memory_space<vmem_shared>> -> memref<10240x16xf32, #tpu.memory_space<vmem_shared>>
    tpu.wait_indirect_dma semaphore(%arg14 : memref<!tpu.dma_semaphore, #tpu.memory_space<semaphore_mem>>) src(%dma_wait3A_61 : memref<128x16xf32, #tpu.memory_space<vmem>>) dst(%dma_wait3A_67 : memref<10240x16xf32, #tpu.memory_space<vmem_shared>>)
    %dma_wait3A_68 = arith.constant 6 : i32
    %dma_wait3A_69 = arith.constant 78 : i32
    %dma_wait3A_70 = arith.constant 0 : i32
    %dma_wait3A_71 = arith.constant 0 : i32
    %dma_wait3A_72 = tpu.memref_slice %arg9[%dma_wait3A_68, %dma_wait3A_70, %dma_wait3A_71] : memref<8x128x16xf32, #tpu.memory_space<vmem>> -> memref<1x128x16xf32, #tpu.memory_space<vmem>>
    %dma_wait3A_73 = tpu.memref_squeeze %dma_wait3A_72 : memref<1x128x16xf32, #tpu.memory_space<vmem>> -> memref<128x16xf32, #tpu.memory_space<vmem>>
    %dma_wait3A_74 = arith.constant 0 : i32
    %dma_wait3A_75 = tpu.memref_slice %arg8[%dma_wait3A_69, %dma_wait3A_74] : memref<80x128xi32, #tpu.memory_space<vmem>> -> memref<1x128xi32, #tpu.memory_space<vmem>>
    %dma_wait3A_76 = tpu.memref_squeeze %dma_wait3A_75 : memref<1x128xi32, #tpu.memory_space<vmem>> -> memref<128xi32, #tpu.memory_space<vmem>>
    %dma_wait3A_77 = arith.constant 0 : i32
    %dma_wait3A_78 = arith.constant 0 : i32
    %dma_wait3A_79 = tpu.memref_slice %arg10[%dma_wait3A_77, %dma_wait3A_78] : memref<10240x16xf32, #tpu.memory_space<vmem_shared>> -> memref<10240x16xf32, #tpu.memory_space<vmem_shared>>
    tpu.wait_indirect_dma semaphore(%arg14 : memref<!tpu.dma_semaphore, #tpu.memory_space<semaphore_mem>>) src(%dma_wait3A_73 : memref<128x16xf32, #tpu.memory_space<vmem>>) dst(%dma_wait3A_79 : memref<10240x16xf32, #tpu.memory_space<vmem_shared>>)
    %dma_wait3A_80 = arith.constant 7 : i32
    %dma_wait3A_81 = arith.constant 79 : i32
    %dma_wait3A_82 = arith.constant 0 : i32
    %dma_wait3A_83 = arith.constant 0 : i32
    %dma_wait3A_84 = tpu.memref_slice %arg9[%dma_wait3A_80, %dma_wait3A_82, %dma_wait3A_83] : memref<8x128x16xf32, #tpu.memory_space<vmem>> -> memref<1x128x16xf32, #tpu.memory_space<vmem>>
    %dma_wait3A_85 = tpu.memref_squeeze %dma_wait3A_84 : memref<1x128x16xf32, #tpu.memory_space<vmem>> -> memref<128x16xf32, #tpu.memory_space<vmem>>
    %dma_wait3A_86 = arith.constant 0 : i32
    %dma_wait3A_87 = tpu.memref_slice %arg8[%dma_wait3A_81, %dma_wait3A_86] : memref<80x128xi32, #tpu.memory_space<vmem>> -> memref<1x128xi32, #tpu.memory_space<vmem>>
    %dma_wait3A_88 = tpu.memref_squeeze %dma_wait3A_87 : memref<1x128xi32, #tpu.memory_space<vmem>> -> memref<128xi32, #tpu.memory_space<vmem>>
    %dma_wait3A_89 = arith.constant 0 : i32
    %dma_wait3A_90 = arith.constant 0 : i32
    %dma_wait3A_91 = tpu.memref_slice %arg10[%dma_wait3A_89, %dma_wait3A_90] : memref<10240x16xf32, #tpu.memory_space<vmem_shared>> -> memref<10240x16xf32, #tpu.memory_space<vmem_shared>>
    tpu.wait_indirect_dma semaphore(%arg14 : memref<!tpu.dma_semaphore, #tpu.memory_space<semaphore_mem>>) src(%dma_wait3A_85 : memref<128x16xf32, #tpu.memory_space<vmem>>) dst(%dma_wait3A_91 : memref<10240x16xf32, #tpu.memory_space<vmem_shared>>)
    %barrier3A_92 = arith.constant 0 : index
    tpu.barrier barrier_id(%barrier3A_92)
    %mul3A_93 = arith.constant 10240 : i32
    %mul3A_94 = arith.muli %arg0, %mul3A_93 : i32
    %mul3A_95 = arith.constant 640 : i32
    %mul3A_96 = arith.muli %arg1, %mul3A_95 : i32
    %add3A = arith.addi %mul3A_94, %mul3A_96 : i32
    %mul3A_97 = arith.constant 640 : i32
    %mul3A_98 = arith.muli %arg1, %mul3A_97 : i32
    "tpu.region"() ({
      %run_scoped3A = tpu.sem_alloc : memref<!tpu.dma_semaphore, #tpu.memory_space<semaphore_mem>>
      %dma_start3A_99 = arith.constant 0 : i32
      %dma_start3A_100 = tpu.memref_slice %arg6[%add3A, %dma_start3A_99] : memref<20480x16xf32, #tpu.memory_space<hbm>> -> memref<640x16xf32, #tpu.memory_space<hbm>>
      %dma_start3A_101 = arith.constant 0 : i32
      %dma_start3A_102 = tpu.memref_slice %arg10[%mul3A_98, %dma_start3A_101] : memref<10240x16xf32, #tpu.memory_space<vmem_shared>> -> memref<640x16xf32, #tpu.memory_space<vmem_shared>>
      tpu.enqueue_dma source(%dma_start3A_102 : memref<640x16xf32, #tpu.memory_space<vmem_shared>>) target(%dma_start3A_100 : memref<640x16xf32, #tpu.memory_space<hbm>>) target_semaphore(%run_scoped3A : memref<!tpu.dma_semaphore, #tpu.memory_space<semaphore_mem>>)
      %dma_wait3A_103 = arith.constant 0 : i32
      %dma_wait3A_104 = tpu.memref_slice %arg6[%add3A, %dma_wait3A_103] : memref<20480x16xf32, #tpu.memory_space<hbm>> -> memref<640x16xf32, #tpu.memory_space<hbm>>
      %dma_wait3A_105 = arith.constant 0 : i32
      %dma_wait3A_106 = tpu.memref_slice %arg10[%mul3A_98, %dma_wait3A_105] : memref<10240x16xf32, #tpu.memory_space<vmem_shared>> -> memref<640x16xf32, #tpu.memory_space<vmem_shared>>
      tpu.wait_dma2 semaphore(%run_scoped3A : memref<!tpu.dma_semaphore, #tpu.memory_space<semaphore_mem>>) src(%dma_wait3A_106 : memref<640x16xf32, #tpu.memory_space<vmem_shared>>) dst(%dma_wait3A_104 : memref<640x16xf32, #tpu.memory_space<hbm>>)
      tpu.yield
    }) : () -> ()
    return
  }
}

#map = affine_map<(d0, d1) -> (0, 0)>
#map1 = affine_map<(d0, d1) -> (0, 0, 0)>
module attributes {stable_mosaic.version = 14 : i64} {
  func.func @sc_agg(%arg0: i32, %arg1: i32, %arg2: memref<20480x56xf32, #tpu.memory_space<hbm>>, %arg3: memref<2x16x10240xi32, #tpu.memory_space<hbm>>, %arg4: memref<16x80x128xi32, #tpu.memory_space<hbm>>, %arg5: memref<640x56xf32, #tpu.memory_space<hbm>>, %arg6: memref<20480x56xf32, #tpu.memory_space<hbm>>, %arg7: memref<10240xi32, #tpu.memory_space<vmem>>, %arg8: memref<80x128xi32, #tpu.memory_space<vmem>>, %arg9: memref<8x128x56xf32, #tpu.memory_space<vmem>>, %arg10: memref<10240x56xf32, #tpu.memory_space<vmem_shared>>, %arg11: memref<!tpu.dma_semaphore, #tpu.memory_space<semaphore_mem>>, %arg12: memref<!tpu.dma_semaphore, #tpu.memory_space<semaphore_mem>>, %arg13: memref<!tpu.dma_semaphore, #tpu.memory_space<semaphore_mem>>, %arg14: memref<!tpu.dma_semaphore, #tpu.memory_space<semaphore_mem>>) attributes {dimension_semantics = [#tpu.dimension_semantics<core_parallel>, #tpu.dimension_semantics<subcore_parallel>], iteration_bounds = array<i64: 2, 16>, scalar_prefetch = 0 : i64, scratch_operands = 8 : i64, tpu.core_type = #tpu.core_type<sc_vector_subcore>, window_params = [{transform_indices = #map}, {transform_indices = #map1}, {transform_indices = #map1}, {transform_indices = #map}, {transform_indices = #map}]} {
    "tpu.region"() ({
      %run_scoped3A = tpu.sem_alloc : memref<!tpu.dma_semaphore, #tpu.memory_space<semaphore_mem>>
      %dma_start3A_99 = arith.constant 0 : i32
      %dma_start3A_100 = tpu.memref_slice %arg3[%arg0, %arg1, %dma_start3A_99] : memref<2x16x10240xi32, #tpu.memory_space<hbm>> -> memref<1x1x10240xi32, #tpu.memory_space<hbm>>
      %dma_start3A_101 = tpu.memref_squeeze %dma_start3A_100 : memref<1x1x10240xi32, #tpu.memory_space<hbm>> -> memref<10240xi32, #tpu.memory_space<hbm>>
      %dma_start3A_102 = arith.constant 0 : i32
      %dma_start3A_103 = tpu.memref_slice %arg3[%arg0, %arg1, %dma_start3A_102] : memref<2x16x10240xi32, #tpu.memory_space<hbm>> -> memref<1x1x10240xi32, #tpu.memory_space<hbm>>
      %dma_start3A_104 = tpu.memref_squeeze %dma_start3A_103 : memref<1x1x10240xi32, #tpu.memory_space<hbm>> -> memref<10240xi32, #tpu.memory_space<hbm>>
      tpu.enqueue_dma source(%dma_start3A_104 : memref<10240xi32, #tpu.memory_space<hbm>>) target(%arg7 : memref<10240xi32, #tpu.memory_space<vmem>>) target_semaphore(%run_scoped3A : memref<!tpu.dma_semaphore, #tpu.memory_space<semaphore_mem>>)
      %dma_wait3A_105 = arith.constant 0 : i32
      %dma_wait3A_106 = tpu.memref_slice %arg3[%arg0, %arg1, %dma_wait3A_105] : memref<2x16x10240xi32, #tpu.memory_space<hbm>> -> memref<1x1x10240xi32, #tpu.memory_space<hbm>>
      %dma_wait3A_107 = tpu.memref_squeeze %dma_wait3A_106 : memref<1x1x10240xi32, #tpu.memory_space<hbm>> -> memref<10240xi32, #tpu.memory_space<hbm>>
      %dma_wait3A_108 = arith.constant 0 : i32
      %dma_wait3A_109 = tpu.memref_slice %arg3[%arg0, %arg1, %dma_wait3A_108] : memref<2x16x10240xi32, #tpu.memory_space<hbm>> -> memref<1x1x10240xi32, #tpu.memory_space<hbm>>
      %dma_wait3A_110 = tpu.memref_squeeze %dma_wait3A_109 : memref<1x1x10240xi32, #tpu.memory_space<hbm>> -> memref<10240xi32, #tpu.memory_space<hbm>>
      tpu.wait_dma2 semaphore(%run_scoped3A : memref<!tpu.dma_semaphore, #tpu.memory_space<semaphore_mem>>) src(%dma_wait3A_110 : memref<10240xi32, #tpu.memory_space<hbm>>) dst(%arg7 : memref<10240xi32, #tpu.memory_space<vmem>>)
      tpu.yield
    }) : () -> ()
    "tpu.region"() ({
      %run_scoped3A = tpu.sem_alloc : memref<!tpu.dma_semaphore, #tpu.memory_space<semaphore_mem>>
      %dma_start3A_99 = arith.constant 0 : i32
      %dma_start3A_100 = arith.constant 0 : i32
      %dma_start3A_101 = tpu.memref_slice %arg4[%arg1, %dma_start3A_99, %dma_start3A_100] : memref<16x80x128xi32, #tpu.memory_space<hbm>> -> memref<1x80x128xi32, #tpu.memory_space<hbm>>
      %dma_start3A_102 = tpu.memref_squeeze %dma_start3A_101 : memref<1x80x128xi32, #tpu.memory_space<hbm>> -> memref<80x128xi32, #tpu.memory_space<hbm>>
      %dma_start3A_103 = arith.constant 0 : i32
      %dma_start3A_104 = arith.constant 0 : i32
      %dma_start3A_105 = tpu.memref_slice %arg4[%arg1, %dma_start3A_103, %dma_start3A_104] : memref<16x80x128xi32, #tpu.memory_space<hbm>> -> memref<1x80x128xi32, #tpu.memory_space<hbm>>
      %dma_start3A_106 = tpu.memref_squeeze %dma_start3A_105 : memref<1x80x128xi32, #tpu.memory_space<hbm>> -> memref<80x128xi32, #tpu.memory_space<hbm>>
      tpu.enqueue_dma source(%dma_start3A_106 : memref<80x128xi32, #tpu.memory_space<hbm>>) target(%arg8 : memref<80x128xi32, #tpu.memory_space<vmem>>) target_semaphore(%run_scoped3A : memref<!tpu.dma_semaphore, #tpu.memory_space<semaphore_mem>>)
      %dma_wait3A_107 = arith.constant 0 : i32
      %dma_wait3A_108 = arith.constant 0 : i32
      %dma_wait3A_109 = tpu.memref_slice %arg4[%arg1, %dma_wait3A_107, %dma_wait3A_108] : memref<16x80x128xi32, #tpu.memory_space<hbm>> -> memref<1x80x128xi32, #tpu.memory_space<hbm>>
      %dma_wait3A_110 = tpu.memref_squeeze %dma_wait3A_109 : memref<1x80x128xi32, #tpu.memory_space<hbm>> -> memref<80x128xi32, #tpu.memory_space<hbm>>
      %dma_wait3A_111 = arith.constant 0 : i32
      %dma_wait3A_112 = arith.constant 0 : i32
      %dma_wait3A_113 = tpu.memref_slice %arg4[%arg1, %dma_wait3A_111, %dma_wait3A_112] : memref<16x80x128xi32, #tpu.memory_space<hbm>> -> memref<1x80x128xi32, #tpu.memory_space<hbm>>
      %dma_wait3A_114 = tpu.memref_squeeze %dma_wait3A_113 : memref<1x80x128xi32, #tpu.memory_space<hbm>> -> memref<80x128xi32, #tpu.memory_space<hbm>>
      tpu.wait_dma2 semaphore(%run_scoped3A : memref<!tpu.dma_semaphore, #tpu.memory_space<semaphore_mem>>) src(%dma_wait3A_114 : memref<80x128xi32, #tpu.memory_space<hbm>>) dst(%arg8 : memref<80x128xi32, #tpu.memory_space<vmem>>)
      tpu.yield
    }) : () -> ()
    %mul3A = arith.constant 640 : i32
    %mul3A_0 = arith.muli %arg1, %mul3A : i32
    "tpu.region"() ({
      %run_scoped3A = tpu.sem_alloc : memref<!tpu.dma_semaphore, #tpu.memory_space<semaphore_mem>>
      %dma_start3A_99 = arith.constant 0 : i32
      %dma_start3A_100 = tpu.memref_slice %arg10[%mul3A_0, %dma_start3A_99] : memref<10240x56xf32, #tpu.memory_space<vmem_shared>> -> memref<640x56xf32, #tpu.memory_space<vmem_shared>>
      tpu.enqueue_dma source(%arg5 : memref<640x56xf32, #tpu.memory_space<hbm>>) target(%dma_start3A_100 : memref<640x56xf32, #tpu.memory_space<vmem_shared>>) target_semaphore(%run_scoped3A : memref<!tpu.dma_semaphore, #tpu.memory_space<semaphore_mem>>)
      %dma_wait3A_101 = arith.constant 0 : i32
      %dma_wait3A_102 = tpu.memref_slice %arg10[%mul3A_0, %dma_wait3A_101] : memref<10240x56xf32, #tpu.memory_space<vmem_shared>> -> memref<640x56xf32, #tpu.memory_space<vmem_shared>>
      tpu.wait_dma2 semaphore(%run_scoped3A : memref<!tpu.dma_semaphore, #tpu.memory_space<semaphore_mem>>) src(%arg5 : memref<640x56xf32, #tpu.memory_space<hbm>>) dst(%dma_wait3A_102 : memref<640x56xf32, #tpu.memory_space<vmem_shared>>)
      tpu.yield
    }) : () -> ()
    %barrier3A = arith.constant 0 : index
    tpu.barrier barrier_id(%barrier3A)
    %dma_start3A = arith.constant 0 : i32
    %dma_start3A_1 = arith.constant 0 : i32
    %dma_start3A_2 = arith.constant 0 : i32
    %dma_start3A_3 = tpu.memref_slice %arg9[%dma_start3A, %dma_start3A_1, %dma_start3A_2] : memref<8x128x56xf32, #tpu.memory_space<vmem>> -> memref<1x128x56xf32, #tpu.memory_space<vmem>>
    %dma_start3A_4 = tpu.memref_squeeze %dma_start3A_3 : memref<1x128x56xf32, #tpu.memory_space<vmem>> -> memref<128x56xf32, #tpu.memory_space<vmem>>
    %dma_start3A_5 = arith.constant 0 : i32
    %dma_start3A_6 = tpu.memref_slice %arg7[%dma_start3A_5] : memref<10240xi32, #tpu.memory_space<vmem>> -> memref<128xi32, #tpu.memory_space<vmem>>
    %dma_start3A_7 = arith.constant 0 : i32
    %dma_start3A_8 = arith.constant 0 : i32
    %dma_start3A_9 = tpu.memref_slice %arg2[%dma_start3A_7, %dma_start3A_8] : memref<20480x56xf32, #tpu.memory_space<hbm>> -> memref<20480x56xf32, #tpu.memory_space<hbm>>
    tpu.enqueue_indirect_dma source(%dma_start3A_9 : memref<20480x56xf32, #tpu.memory_space<hbm>>) target(%dma_start3A_4 : memref<128x56xf32, #tpu.memory_space<vmem>>) offsets(%dma_start3A_6 : memref<128xi32, #tpu.memory_space<vmem>>) semaphore(%arg11 : memref<!tpu.dma_semaphore, #tpu.memory_space<semaphore_mem>>)
    %dma_start3A_10 = arith.constant 1 : i32
    %dma_start3A_11 = arith.constant 0 : i32
    %dma_start3A_12 = arith.constant 0 : i32
    %dma_start3A_13 = tpu.memref_slice %arg9[%dma_start3A_10, %dma_start3A_11, %dma_start3A_12] : memref<8x128x56xf32, #tpu.memory_space<vmem>> -> memref<1x128x56xf32, #tpu.memory_space<vmem>>
    %dma_start3A_14 = tpu.memref_squeeze %dma_start3A_13 : memref<1x128x56xf32, #tpu.memory_space<vmem>> -> memref<128x56xf32, #tpu.memory_space<vmem>>
    %dma_start3A_15 = arith.constant 128 : i32
    %dma_start3A_16 = tpu.memref_slice %arg7[%dma_start3A_15] : memref<10240xi32, #tpu.memory_space<vmem>> -> memref<128xi32, #tpu.memory_space<vmem>>
    %dma_start3A_17 = arith.constant 0 : i32
    %dma_start3A_18 = arith.constant 0 : i32
    %dma_start3A_19 = tpu.memref_slice %arg2[%dma_start3A_17, %dma_start3A_18] : memref<20480x56xf32, #tpu.memory_space<hbm>> -> memref<20480x56xf32, #tpu.memory_space<hbm>>
    tpu.enqueue_indirect_dma source(%dma_start3A_19 : memref<20480x56xf32, #tpu.memory_space<hbm>>) target(%dma_start3A_14 : memref<128x56xf32, #tpu.memory_space<vmem>>) offsets(%dma_start3A_16 : memref<128xi32, #tpu.memory_space<vmem>>) semaphore(%arg11 : memref<!tpu.dma_semaphore, #tpu.memory_space<semaphore_mem>>)
    %dma_start3A_20 = arith.constant 2 : i32
    %dma_start3A_21 = arith.constant 0 : i32
    %dma_start3A_22 = arith.constant 0 : i32
    %dma_start3A_23 = tpu.memref_slice %arg9[%dma_start3A_20, %dma_start3A_21, %dma_start3A_22] : memref<8x128x56xf32, #tpu.memory_space<vmem>> -> memref<1x128x56xf32, #tpu.memory_space<vmem>>
    %dma_start3A_24 = tpu.memref_squeeze %dma_start3A_23 : memref<1x128x56xf32, #tpu.memory_space<vmem>> -> memref<128x56xf32, #tpu.memory_space<vmem>>
    %dma_start3A_25 = arith.constant 256 : i32
    %dma_start3A_26 = tpu.memref_slice %arg7[%dma_start3A_25] : memref<10240xi32, #tpu.memory_space<vmem>> -> memref<128xi32, #tpu.memory_space<vmem>>
    %dma_start3A_27 = arith.constant 0 : i32
    %dma_start3A_28 = arith.constant 0 : i32
    %dma_start3A_29 = tpu.memref_slice %arg2[%dma_start3A_27, %dma_start3A_28] : memref<20480x56xf32, #tpu.memory_space<hbm>> -> memref<20480x56xf32, #tpu.memory_space<hbm>>
    tpu.enqueue_indirect_dma source(%dma_start3A_29 : memref<20480x56xf32, #tpu.memory_space<hbm>>) target(%dma_start3A_24 : memref<128x56xf32, #tpu.memory_space<vmem>>) offsets(%dma_start3A_26 : memref<128xi32, #tpu.memory_space<vmem>>) semaphore(%arg11 : memref<!tpu.dma_semaphore, #tpu.memory_space<semaphore_mem>>)
    %dma_start3A_30 = arith.constant 3 : i32
    %dma_start3A_31 = arith.constant 0 : i32
    %dma_start3A_32 = arith.constant 0 : i32
    %dma_start3A_33 = tpu.memref_slice %arg9[%dma_start3A_30, %dma_start3A_31, %dma_start3A_32] : memref<8x128x56xf32, #tpu.memory_space<vmem>> -> memref<1x128x56xf32, #tpu.memory_space<vmem>>
    %dma_start3A_34 = tpu.memref_squeeze %dma_start3A_33 : memref<1x128x56xf32, #tpu.memory_space<vmem>> -> memref<128x56xf32, #tpu.memory_space<vmem>>
    %dma_start3A_35 = arith.constant 384 : i32
    %dma_start3A_36 = tpu.memref_slice %arg7[%dma_start3A_35] : memref<10240xi32, #tpu.memory_space<vmem>> -> memref<128xi32, #tpu.memory_space<vmem>>
    %dma_start3A_37 = arith.constant 0 : i32
    %dma_start3A_38 = arith.constant 0 : i32
    %dma_start3A_39 = tpu.memref_slice %arg2[%dma_start3A_37, %dma_start3A_38] : memref<20480x56xf32, #tpu.memory_space<hbm>> -> memref<20480x56xf32, #tpu.memory_space<hbm>>
    tpu.enqueue_indirect_dma source(%dma_start3A_39 : memref<20480x56xf32, #tpu.memory_space<hbm>>) target(%dma_start3A_34 : memref<128x56xf32, #tpu.memory_space<vmem>>) offsets(%dma_start3A_36 : memref<128xi32, #tpu.memory_space<vmem>>) semaphore(%arg11 : memref<!tpu.dma_semaphore, #tpu.memory_space<semaphore_mem>>)
    %scan3A = arith.constant 0 : i32
    %scan3A_40 = arith.constant 0 : i32
    %scan3A_41 = arith.constant 10 : i32
    %scan3A_42 = arith.addi %scan3A_40, %scan3A_41 : i32
    %scan3A_43 = arith.constant 1 : i32
    scf.for %scan3A_99 = %scan3A_40 to %scan3A_42 step %scan3A_43  : i32 {
      %mul3A_100 = arith.constant 2 : i32
      %mul3A_101 = arith.muli %scan3A_99, %mul3A_100 : i32
      %mul3A_102 = arith.constant 4 : i32
      %mul3A_103 = arith.muli %mul3A_101, %mul3A_102 : i32
      %add3A_104 = arith.constant 4 : i32
      %add3A_105 = arith.addi %mul3A_103, %add3A_104 : i32
      %gt3A = arith.constant 0 : i32
      %gt3A_106 = arith.cmpi sgt, %scan3A_99, %gt3A : i32
      %convert_element_type3A = arith.extui %gt3A_106 : i1 to i32
      %cond3A = arith.constant 0 : i32
      %cond3A_107 = arith.cmpi ne, %convert_element_type3A, %cond3A : i32
      scf.if %cond3A_107 {
        %sub3A = arith.constant 4 : i32
        %sub3A_424 = arith.subi %mul3A_103, %sub3A : i32
        %add3A_425 = arith.constant 0 : i32
        %add3A_426 = arith.addi %sub3A_424, %add3A_425 : i32
        %dma_wait3A_427 = arith.constant 4 : i32
        %dma_wait3A_428 = arith.constant 0 : i32
        %dma_wait3A_429 = arith.constant 0 : i32
        %dma_wait3A_430 = tpu.memref_slice %arg9[%dma_wait3A_427, %dma_wait3A_428, %dma_wait3A_429] : memref<8x128x56xf32, #tpu.memory_space<vmem>> -> memref<1x128x56xf32, #tpu.memory_space<vmem>>
        %dma_wait3A_431 = tpu.memref_squeeze %dma_wait3A_430 : memref<1x128x56xf32, #tpu.memory_space<vmem>> -> memref<128x56xf32, #tpu.memory_space<vmem>>
        %dma_wait3A_432 = arith.constant 0 : i32
        %dma_wait3A_433 = tpu.memref_slice %arg8[%add3A_426, %dma_wait3A_432] : memref<80x128xi32, #tpu.memory_space<vmem>> -> memref<1x128xi32, #tpu.memory_space<vmem>>
        %dma_wait3A_434 = tpu.memref_squeeze %dma_wait3A_433 : memref<1x128xi32, #tpu.memory_space<vmem>> -> memref<128xi32, #tpu.memory_space<vmem>>
        %dma_wait3A_435 = arith.constant 0 : i32
        %dma_wait3A_436 = arith.constant 0 : i32
        %dma_wait3A_437 = tpu.memref_slice %arg10[%dma_wait3A_435, %dma_wait3A_436] : memref<10240x56xf32, #tpu.memory_space<vmem_shared>> -> memref<10240x56xf32, #tpu.memory_space<vmem_shared>>
        tpu.wait_indirect_dma semaphore(%arg14 : memref<!tpu.dma_semaphore, #tpu.memory_space<semaphore_mem>>) src(%dma_wait3A_431 : memref<128x56xf32, #tpu.memory_space<vmem>>) dst(%dma_wait3A_437 : memref<10240x56xf32, #tpu.memory_space<vmem_shared>>)
        %add3A_438 = arith.constant 1 : i32
        %add3A_439 = arith.addi %sub3A_424, %add3A_438 : i32
        %dma_wait3A_440 = arith.constant 5 : i32
        %dma_wait3A_441 = arith.constant 0 : i32
        %dma_wait3A_442 = arith.constant 0 : i32
        %dma_wait3A_443 = tpu.memref_slice %arg9[%dma_wait3A_440, %dma_wait3A_441, %dma_wait3A_442] : memref<8x128x56xf32, #tpu.memory_space<vmem>> -> memref<1x128x56xf32, #tpu.memory_space<vmem>>
        %dma_wait3A_444 = tpu.memref_squeeze %dma_wait3A_443 : memref<1x128x56xf32, #tpu.memory_space<vmem>> -> memref<128x56xf32, #tpu.memory_space<vmem>>
        %dma_wait3A_445 = arith.constant 0 : i32
        %dma_wait3A_446 = tpu.memref_slice %arg8[%add3A_439, %dma_wait3A_445] : memref<80x128xi32, #tpu.memory_space<vmem>> -> memref<1x128xi32, #tpu.memory_space<vmem>>
        %dma_wait3A_447 = tpu.memref_squeeze %dma_wait3A_446 : memref<1x128xi32, #tpu.memory_space<vmem>> -> memref<128xi32, #tpu.memory_space<vmem>>
        %dma_wait3A_448 = arith.constant 0 : i32
        %dma_wait3A_449 = arith.constant 0 : i32
        %dma_wait3A_450 = tpu.memref_slice %arg10[%dma_wait3A_448, %dma_wait3A_449] : memref<10240x56xf32, #tpu.memory_space<vmem_shared>> -> memref<10240x56xf32, #tpu.memory_space<vmem_shared>>
        tpu.wait_indirect_dma semaphore(%arg14 : memref<!tpu.dma_semaphore, #tpu.memory_space<semaphore_mem>>) src(%dma_wait3A_444 : memref<128x56xf32, #tpu.memory_space<vmem>>) dst(%dma_wait3A_450 : memref<10240x56xf32, #tpu.memory_space<vmem_shared>>)
        %add3A_451 = arith.constant 2 : i32
        %add3A_452 = arith.addi %sub3A_424, %add3A_451 : i32
        %dma_wait3A_453 = arith.constant 6 : i32
        %dma_wait3A_454 = arith.constant 0 : i32
        %dma_wait3A_455 = arith.constant 0 : i32
        %dma_wait3A_456 = tpu.memref_slice %arg9[%dma_wait3A_453, %dma_wait3A_454, %dma_wait3A_455] : memref<8x128x56xf32, #tpu.memory_space<vmem>> -> memref<1x128x56xf32, #tpu.memory_space<vmem>>
        %dma_wait3A_457 = tpu.memref_squeeze %dma_wait3A_456 : memref<1x128x56xf32, #tpu.memory_space<vmem>> -> memref<128x56xf32, #tpu.memory_space<vmem>>
        %dma_wait3A_458 = arith.constant 0 : i32
        %dma_wait3A_459 = tpu.memref_slice %arg8[%add3A_452, %dma_wait3A_458] : memref<80x128xi32, #tpu.memory_space<vmem>> -> memref<1x128xi32, #tpu.memory_space<vmem>>
        %dma_wait3A_460 = tpu.memref_squeeze %dma_wait3A_459 : memref<1x128xi32, #tpu.memory_space<vmem>> -> memref<128xi32, #tpu.memory_space<vmem>>
        %dma_wait3A_461 = arith.constant 0 : i32
        %dma_wait3A_462 = arith.constant 0 : i32
        %dma_wait3A_463 = tpu.memref_slice %arg10[%dma_wait3A_461, %dma_wait3A_462] : memref<10240x56xf32, #tpu.memory_space<vmem_shared>> -> memref<10240x56xf32, #tpu.memory_space<vmem_shared>>
        tpu.wait_indirect_dma semaphore(%arg14 : memref<!tpu.dma_semaphore, #tpu.memory_space<semaphore_mem>>) src(%dma_wait3A_457 : memref<128x56xf32, #tpu.memory_space<vmem>>) dst(%dma_wait3A_463 : memref<10240x56xf32, #tpu.memory_space<vmem_shared>>)
        %add3A_464 = arith.constant 3 : i32
        %add3A_465 = arith.addi %sub3A_424, %add3A_464 : i32
        %dma_wait3A_466 = arith.constant 7 : i32
        %dma_wait3A_467 = arith.constant 0 : i32
        %dma_wait3A_468 = arith.constant 0 : i32
        %dma_wait3A_469 = tpu.memref_slice %arg9[%dma_wait3A_466, %dma_wait3A_467, %dma_wait3A_468] : memref<8x128x56xf32, #tpu.memory_space<vmem>> -> memref<1x128x56xf32, #tpu.memory_space<vmem>>
        %dma_wait3A_470 = tpu.memref_squeeze %dma_wait3A_469 : memref<1x128x56xf32, #tpu.memory_space<vmem>> -> memref<128x56xf32, #tpu.memory_space<vmem>>
        %dma_wait3A_471 = arith.constant 0 : i32
        %dma_wait3A_472 = tpu.memref_slice %arg8[%add3A_465, %dma_wait3A_471] : memref<80x128xi32, #tpu.memory_space<vmem>> -> memref<1x128xi32, #tpu.memory_space<vmem>>
        %dma_wait3A_473 = tpu.memref_squeeze %dma_wait3A_472 : memref<1x128xi32, #tpu.memory_space<vmem>> -> memref<128xi32, #tpu.memory_space<vmem>>
        %dma_wait3A_474 = arith.constant 0 : i32
        %dma_wait3A_475 = arith.constant 0 : i32
        %dma_wait3A_476 = tpu.memref_slice %arg10[%dma_wait3A_474, %dma_wait3A_475] : memref<10240x56xf32, #tpu.memory_space<vmem_shared>> -> memref<10240x56xf32, #tpu.memory_space<vmem_shared>>
        tpu.wait_indirect_dma semaphore(%arg14 : memref<!tpu.dma_semaphore, #tpu.memory_space<semaphore_mem>>) src(%dma_wait3A_470 : memref<128x56xf32, #tpu.memory_space<vmem>>) dst(%dma_wait3A_476 : memref<10240x56xf32, #tpu.memory_space<vmem_shared>>)
      } else {
      }
      %add3A_108 = arith.constant 0 : i32
      %add3A_109 = arith.addi %add3A_105, %add3A_108 : i32
      %mul3A_110 = arith.constant 128 : i32
      %mul3A_111 = arith.muli %add3A_109, %mul3A_110 : i32
      %dma_start3A_112 = arith.constant 4 : i32
      %dma_start3A_113 = arith.constant 0 : i32
      %dma_start3A_114 = arith.constant 0 : i32
      %dma_start3A_115 = tpu.memref_slice %arg9[%dma_start3A_112, %dma_start3A_113, %dma_start3A_114] : memref<8x128x56xf32, #tpu.memory_space<vmem>> -> memref<1x128x56xf32, #tpu.memory_space<vmem>>
      %dma_start3A_116 = tpu.memref_squeeze %dma_start3A_115 : memref<1x128x56xf32, #tpu.memory_space<vmem>> -> memref<128x56xf32, #tpu.memory_space<vmem>>
      %dma_start3A_117 = tpu.memref_slice %arg7[%mul3A_111] : memref<10240xi32, #tpu.memory_space<vmem>> -> memref<128xi32, #tpu.memory_space<vmem>>
      %dma_start3A_118 = arith.constant 0 : i32
      %dma_start3A_119 = arith.constant 0 : i32
      %dma_start3A_120 = tpu.memref_slice %arg2[%dma_start3A_118, %dma_start3A_119] : memref<20480x56xf32, #tpu.memory_space<hbm>> -> memref<20480x56xf32, #tpu.memory_space<hbm>>
      tpu.enqueue_indirect_dma source(%dma_start3A_120 : memref<20480x56xf32, #tpu.memory_space<hbm>>) target(%dma_start3A_116 : memref<128x56xf32, #tpu.memory_space<vmem>>) offsets(%dma_start3A_117 : memref<128xi32, #tpu.memory_space<vmem>>) semaphore(%arg12 : memref<!tpu.dma_semaphore, #tpu.memory_space<semaphore_mem>>)
      %add3A_121 = arith.constant 1 : i32
      %add3A_122 = arith.addi %add3A_105, %add3A_121 : i32
      %mul3A_123 = arith.constant 128 : i32
      %mul3A_124 = arith.muli %add3A_122, %mul3A_123 : i32
      %dma_start3A_125 = arith.constant 5 : i32
      %dma_start3A_126 = arith.constant 0 : i32
      %dma_start3A_127 = arith.constant 0 : i32
      %dma_start3A_128 = tpu.memref_slice %arg9[%dma_start3A_125, %dma_start3A_126, %dma_start3A_127] : memref<8x128x56xf32, #tpu.memory_space<vmem>> -> memref<1x128x56xf32, #tpu.memory_space<vmem>>
      %dma_start3A_129 = tpu.memref_squeeze %dma_start3A_128 : memref<1x128x56xf32, #tpu.memory_space<vmem>> -> memref<128x56xf32, #tpu.memory_space<vmem>>
      %dma_start3A_130 = tpu.memref_slice %arg7[%mul3A_124] : memref<10240xi32, #tpu.memory_space<vmem>> -> memref<128xi32, #tpu.memory_space<vmem>>
      %dma_start3A_131 = arith.constant 0 : i32
      %dma_start3A_132 = arith.constant 0 : i32
      %dma_start3A_133 = tpu.memref_slice %arg2[%dma_start3A_131, %dma_start3A_132] : memref<20480x56xf32, #tpu.memory_space<hbm>> -> memref<20480x56xf32, #tpu.memory_space<hbm>>
      tpu.enqueue_indirect_dma source(%dma_start3A_133 : memref<20480x56xf32, #tpu.memory_space<hbm>>) target(%dma_start3A_129 : memref<128x56xf32, #tpu.memory_space<vmem>>) offsets(%dma_start3A_130 : memref<128xi32, #tpu.memory_space<vmem>>) semaphore(%arg12 : memref<!tpu.dma_semaphore, #tpu.memory_space<semaphore_mem>>)
      %add3A_134 = arith.constant 2 : i32
      %add3A_135 = arith.addi %add3A_105, %add3A_134 : i32
      %mul3A_136 = arith.constant 128 : i32
      %mul3A_137 = arith.muli %add3A_135, %mul3A_136 : i32
      %dma_start3A_138 = arith.constant 6 : i32
      %dma_start3A_139 = arith.constant 0 : i32
      %dma_start3A_140 = arith.constant 0 : i32
      %dma_start3A_141 = tpu.memref_slice %arg9[%dma_start3A_138, %dma_start3A_139, %dma_start3A_140] : memref<8x128x56xf32, #tpu.memory_space<vmem>> -> memref<1x128x56xf32, #tpu.memory_space<vmem>>
      %dma_start3A_142 = tpu.memref_squeeze %dma_start3A_141 : memref<1x128x56xf32, #tpu.memory_space<vmem>> -> memref<128x56xf32, #tpu.memory_space<vmem>>
      %dma_start3A_143 = tpu.memref_slice %arg7[%mul3A_137] : memref<10240xi32, #tpu.memory_space<vmem>> -> memref<128xi32, #tpu.memory_space<vmem>>
      %dma_start3A_144 = arith.constant 0 : i32
      %dma_start3A_145 = arith.constant 0 : i32
      %dma_start3A_146 = tpu.memref_slice %arg2[%dma_start3A_144, %dma_start3A_145] : memref<20480x56xf32, #tpu.memory_space<hbm>> -> memref<20480x56xf32, #tpu.memory_space<hbm>>
      tpu.enqueue_indirect_dma source(%dma_start3A_146 : memref<20480x56xf32, #tpu.memory_space<hbm>>) target(%dma_start3A_142 : memref<128x56xf32, #tpu.memory_space<vmem>>) offsets(%dma_start3A_143 : memref<128xi32, #tpu.memory_space<vmem>>) semaphore(%arg12 : memref<!tpu.dma_semaphore, #tpu.memory_space<semaphore_mem>>)
      %add3A_147 = arith.constant 3 : i32
      %add3A_148 = arith.addi %add3A_105, %add3A_147 : i32
      %mul3A_149 = arith.constant 128 : i32
      %mul3A_150 = arith.muli %add3A_148, %mul3A_149 : i32
      %dma_start3A_151 = arith.constant 7 : i32
      %dma_start3A_152 = arith.constant 0 : i32
      %dma_start3A_153 = arith.constant 0 : i32
      %dma_start3A_154 = tpu.memref_slice %arg9[%dma_start3A_151, %dma_start3A_152, %dma_start3A_153] : memref<8x128x56xf32, #tpu.memory_space<vmem>> -> memref<1x128x56xf32, #tpu.memory_space<vmem>>
      %dma_start3A_155 = tpu.memref_squeeze %dma_start3A_154 : memref<1x128x56xf32, #tpu.memory_space<vmem>> -> memref<128x56xf32, #tpu.memory_space<vmem>>
      %dma_start3A_156 = tpu.memref_slice %arg7[%mul3A_150] : memref<10240xi32, #tpu.memory_space<vmem>> -> memref<128xi32, #tpu.memory_space<vmem>>
      %dma_start3A_157 = arith.constant 0 : i32
      %dma_start3A_158 = arith.constant 0 : i32
      %dma_start3A_159 = tpu.memref_slice %arg2[%dma_start3A_157, %dma_start3A_158] : memref<20480x56xf32, #tpu.memory_space<hbm>> -> memref<20480x56xf32, #tpu.memory_space<hbm>>
      tpu.enqueue_indirect_dma source(%dma_start3A_159 : memref<20480x56xf32, #tpu.memory_space<hbm>>) target(%dma_start3A_155 : memref<128x56xf32, #tpu.memory_space<vmem>>) offsets(%dma_start3A_156 : memref<128xi32, #tpu.memory_space<vmem>>) semaphore(%arg12 : memref<!tpu.dma_semaphore, #tpu.memory_space<semaphore_mem>>)
      %add3A_160 = arith.constant 0 : i32
      %add3A_161 = arith.addi %mul3A_103, %add3A_160 : i32
      %mul3A_162 = arith.constant 128 : i32
      %mul3A_163 = arith.muli %add3A_161, %mul3A_162 : i32
      %dma_wait3A_164 = arith.constant 0 : i32
      %dma_wait3A_165 = arith.constant 0 : i32
      %dma_wait3A_166 = arith.constant 0 : i32
      %dma_wait3A_167 = tpu.memref_slice %arg9[%dma_wait3A_164, %dma_wait3A_165, %dma_wait3A_166] : memref<8x128x56xf32, #tpu.memory_space<vmem>> -> memref<1x128x56xf32, #tpu.memory_space<vmem>>
      %dma_wait3A_168 = tpu.memref_squeeze %dma_wait3A_167 : memref<1x128x56xf32, #tpu.memory_space<vmem>> -> memref<128x56xf32, #tpu.memory_space<vmem>>
      %dma_wait3A_169 = tpu.memref_slice %arg7[%mul3A_163] : memref<10240xi32, #tpu.memory_space<vmem>> -> memref<128xi32, #tpu.memory_space<vmem>>
      %dma_wait3A_170 = arith.constant 0 : i32
      %dma_wait3A_171 = arith.constant 0 : i32
      %dma_wait3A_172 = tpu.memref_slice %arg2[%dma_wait3A_170, %dma_wait3A_171] : memref<20480x56xf32, #tpu.memory_space<hbm>> -> memref<20480x56xf32, #tpu.memory_space<hbm>>
      tpu.wait_indirect_dma semaphore(%arg11 : memref<!tpu.dma_semaphore, #tpu.memory_space<semaphore_mem>>) src(%dma_wait3A_172 : memref<20480x56xf32, #tpu.memory_space<hbm>>) dst(%dma_wait3A_168 : memref<128x56xf32, #tpu.memory_space<vmem>>)
      %add3A_173 = arith.constant 1 : i32
      %add3A_174 = arith.addi %mul3A_103, %add3A_173 : i32
      %mul3A_175 = arith.constant 128 : i32
      %mul3A_176 = arith.muli %add3A_174, %mul3A_175 : i32
      %dma_wait3A_177 = arith.constant 1 : i32
      %dma_wait3A_178 = arith.constant 0 : i32
      %dma_wait3A_179 = arith.constant 0 : i32
      %dma_wait3A_180 = tpu.memref_slice %arg9[%dma_wait3A_177, %dma_wait3A_178, %dma_wait3A_179] : memref<8x128x56xf32, #tpu.memory_space<vmem>> -> memref<1x128x56xf32, #tpu.memory_space<vmem>>
      %dma_wait3A_181 = tpu.memref_squeeze %dma_wait3A_180 : memref<1x128x56xf32, #tpu.memory_space<vmem>> -> memref<128x56xf32, #tpu.memory_space<vmem>>
      %dma_wait3A_182 = tpu.memref_slice %arg7[%mul3A_176] : memref<10240xi32, #tpu.memory_space<vmem>> -> memref<128xi32, #tpu.memory_space<vmem>>
      %dma_wait3A_183 = arith.constant 0 : i32
      %dma_wait3A_184 = arith.constant 0 : i32
      %dma_wait3A_185 = tpu.memref_slice %arg2[%dma_wait3A_183, %dma_wait3A_184] : memref<20480x56xf32, #tpu.memory_space<hbm>> -> memref<20480x56xf32, #tpu.memory_space<hbm>>
      tpu.wait_indirect_dma semaphore(%arg11 : memref<!tpu.dma_semaphore, #tpu.memory_space<semaphore_mem>>) src(%dma_wait3A_185 : memref<20480x56xf32, #tpu.memory_space<hbm>>) dst(%dma_wait3A_181 : memref<128x56xf32, #tpu.memory_space<vmem>>)
      %add3A_186 = arith.constant 2 : i32
      %add3A_187 = arith.addi %mul3A_103, %add3A_186 : i32
      %mul3A_188 = arith.constant 128 : i32
      %mul3A_189 = arith.muli %add3A_187, %mul3A_188 : i32
      %dma_wait3A_190 = arith.constant 2 : i32
      %dma_wait3A_191 = arith.constant 0 : i32
      %dma_wait3A_192 = arith.constant 0 : i32
      %dma_wait3A_193 = tpu.memref_slice %arg9[%dma_wait3A_190, %dma_wait3A_191, %dma_wait3A_192] : memref<8x128x56xf32, #tpu.memory_space<vmem>> -> memref<1x128x56xf32, #tpu.memory_space<vmem>>
      %dma_wait3A_194 = tpu.memref_squeeze %dma_wait3A_193 : memref<1x128x56xf32, #tpu.memory_space<vmem>> -> memref<128x56xf32, #tpu.memory_space<vmem>>
      %dma_wait3A_195 = tpu.memref_slice %arg7[%mul3A_189] : memref<10240xi32, #tpu.memory_space<vmem>> -> memref<128xi32, #tpu.memory_space<vmem>>
      %dma_wait3A_196 = arith.constant 0 : i32
      %dma_wait3A_197 = arith.constant 0 : i32
      %dma_wait3A_198 = tpu.memref_slice %arg2[%dma_wait3A_196, %dma_wait3A_197] : memref<20480x56xf32, #tpu.memory_space<hbm>> -> memref<20480x56xf32, #tpu.memory_space<hbm>>
      tpu.wait_indirect_dma semaphore(%arg11 : memref<!tpu.dma_semaphore, #tpu.memory_space<semaphore_mem>>) src(%dma_wait3A_198 : memref<20480x56xf32, #tpu.memory_space<hbm>>) dst(%dma_wait3A_194 : memref<128x56xf32, #tpu.memory_space<vmem>>)
      %add3A_199 = arith.constant 3 : i32
      %add3A_200 = arith.addi %mul3A_103, %add3A_199 : i32
      %mul3A_201 = arith.constant 128 : i32
      %mul3A_202 = arith.muli %add3A_200, %mul3A_201 : i32
      %dma_wait3A_203 = arith.constant 3 : i32
      %dma_wait3A_204 = arith.constant 0 : i32
      %dma_wait3A_205 = arith.constant 0 : i32
      %dma_wait3A_206 = tpu.memref_slice %arg9[%dma_wait3A_203, %dma_wait3A_204, %dma_wait3A_205] : memref<8x128x56xf32, #tpu.memory_space<vmem>> -> memref<1x128x56xf32, #tpu.memory_space<vmem>>
      %dma_wait3A_207 = tpu.memref_squeeze %dma_wait3A_206 : memref<1x128x56xf32, #tpu.memory_space<vmem>> -> memref<128x56xf32, #tpu.memory_space<vmem>>
      %dma_wait3A_208 = tpu.memref_slice %arg7[%mul3A_202] : memref<10240xi32, #tpu.memory_space<vmem>> -> memref<128xi32, #tpu.memory_space<vmem>>
      %dma_wait3A_209 = arith.constant 0 : i32
      %dma_wait3A_210 = arith.constant 0 : i32
      %dma_wait3A_211 = tpu.memref_slice %arg2[%dma_wait3A_209, %dma_wait3A_210] : memref<20480x56xf32, #tpu.memory_space<hbm>> -> memref<20480x56xf32, #tpu.memory_space<hbm>>
      tpu.wait_indirect_dma semaphore(%arg11 : memref<!tpu.dma_semaphore, #tpu.memory_space<semaphore_mem>>) src(%dma_wait3A_211 : memref<20480x56xf32, #tpu.memory_space<hbm>>) dst(%dma_wait3A_207 : memref<128x56xf32, #tpu.memory_space<vmem>>)
      %add3A_212 = arith.constant 0 : i32
      %add3A_213 = arith.addi %mul3A_103, %add3A_212 : i32
      %dma_start3A_214 = arith.constant 0 : i32
      %dma_start3A_215 = arith.constant 0 : i32
      %dma_start3A_216 = arith.constant 0 : i32
      %dma_start3A_217 = tpu.memref_slice %arg9[%dma_start3A_214, %dma_start3A_215, %dma_start3A_216] : memref<8x128x56xf32, #tpu.memory_space<vmem>> -> memref<1x128x56xf32, #tpu.memory_space<vmem>>
      %dma_start3A_218 = tpu.memref_squeeze %dma_start3A_217 : memref<1x128x56xf32, #tpu.memory_space<vmem>> -> memref<128x56xf32, #tpu.memory_space<vmem>>
      %dma_start3A_219 = arith.constant 0 : i32
      %dma_start3A_220 = tpu.memref_slice %arg8[%add3A_213, %dma_start3A_219] : memref<80x128xi32, #tpu.memory_space<vmem>> -> memref<1x128xi32, #tpu.memory_space<vmem>>
      %dma_start3A_221 = tpu.memref_squeeze %dma_start3A_220 : memref<1x128xi32, #tpu.memory_space<vmem>> -> memref<128xi32, #tpu.memory_space<vmem>>
      %dma_start3A_222 = arith.constant 0 : i32
      %dma_start3A_223 = arith.constant 0 : i32
      %dma_start3A_224 = tpu.memref_slice %arg10[%dma_start3A_222, %dma_start3A_223] : memref<10240x56xf32, #tpu.memory_space<vmem_shared>> -> memref<10240x56xf32, #tpu.memory_space<vmem_shared>>
      tpu.enqueue_indirect_dma source(%dma_start3A_218 : memref<128x56xf32, #tpu.memory_space<vmem>>) target(%dma_start3A_224 : memref<10240x56xf32, #tpu.memory_space<vmem_shared>>) offsets(%dma_start3A_221 : memref<128xi32, #tpu.memory_space<vmem>>) semaphore(%arg13 : memref<!tpu.dma_semaphore, #tpu.memory_space<semaphore_mem>>) {add = true}
      %add3A_225 = arith.constant 1 : i32
      %add3A_226 = arith.addi %mul3A_103, %add3A_225 : i32
      %dma_start3A_227 = arith.constant 1 : i32
      %dma_start3A_228 = arith.constant 0 : i32
      %dma_start3A_229 = arith.constant 0 : i32
      %dma_start3A_230 = tpu.memref_slice %arg9[%dma_start3A_227, %dma_start3A_228, %dma_start3A_229] : memref<8x128x56xf32, #tpu.memory_space<vmem>> -> memref<1x128x56xf32, #tpu.memory_space<vmem>>
      %dma_start3A_231 = tpu.memref_squeeze %dma_start3A_230 : memref<1x128x56xf32, #tpu.memory_space<vmem>> -> memref<128x56xf32, #tpu.memory_space<vmem>>
      %dma_start3A_232 = arith.constant 0 : i32
      %dma_start3A_233 = tpu.memref_slice %arg8[%add3A_226, %dma_start3A_232] : memref<80x128xi32, #tpu.memory_space<vmem>> -> memref<1x128xi32, #tpu.memory_space<vmem>>
      %dma_start3A_234 = tpu.memref_squeeze %dma_start3A_233 : memref<1x128xi32, #tpu.memory_space<vmem>> -> memref<128xi32, #tpu.memory_space<vmem>>
      %dma_start3A_235 = arith.constant 0 : i32
      %dma_start3A_236 = arith.constant 0 : i32
      %dma_start3A_237 = tpu.memref_slice %arg10[%dma_start3A_235, %dma_start3A_236] : memref<10240x56xf32, #tpu.memory_space<vmem_shared>> -> memref<10240x56xf32, #tpu.memory_space<vmem_shared>>
      tpu.enqueue_indirect_dma source(%dma_start3A_231 : memref<128x56xf32, #tpu.memory_space<vmem>>) target(%dma_start3A_237 : memref<10240x56xf32, #tpu.memory_space<vmem_shared>>) offsets(%dma_start3A_234 : memref<128xi32, #tpu.memory_space<vmem>>) semaphore(%arg13 : memref<!tpu.dma_semaphore, #tpu.memory_space<semaphore_mem>>) {add = true}
      %add3A_238 = arith.constant 2 : i32
      %add3A_239 = arith.addi %mul3A_103, %add3A_238 : i32
      %dma_start3A_240 = arith.constant 2 : i32
      %dma_start3A_241 = arith.constant 0 : i32
      %dma_start3A_242 = arith.constant 0 : i32
      %dma_start3A_243 = tpu.memref_slice %arg9[%dma_start3A_240, %dma_start3A_241, %dma_start3A_242] : memref<8x128x56xf32, #tpu.memory_space<vmem>> -> memref<1x128x56xf32, #tpu.memory_space<vmem>>
      %dma_start3A_244 = tpu.memref_squeeze %dma_start3A_243 : memref<1x128x56xf32, #tpu.memory_space<vmem>> -> memref<128x56xf32, #tpu.memory_space<vmem>>
      %dma_start3A_245 = arith.constant 0 : i32
      %dma_start3A_246 = tpu.memref_slice %arg8[%add3A_239, %dma_start3A_245] : memref<80x128xi32, #tpu.memory_space<vmem>> -> memref<1x128xi32, #tpu.memory_space<vmem>>
      %dma_start3A_247 = tpu.memref_squeeze %dma_start3A_246 : memref<1x128xi32, #tpu.memory_space<vmem>> -> memref<128xi32, #tpu.memory_space<vmem>>
      %dma_start3A_248 = arith.constant 0 : i32
      %dma_start3A_249 = arith.constant 0 : i32
      %dma_start3A_250 = tpu.memref_slice %arg10[%dma_start3A_248, %dma_start3A_249] : memref<10240x56xf32, #tpu.memory_space<vmem_shared>> -> memref<10240x56xf32, #tpu.memory_space<vmem_shared>>
      tpu.enqueue_indirect_dma source(%dma_start3A_244 : memref<128x56xf32, #tpu.memory_space<vmem>>) target(%dma_start3A_250 : memref<10240x56xf32, #tpu.memory_space<vmem_shared>>) offsets(%dma_start3A_247 : memref<128xi32, #tpu.memory_space<vmem>>) semaphore(%arg13 : memref<!tpu.dma_semaphore, #tpu.memory_space<semaphore_mem>>) {add = true}
      %add3A_251 = arith.constant 3 : i32
      %add3A_252 = arith.addi %mul3A_103, %add3A_251 : i32
      %dma_start3A_253 = arith.constant 3 : i32
      %dma_start3A_254 = arith.constant 0 : i32
      %dma_start3A_255 = arith.constant 0 : i32
      %dma_start3A_256 = tpu.memref_slice %arg9[%dma_start3A_253, %dma_start3A_254, %dma_start3A_255] : memref<8x128x56xf32, #tpu.memory_space<vmem>> -> memref<1x128x56xf32, #tpu.memory_space<vmem>>
      %dma_start3A_257 = tpu.memref_squeeze %dma_start3A_256 : memref<1x128x56xf32, #tpu.memory_space<vmem>> -> memref<128x56xf32, #tpu.memory_space<vmem>>
      %dma_start3A_258 = arith.constant 0 : i32
      %dma_start3A_259 = tpu.memref_slice %arg8[%add3A_252, %dma_start3A_258] : memref<80x128xi32, #tpu.memory_space<vmem>> -> memref<1x128xi32, #tpu.memory_space<vmem>>
      %dma_start3A_260 = tpu.memref_squeeze %dma_start3A_259 : memref<1x128xi32, #tpu.memory_space<vmem>> -> memref<128xi32, #tpu.memory_space<vmem>>
      %dma_start3A_261 = arith.constant 0 : i32
      %dma_start3A_262 = arith.constant 0 : i32
      %dma_start3A_263 = tpu.memref_slice %arg10[%dma_start3A_261, %dma_start3A_262] : memref<10240x56xf32, #tpu.memory_space<vmem_shared>> -> memref<10240x56xf32, #tpu.memory_space<vmem_shared>>
      tpu.enqueue_indirect_dma source(%dma_start3A_257 : memref<128x56xf32, #tpu.memory_space<vmem>>) target(%dma_start3A_263 : memref<10240x56xf32, #tpu.memory_space<vmem_shared>>) offsets(%dma_start3A_260 : memref<128xi32, #tpu.memory_space<vmem>>) semaphore(%arg13 : memref<!tpu.dma_semaphore, #tpu.memory_space<semaphore_mem>>) {add = true}
      %add3A_264 = arith.constant 0 : i32
      %add3A_265 = arith.addi %add3A_105, %add3A_264 : i32
      %mul3A_266 = arith.constant 128 : i32
      %mul3A_267 = arith.muli %add3A_265, %mul3A_266 : i32
      %dma_wait3A_268 = arith.constant 4 : i32
      %dma_wait3A_269 = arith.constant 0 : i32
      %dma_wait3A_270 = arith.constant 0 : i32
      %dma_wait3A_271 = tpu.memref_slice %arg9[%dma_wait3A_268, %dma_wait3A_269, %dma_wait3A_270] : memref<8x128x56xf32, #tpu.memory_space<vmem>> -> memref<1x128x56xf32, #tpu.memory_space<vmem>>
      %dma_wait3A_272 = tpu.memref_squeeze %dma_wait3A_271 : memref<1x128x56xf32, #tpu.memory_space<vmem>> -> memref<128x56xf32, #tpu.memory_space<vmem>>
      %dma_wait3A_273 = tpu.memref_slice %arg7[%mul3A_267] : memref<10240xi32, #tpu.memory_space<vmem>> -> memref<128xi32, #tpu.memory_space<vmem>>
      %dma_wait3A_274 = arith.constant 0 : i32
      %dma_wait3A_275 = arith.constant 0 : i32
      %dma_wait3A_276 = tpu.memref_slice %arg2[%dma_wait3A_274, %dma_wait3A_275] : memref<20480x56xf32, #tpu.memory_space<hbm>> -> memref<20480x56xf32, #tpu.memory_space<hbm>>
      tpu.wait_indirect_dma semaphore(%arg12 : memref<!tpu.dma_semaphore, #tpu.memory_space<semaphore_mem>>) src(%dma_wait3A_276 : memref<20480x56xf32, #tpu.memory_space<hbm>>) dst(%dma_wait3A_272 : memref<128x56xf32, #tpu.memory_space<vmem>>)
      %add3A_277 = arith.constant 1 : i32
      %add3A_278 = arith.addi %add3A_105, %add3A_277 : i32
      %mul3A_279 = arith.constant 128 : i32
      %mul3A_280 = arith.muli %add3A_278, %mul3A_279 : i32
      %dma_wait3A_281 = arith.constant 5 : i32
      %dma_wait3A_282 = arith.constant 0 : i32
      %dma_wait3A_283 = arith.constant 0 : i32
      %dma_wait3A_284 = tpu.memref_slice %arg9[%dma_wait3A_281, %dma_wait3A_282, %dma_wait3A_283] : memref<8x128x56xf32, #tpu.memory_space<vmem>> -> memref<1x128x56xf32, #tpu.memory_space<vmem>>
      %dma_wait3A_285 = tpu.memref_squeeze %dma_wait3A_284 : memref<1x128x56xf32, #tpu.memory_space<vmem>> -> memref<128x56xf32, #tpu.memory_space<vmem>>
      %dma_wait3A_286 = tpu.memref_slice %arg7[%mul3A_280] : memref<10240xi32, #tpu.memory_space<vmem>> -> memref<128xi32, #tpu.memory_space<vmem>>
      %dma_wait3A_287 = arith.constant 0 : i32
      %dma_wait3A_288 = arith.constant 0 : i32
      %dma_wait3A_289 = tpu.memref_slice %arg2[%dma_wait3A_287, %dma_wait3A_288] : memref<20480x56xf32, #tpu.memory_space<hbm>> -> memref<20480x56xf32, #tpu.memory_space<hbm>>
      tpu.wait_indirect_dma semaphore(%arg12 : memref<!tpu.dma_semaphore, #tpu.memory_space<semaphore_mem>>) src(%dma_wait3A_289 : memref<20480x56xf32, #tpu.memory_space<hbm>>) dst(%dma_wait3A_285 : memref<128x56xf32, #tpu.memory_space<vmem>>)
      %add3A_290 = arith.constant 2 : i32
      %add3A_291 = arith.addi %add3A_105, %add3A_290 : i32
      %mul3A_292 = arith.constant 128 : i32
      %mul3A_293 = arith.muli %add3A_291, %mul3A_292 : i32
      %dma_wait3A_294 = arith.constant 6 : i32
      %dma_wait3A_295 = arith.constant 0 : i32
      %dma_wait3A_296 = arith.constant 0 : i32
      %dma_wait3A_297 = tpu.memref_slice %arg9[%dma_wait3A_294, %dma_wait3A_295, %dma_wait3A_296] : memref<8x128x56xf32, #tpu.memory_space<vmem>> -> memref<1x128x56xf32, #tpu.memory_space<vmem>>
      %dma_wait3A_298 = tpu.memref_squeeze %dma_wait3A_297 : memref<1x128x56xf32, #tpu.memory_space<vmem>> -> memref<128x56xf32, #tpu.memory_space<vmem>>
      %dma_wait3A_299 = tpu.memref_slice %arg7[%mul3A_293] : memref<10240xi32, #tpu.memory_space<vmem>> -> memref<128xi32, #tpu.memory_space<vmem>>
      %dma_wait3A_300 = arith.constant 0 : i32
      %dma_wait3A_301 = arith.constant 0 : i32
      %dma_wait3A_302 = tpu.memref_slice %arg2[%dma_wait3A_300, %dma_wait3A_301] : memref<20480x56xf32, #tpu.memory_space<hbm>> -> memref<20480x56xf32, #tpu.memory_space<hbm>>
      tpu.wait_indirect_dma semaphore(%arg12 : memref<!tpu.dma_semaphore, #tpu.memory_space<semaphore_mem>>) src(%dma_wait3A_302 : memref<20480x56xf32, #tpu.memory_space<hbm>>) dst(%dma_wait3A_298 : memref<128x56xf32, #tpu.memory_space<vmem>>)
      %add3A_303 = arith.constant 3 : i32
      %add3A_304 = arith.addi %add3A_105, %add3A_303 : i32
      %mul3A_305 = arith.constant 128 : i32
      %mul3A_306 = arith.muli %add3A_304, %mul3A_305 : i32
      %dma_wait3A_307 = arith.constant 7 : i32
      %dma_wait3A_308 = arith.constant 0 : i32
      %dma_wait3A_309 = arith.constant 0 : i32
      %dma_wait3A_310 = tpu.memref_slice %arg9[%dma_wait3A_307, %dma_wait3A_308, %dma_wait3A_309] : memref<8x128x56xf32, #tpu.memory_space<vmem>> -> memref<1x128x56xf32, #tpu.memory_space<vmem>>
      %dma_wait3A_311 = tpu.memref_squeeze %dma_wait3A_310 : memref<1x128x56xf32, #tpu.memory_space<vmem>> -> memref<128x56xf32, #tpu.memory_space<vmem>>
      %dma_wait3A_312 = tpu.memref_slice %arg7[%mul3A_306] : memref<10240xi32, #tpu.memory_space<vmem>> -> memref<128xi32, #tpu.memory_space<vmem>>
      %dma_wait3A_313 = arith.constant 0 : i32
      %dma_wait3A_314 = arith.constant 0 : i32
      %dma_wait3A_315 = tpu.memref_slice %arg2[%dma_wait3A_313, %dma_wait3A_314] : memref<20480x56xf32, #tpu.memory_space<hbm>> -> memref<20480x56xf32, #tpu.memory_space<hbm>>
      tpu.wait_indirect_dma semaphore(%arg12 : memref<!tpu.dma_semaphore, #tpu.memory_space<semaphore_mem>>) src(%dma_wait3A_315 : memref<20480x56xf32, #tpu.memory_space<hbm>>) dst(%dma_wait3A_311 : memref<128x56xf32, #tpu.memory_space<vmem>>)
      %add3A_316 = arith.constant 0 : i32
      %add3A_317 = arith.addi %add3A_105, %add3A_316 : i32
      %dma_start3A_318 = arith.constant 4 : i32
      %dma_start3A_319 = arith.constant 0 : i32
      %dma_start3A_320 = arith.constant 0 : i32
      %dma_start3A_321 = tpu.memref_slice %arg9[%dma_start3A_318, %dma_start3A_319, %dma_start3A_320] : memref<8x128x56xf32, #tpu.memory_space<vmem>> -> memref<1x128x56xf32, #tpu.memory_space<vmem>>
      %dma_start3A_322 = tpu.memref_squeeze %dma_start3A_321 : memref<1x128x56xf32, #tpu.memory_space<vmem>> -> memref<128x56xf32, #tpu.memory_space<vmem>>
      %dma_start3A_323 = arith.constant 0 : i32
      %dma_start3A_324 = tpu.memref_slice %arg8[%add3A_317, %dma_start3A_323] : memref<80x128xi32, #tpu.memory_space<vmem>> -> memref<1x128xi32, #tpu.memory_space<vmem>>
      %dma_start3A_325 = tpu.memref_squeeze %dma_start3A_324 : memref<1x128xi32, #tpu.memory_space<vmem>> -> memref<128xi32, #tpu.memory_space<vmem>>
      %dma_start3A_326 = arith.constant 0 : i32
      %dma_start3A_327 = arith.constant 0 : i32
      %dma_start3A_328 = tpu.memref_slice %arg10[%dma_start3A_326, %dma_start3A_327] : memref<10240x56xf32, #tpu.memory_space<vmem_shared>> -> memref<10240x56xf32, #tpu.memory_space<vmem_shared>>
      tpu.enqueue_indirect_dma source(%dma_start3A_322 : memref<128x56xf32, #tpu.memory_space<vmem>>) target(%dma_start3A_328 : memref<10240x56xf32, #tpu.memory_space<vmem_shared>>) offsets(%dma_start3A_325 : memref<128xi32, #tpu.memory_space<vmem>>) semaphore(%arg14 : memref<!tpu.dma_semaphore, #tpu.memory_space<semaphore_mem>>) {add = true}
      %add3A_329 = arith.constant 1 : i32
      %add3A_330 = arith.addi %add3A_105, %add3A_329 : i32
      %dma_start3A_331 = arith.constant 5 : i32
      %dma_start3A_332 = arith.constant 0 : i32
      %dma_start3A_333 = arith.constant 0 : i32
      %dma_start3A_334 = tpu.memref_slice %arg9[%dma_start3A_331, %dma_start3A_332, %dma_start3A_333] : memref<8x128x56xf32, #tpu.memory_space<vmem>> -> memref<1x128x56xf32, #tpu.memory_space<vmem>>
      %dma_start3A_335 = tpu.memref_squeeze %dma_start3A_334 : memref<1x128x56xf32, #tpu.memory_space<vmem>> -> memref<128x56xf32, #tpu.memory_space<vmem>>
      %dma_start3A_336 = arith.constant 0 : i32
      %dma_start3A_337 = tpu.memref_slice %arg8[%add3A_330, %dma_start3A_336] : memref<80x128xi32, #tpu.memory_space<vmem>> -> memref<1x128xi32, #tpu.memory_space<vmem>>
      %dma_start3A_338 = tpu.memref_squeeze %dma_start3A_337 : memref<1x128xi32, #tpu.memory_space<vmem>> -> memref<128xi32, #tpu.memory_space<vmem>>
      %dma_start3A_339 = arith.constant 0 : i32
      %dma_start3A_340 = arith.constant 0 : i32
      %dma_start3A_341 = tpu.memref_slice %arg10[%dma_start3A_339, %dma_start3A_340] : memref<10240x56xf32, #tpu.memory_space<vmem_shared>> -> memref<10240x56xf32, #tpu.memory_space<vmem_shared>>
      tpu.enqueue_indirect_dma source(%dma_start3A_335 : memref<128x56xf32, #tpu.memory_space<vmem>>) target(%dma_start3A_341 : memref<10240x56xf32, #tpu.memory_space<vmem_shared>>) offsets(%dma_start3A_338 : memref<128xi32, #tpu.memory_space<vmem>>) semaphore(%arg14 : memref<!tpu.dma_semaphore, #tpu.memory_space<semaphore_mem>>) {add = true}
      %add3A_342 = arith.constant 2 : i32
      %add3A_343 = arith.addi %add3A_105, %add3A_342 : i32
      %dma_start3A_344 = arith.constant 6 : i32
      %dma_start3A_345 = arith.constant 0 : i32
      %dma_start3A_346 = arith.constant 0 : i32
      %dma_start3A_347 = tpu.memref_slice %arg9[%dma_start3A_344, %dma_start3A_345, %dma_start3A_346] : memref<8x128x56xf32, #tpu.memory_space<vmem>> -> memref<1x128x56xf32, #tpu.memory_space<vmem>>
      %dma_start3A_348 = tpu.memref_squeeze %dma_start3A_347 : memref<1x128x56xf32, #tpu.memory_space<vmem>> -> memref<128x56xf32, #tpu.memory_space<vmem>>
      %dma_start3A_349 = arith.constant 0 : i32
      %dma_start3A_350 = tpu.memref_slice %arg8[%add3A_343, %dma_start3A_349] : memref<80x128xi32, #tpu.memory_space<vmem>> -> memref<1x128xi32, #tpu.memory_space<vmem>>
      %dma_start3A_351 = tpu.memref_squeeze %dma_start3A_350 : memref<1x128xi32, #tpu.memory_space<vmem>> -> memref<128xi32, #tpu.memory_space<vmem>>
      %dma_start3A_352 = arith.constant 0 : i32
      %dma_start3A_353 = arith.constant 0 : i32
      %dma_start3A_354 = tpu.memref_slice %arg10[%dma_start3A_352, %dma_start3A_353] : memref<10240x56xf32, #tpu.memory_space<vmem_shared>> -> memref<10240x56xf32, #tpu.memory_space<vmem_shared>>
      tpu.enqueue_indirect_dma source(%dma_start3A_348 : memref<128x56xf32, #tpu.memory_space<vmem>>) target(%dma_start3A_354 : memref<10240x56xf32, #tpu.memory_space<vmem_shared>>) offsets(%dma_start3A_351 : memref<128xi32, #tpu.memory_space<vmem>>) semaphore(%arg14 : memref<!tpu.dma_semaphore, #tpu.memory_space<semaphore_mem>>) {add = true}
      %add3A_355 = arith.constant 3 : i32
      %add3A_356 = arith.addi %add3A_105, %add3A_355 : i32
      %dma_start3A_357 = arith.constant 7 : i32
      %dma_start3A_358 = arith.constant 0 : i32
      %dma_start3A_359 = arith.constant 0 : i32
      %dma_start3A_360 = tpu.memref_slice %arg9[%dma_start3A_357, %dma_start3A_358, %dma_start3A_359] : memref<8x128x56xf32, #tpu.memory_space<vmem>> -> memref<1x128x56xf32, #tpu.memory_space<vmem>>
      %dma_start3A_361 = tpu.memref_squeeze %dma_start3A_360 : memref<1x128x56xf32, #tpu.memory_space<vmem>> -> memref<128x56xf32, #tpu.memory_space<vmem>>
      %dma_start3A_362 = arith.constant 0 : i32
      %dma_start3A_363 = tpu.memref_slice %arg8[%add3A_356, %dma_start3A_362] : memref<80x128xi32, #tpu.memory_space<vmem>> -> memref<1x128xi32, #tpu.memory_space<vmem>>
      %dma_start3A_364 = tpu.memref_squeeze %dma_start3A_363 : memref<1x128xi32, #tpu.memory_space<vmem>> -> memref<128xi32, #tpu.memory_space<vmem>>
      %dma_start3A_365 = arith.constant 0 : i32
      %dma_start3A_366 = arith.constant 0 : i32
      %dma_start3A_367 = tpu.memref_slice %arg10[%dma_start3A_365, %dma_start3A_366] : memref<10240x56xf32, #tpu.memory_space<vmem_shared>> -> memref<10240x56xf32, #tpu.memory_space<vmem_shared>>
      tpu.enqueue_indirect_dma source(%dma_start3A_361 : memref<128x56xf32, #tpu.memory_space<vmem>>) target(%dma_start3A_367 : memref<10240x56xf32, #tpu.memory_space<vmem_shared>>) offsets(%dma_start3A_364 : memref<128xi32, #tpu.memory_space<vmem>>) semaphore(%arg14 : memref<!tpu.dma_semaphore, #tpu.memory_space<semaphore_mem>>) {add = true}
      %add3A_368 = arith.constant 0 : i32
      %add3A_369 = arith.addi %mul3A_103, %add3A_368 : i32
      %dma_wait3A_370 = arith.constant 0 : i32
      %dma_wait3A_371 = arith.constant 0 : i32
      %dma_wait3A_372 = arith.constant 0 : i32
      %dma_wait3A_373 = tpu.memref_slice %arg9[%dma_wait3A_370, %dma_wait3A_371, %dma_wait3A_372] : memref<8x128x56xf32, #tpu.memory_space<vmem>> -> memref<1x128x56xf32, #tpu.memory_space<vmem>>
      %dma_wait3A_374 = tpu.memref_squeeze %dma_wait3A_373 : memref<1x128x56xf32, #tpu.memory_space<vmem>> -> memref<128x56xf32, #tpu.memory_space<vmem>>
      %dma_wait3A_375 = arith.constant 0 : i32
      %dma_wait3A_376 = tpu.memref_slice %arg8[%add3A_369, %dma_wait3A_375] : memref<80x128xi32, #tpu.memory_space<vmem>> -> memref<1x128xi32, #tpu.memory_space<vmem>>
      %dma_wait3A_377 = tpu.memref_squeeze %dma_wait3A_376 : memref<1x128xi32, #tpu.memory_space<vmem>> -> memref<128xi32, #tpu.memory_space<vmem>>
      %dma_wait3A_378 = arith.constant 0 : i32
      %dma_wait3A_379 = arith.constant 0 : i32
      %dma_wait3A_380 = tpu.memref_slice %arg10[%dma_wait3A_378, %dma_wait3A_379] : memref<10240x56xf32, #tpu.memory_space<vmem_shared>> -> memref<10240x56xf32, #tpu.memory_space<vmem_shared>>
      tpu.wait_indirect_dma semaphore(%arg13 : memref<!tpu.dma_semaphore, #tpu.memory_space<semaphore_mem>>) src(%dma_wait3A_374 : memref<128x56xf32, #tpu.memory_space<vmem>>) dst(%dma_wait3A_380 : memref<10240x56xf32, #tpu.memory_space<vmem_shared>>)
      %add3A_381 = arith.constant 1 : i32
      %add3A_382 = arith.addi %mul3A_103, %add3A_381 : i32
      %dma_wait3A_383 = arith.constant 1 : i32
      %dma_wait3A_384 = arith.constant 0 : i32
      %dma_wait3A_385 = arith.constant 0 : i32
      %dma_wait3A_386 = tpu.memref_slice %arg9[%dma_wait3A_383, %dma_wait3A_384, %dma_wait3A_385] : memref<8x128x56xf32, #tpu.memory_space<vmem>> -> memref<1x128x56xf32, #tpu.memory_space<vmem>>
      %dma_wait3A_387 = tpu.memref_squeeze %dma_wait3A_386 : memref<1x128x56xf32, #tpu.memory_space<vmem>> -> memref<128x56xf32, #tpu.memory_space<vmem>>
      %dma_wait3A_388 = arith.constant 0 : i32
      %dma_wait3A_389 = tpu.memref_slice %arg8[%add3A_382, %dma_wait3A_388] : memref<80x128xi32, #tpu.memory_space<vmem>> -> memref<1x128xi32, #tpu.memory_space<vmem>>
      %dma_wait3A_390 = tpu.memref_squeeze %dma_wait3A_389 : memref<1x128xi32, #tpu.memory_space<vmem>> -> memref<128xi32, #tpu.memory_space<vmem>>
      %dma_wait3A_391 = arith.constant 0 : i32
      %dma_wait3A_392 = arith.constant 0 : i32
      %dma_wait3A_393 = tpu.memref_slice %arg10[%dma_wait3A_391, %dma_wait3A_392] : memref<10240x56xf32, #tpu.memory_space<vmem_shared>> -> memref<10240x56xf32, #tpu.memory_space<vmem_shared>>
      tpu.wait_indirect_dma semaphore(%arg13 : memref<!tpu.dma_semaphore, #tpu.memory_space<semaphore_mem>>) src(%dma_wait3A_387 : memref<128x56xf32, #tpu.memory_space<vmem>>) dst(%dma_wait3A_393 : memref<10240x56xf32, #tpu.memory_space<vmem_shared>>)
      %add3A_394 = arith.constant 2 : i32
      %add3A_395 = arith.addi %mul3A_103, %add3A_394 : i32
      %dma_wait3A_396 = arith.constant 2 : i32
      %dma_wait3A_397 = arith.constant 0 : i32
      %dma_wait3A_398 = arith.constant 0 : i32
      %dma_wait3A_399 = tpu.memref_slice %arg9[%dma_wait3A_396, %dma_wait3A_397, %dma_wait3A_398] : memref<8x128x56xf32, #tpu.memory_space<vmem>> -> memref<1x128x56xf32, #tpu.memory_space<vmem>>
      %dma_wait3A_400 = tpu.memref_squeeze %dma_wait3A_399 : memref<1x128x56xf32, #tpu.memory_space<vmem>> -> memref<128x56xf32, #tpu.memory_space<vmem>>
      %dma_wait3A_401 = arith.constant 0 : i32
      %dma_wait3A_402 = tpu.memref_slice %arg8[%add3A_395, %dma_wait3A_401] : memref<80x128xi32, #tpu.memory_space<vmem>> -> memref<1x128xi32, #tpu.memory_space<vmem>>
      %dma_wait3A_403 = tpu.memref_squeeze %dma_wait3A_402 : memref<1x128xi32, #tpu.memory_space<vmem>> -> memref<128xi32, #tpu.memory_space<vmem>>
      %dma_wait3A_404 = arith.constant 0 : i32
      %dma_wait3A_405 = arith.constant 0 : i32
      %dma_wait3A_406 = tpu.memref_slice %arg10[%dma_wait3A_404, %dma_wait3A_405] : memref<10240x56xf32, #tpu.memory_space<vmem_shared>> -> memref<10240x56xf32, #tpu.memory_space<vmem_shared>>
      tpu.wait_indirect_dma semaphore(%arg13 : memref<!tpu.dma_semaphore, #tpu.memory_space<semaphore_mem>>) src(%dma_wait3A_400 : memref<128x56xf32, #tpu.memory_space<vmem>>) dst(%dma_wait3A_406 : memref<10240x56xf32, #tpu.memory_space<vmem_shared>>)
      %add3A_407 = arith.constant 3 : i32
      %add3A_408 = arith.addi %mul3A_103, %add3A_407 : i32
      %dma_wait3A_409 = arith.constant 3 : i32
      %dma_wait3A_410 = arith.constant 0 : i32
      %dma_wait3A_411 = arith.constant 0 : i32
      %dma_wait3A_412 = tpu.memref_slice %arg9[%dma_wait3A_409, %dma_wait3A_410, %dma_wait3A_411] : memref<8x128x56xf32, #tpu.memory_space<vmem>> -> memref<1x128x56xf32, #tpu.memory_space<vmem>>
      %dma_wait3A_413 = tpu.memref_squeeze %dma_wait3A_412 : memref<1x128x56xf32, #tpu.memory_space<vmem>> -> memref<128x56xf32, #tpu.memory_space<vmem>>
      %dma_wait3A_414 = arith.constant 0 : i32
      %dma_wait3A_415 = tpu.memref_slice %arg8[%add3A_408, %dma_wait3A_414] : memref<80x128xi32, #tpu.memory_space<vmem>> -> memref<1x128xi32, #tpu.memory_space<vmem>>
      %dma_wait3A_416 = tpu.memref_squeeze %dma_wait3A_415 : memref<1x128xi32, #tpu.memory_space<vmem>> -> memref<128xi32, #tpu.memory_space<vmem>>
      %dma_wait3A_417 = arith.constant 0 : i32
      %dma_wait3A_418 = arith.constant 0 : i32
      %dma_wait3A_419 = tpu.memref_slice %arg10[%dma_wait3A_417, %dma_wait3A_418] : memref<10240x56xf32, #tpu.memory_space<vmem_shared>> -> memref<10240x56xf32, #tpu.memory_space<vmem_shared>>
      tpu.wait_indirect_dma semaphore(%arg13 : memref<!tpu.dma_semaphore, #tpu.memory_space<semaphore_mem>>) src(%dma_wait3A_413 : memref<128x56xf32, #tpu.memory_space<vmem>>) dst(%dma_wait3A_419 : memref<10240x56xf32, #tpu.memory_space<vmem_shared>>)
      %lt3A = arith.constant 9 : i32
      %lt3A_420 = arith.cmpi slt, %scan3A_99, %lt3A : i32
      %convert_element_type3A_421 = arith.extui %lt3A_420 : i1 to i32
      %cond3A_422 = arith.constant 0 : i32
      %cond3A_423 = arith.cmpi ne, %convert_element_type3A_421, %cond3A_422 : i32
      scf.if %cond3A_423 {
        %add3A_424 = arith.constant 8 : i32
        %add3A_425 = arith.addi %mul3A_103, %add3A_424 : i32
        %add3A_426 = arith.constant 0 : i32
        %add3A_427 = arith.addi %add3A_425, %add3A_426 : i32
        %mul3A_428 = arith.constant 128 : i32
        %mul3A_429 = arith.muli %add3A_427, %mul3A_428 : i32
        %dma_start3A_430 = arith.constant 0 : i32
        %dma_start3A_431 = arith.constant 0 : i32
        %dma_start3A_432 = arith.constant 0 : i32
        %dma_start3A_433 = tpu.memref_slice %arg9[%dma_start3A_430, %dma_start3A_431, %dma_start3A_432] : memref<8x128x56xf32, #tpu.memory_space<vmem>> -> memref<1x128x56xf32, #tpu.memory_space<vmem>>
        %dma_start3A_434 = tpu.memref_squeeze %dma_start3A_433 : memref<1x128x56xf32, #tpu.memory_space<vmem>> -> memref<128x56xf32, #tpu.memory_space<vmem>>
        %dma_start3A_435 = tpu.memref_slice %arg7[%mul3A_429] : memref<10240xi32, #tpu.memory_space<vmem>> -> memref<128xi32, #tpu.memory_space<vmem>>
        %dma_start3A_436 = arith.constant 0 : i32
        %dma_start3A_437 = arith.constant 0 : i32
        %dma_start3A_438 = tpu.memref_slice %arg2[%dma_start3A_436, %dma_start3A_437] : memref<20480x56xf32, #tpu.memory_space<hbm>> -> memref<20480x56xf32, #tpu.memory_space<hbm>>
        tpu.enqueue_indirect_dma source(%dma_start3A_438 : memref<20480x56xf32, #tpu.memory_space<hbm>>) target(%dma_start3A_434 : memref<128x56xf32, #tpu.memory_space<vmem>>) offsets(%dma_start3A_435 : memref<128xi32, #tpu.memory_space<vmem>>) semaphore(%arg11 : memref<!tpu.dma_semaphore, #tpu.memory_space<semaphore_mem>>)
        %add3A_439 = arith.constant 1 : i32
        %add3A_440 = arith.addi %add3A_425, %add3A_439 : i32
        %mul3A_441 = arith.constant 128 : i32
        %mul3A_442 = arith.muli %add3A_440, %mul3A_441 : i32
        %dma_start3A_443 = arith.constant 1 : i32
        %dma_start3A_444 = arith.constant 0 : i32
        %dma_start3A_445 = arith.constant 0 : i32
        %dma_start3A_446 = tpu.memref_slice %arg9[%dma_start3A_443, %dma_start3A_444, %dma_start3A_445] : memref<8x128x56xf32, #tpu.memory_space<vmem>> -> memref<1x128x56xf32, #tpu.memory_space<vmem>>
        %dma_start3A_447 = tpu.memref_squeeze %dma_start3A_446 : memref<1x128x56xf32, #tpu.memory_space<vmem>> -> memref<128x56xf32, #tpu.memory_space<vmem>>
        %dma_start3A_448 = tpu.memref_slice %arg7[%mul3A_442] : memref<10240xi32, #tpu.memory_space<vmem>> -> memref<128xi32, #tpu.memory_space<vmem>>
        %dma_start3A_449 = arith.constant 0 : i32
        %dma_start3A_450 = arith.constant 0 : i32
        %dma_start3A_451 = tpu.memref_slice %arg2[%dma_start3A_449, %dma_start3A_450] : memref<20480x56xf32, #tpu.memory_space<hbm>> -> memref<20480x56xf32, #tpu.memory_space<hbm>>
        tpu.enqueue_indirect_dma source(%dma_start3A_451 : memref<20480x56xf32, #tpu.memory_space<hbm>>) target(%dma_start3A_447 : memref<128x56xf32, #tpu.memory_space<vmem>>) offsets(%dma_start3A_448 : memref<128xi32, #tpu.memory_space<vmem>>) semaphore(%arg11 : memref<!tpu.dma_semaphore, #tpu.memory_space<semaphore_mem>>)
        %add3A_452 = arith.constant 2 : i32
        %add3A_453 = arith.addi %add3A_425, %add3A_452 : i32
        %mul3A_454 = arith.constant 128 : i32
        %mul3A_455 = arith.muli %add3A_453, %mul3A_454 : i32
        %dma_start3A_456 = arith.constant 2 : i32
        %dma_start3A_457 = arith.constant 0 : i32
        %dma_start3A_458 = arith.constant 0 : i32
        %dma_start3A_459 = tpu.memref_slice %arg9[%dma_start3A_456, %dma_start3A_457, %dma_start3A_458] : memref<8x128x56xf32, #tpu.memory_space<vmem>> -> memref<1x128x56xf32, #tpu.memory_space<vmem>>
        %dma_start3A_460 = tpu.memref_squeeze %dma_start3A_459 : memref<1x128x56xf32, #tpu.memory_space<vmem>> -> memref<128x56xf32, #tpu.memory_space<vmem>>
        %dma_start3A_461 = tpu.memref_slice %arg7[%mul3A_455] : memref<10240xi32, #tpu.memory_space<vmem>> -> memref<128xi32, #tpu.memory_space<vmem>>
        %dma_start3A_462 = arith.constant 0 : i32
        %dma_start3A_463 = arith.constant 0 : i32
        %dma_start3A_464 = tpu.memref_slice %arg2[%dma_start3A_462, %dma_start3A_463] : memref<20480x56xf32, #tpu.memory_space<hbm>> -> memref<20480x56xf32, #tpu.memory_space<hbm>>
        tpu.enqueue_indirect_dma source(%dma_start3A_464 : memref<20480x56xf32, #tpu.memory_space<hbm>>) target(%dma_start3A_460 : memref<128x56xf32, #tpu.memory_space<vmem>>) offsets(%dma_start3A_461 : memref<128xi32, #tpu.memory_space<vmem>>) semaphore(%arg11 : memref<!tpu.dma_semaphore, #tpu.memory_space<semaphore_mem>>)
        %add3A_465 = arith.constant 3 : i32
        %add3A_466 = arith.addi %add3A_425, %add3A_465 : i32
        %mul3A_467 = arith.constant 128 : i32
        %mul3A_468 = arith.muli %add3A_466, %mul3A_467 : i32
        %dma_start3A_469 = arith.constant 3 : i32
        %dma_start3A_470 = arith.constant 0 : i32
        %dma_start3A_471 = arith.constant 0 : i32
        %dma_start3A_472 = tpu.memref_slice %arg9[%dma_start3A_469, %dma_start3A_470, %dma_start3A_471] : memref<8x128x56xf32, #tpu.memory_space<vmem>> -> memref<1x128x56xf32, #tpu.memory_space<vmem>>
        %dma_start3A_473 = tpu.memref_squeeze %dma_start3A_472 : memref<1x128x56xf32, #tpu.memory_space<vmem>> -> memref<128x56xf32, #tpu.memory_space<vmem>>
        %dma_start3A_474 = tpu.memref_slice %arg7[%mul3A_468] : memref<10240xi32, #tpu.memory_space<vmem>> -> memref<128xi32, #tpu.memory_space<vmem>>
        %dma_start3A_475 = arith.constant 0 : i32
        %dma_start3A_476 = arith.constant 0 : i32
        %dma_start3A_477 = tpu.memref_slice %arg2[%dma_start3A_475, %dma_start3A_476] : memref<20480x56xf32, #tpu.memory_space<hbm>> -> memref<20480x56xf32, #tpu.memory_space<hbm>>
        tpu.enqueue_indirect_dma source(%dma_start3A_477 : memref<20480x56xf32, #tpu.memory_space<hbm>>) target(%dma_start3A_473 : memref<128x56xf32, #tpu.memory_space<vmem>>) offsets(%dma_start3A_474 : memref<128xi32, #tpu.memory_space<vmem>>) semaphore(%arg11 : memref<!tpu.dma_semaphore, #tpu.memory_space<semaphore_mem>>)
      } else {
      }
    }
    %scan3A_44 = arith.constant 10 : i32
    %dma_wait3A = arith.constant 4 : i32
    %dma_wait3A_45 = arith.constant 76 : i32
    %dma_wait3A_46 = arith.constant 0 : i32
    %dma_wait3A_47 = arith.constant 0 : i32
    %dma_wait3A_48 = tpu.memref_slice %arg9[%dma_wait3A, %dma_wait3A_46, %dma_wait3A_47] : memref<8x128x56xf32, #tpu.memory_space<vmem>> -> memref<1x128x56xf32, #tpu.memory_space<vmem>>
    %dma_wait3A_49 = tpu.memref_squeeze %dma_wait3A_48 : memref<1x128x56xf32, #tpu.memory_space<vmem>> -> memref<128x56xf32, #tpu.memory_space<vmem>>
    %dma_wait3A_50 = arith.constant 0 : i32
    %dma_wait3A_51 = tpu.memref_slice %arg8[%dma_wait3A_45, %dma_wait3A_50] : memref<80x128xi32, #tpu.memory_space<vmem>> -> memref<1x128xi32, #tpu.memory_space<vmem>>
    %dma_wait3A_52 = tpu.memref_squeeze %dma_wait3A_51 : memref<1x128xi32, #tpu.memory_space<vmem>> -> memref<128xi32, #tpu.memory_space<vmem>>
    %dma_wait3A_53 = arith.constant 0 : i32
    %dma_wait3A_54 = arith.constant 0 : i32
    %dma_wait3A_55 = tpu.memref_slice %arg10[%dma_wait3A_53, %dma_wait3A_54] : memref<10240x56xf32, #tpu.memory_space<vmem_shared>> -> memref<10240x56xf32, #tpu.memory_space<vmem_shared>>
    tpu.wait_indirect_dma semaphore(%arg14 : memref<!tpu.dma_semaphore, #tpu.memory_space<semaphore_mem>>) src(%dma_wait3A_49 : memref<128x56xf32, #tpu.memory_space<vmem>>) dst(%dma_wait3A_55 : memref<10240x56xf32, #tpu.memory_space<vmem_shared>>)
    %dma_wait3A_56 = arith.constant 5 : i32
    %dma_wait3A_57 = arith.constant 77 : i32
    %dma_wait3A_58 = arith.constant 0 : i32
    %dma_wait3A_59 = arith.constant 0 : i32
    %dma_wait3A_60 = tpu.memref_slice %arg9[%dma_wait3A_56, %dma_wait3A_58, %dma_wait3A_59] : memref<8x128x56xf32, #tpu.memory_space<vmem>> -> memref<1x128x56xf32, #tpu.memory_space<vmem>>
    %dma_wait3A_61 = tpu.memref_squeeze %dma_wait3A_60 : memref<1x128x56xf32, #tpu.memory_space<vmem>> -> memref<128x56xf32, #tpu.memory_space<vmem>>
    %dma_wait3A_62 = arith.constant 0 : i32
    %dma_wait3A_63 = tpu.memref_slice %arg8[%dma_wait3A_57, %dma_wait3A_62] : memref<80x128xi32, #tpu.memory_space<vmem>> -> memref<1x128xi32, #tpu.memory_space<vmem>>
    %dma_wait3A_64 = tpu.memref_squeeze %dma_wait3A_63 : memref<1x128xi32, #tpu.memory_space<vmem>> -> memref<128xi32, #tpu.memory_space<vmem>>
    %dma_wait3A_65 = arith.constant 0 : i32
    %dma_wait3A_66 = arith.constant 0 : i32
    %dma_wait3A_67 = tpu.memref_slice %arg10[%dma_wait3A_65, %dma_wait3A_66] : memref<10240x56xf32, #tpu.memory_space<vmem_shared>> -> memref<10240x56xf32, #tpu.memory_space<vmem_shared>>
    tpu.wait_indirect_dma semaphore(%arg14 : memref<!tpu.dma_semaphore, #tpu.memory_space<semaphore_mem>>) src(%dma_wait3A_61 : memref<128x56xf32, #tpu.memory_space<vmem>>) dst(%dma_wait3A_67 : memref<10240x56xf32, #tpu.memory_space<vmem_shared>>)
    %dma_wait3A_68 = arith.constant 6 : i32
    %dma_wait3A_69 = arith.constant 78 : i32
    %dma_wait3A_70 = arith.constant 0 : i32
    %dma_wait3A_71 = arith.constant 0 : i32
    %dma_wait3A_72 = tpu.memref_slice %arg9[%dma_wait3A_68, %dma_wait3A_70, %dma_wait3A_71] : memref<8x128x56xf32, #tpu.memory_space<vmem>> -> memref<1x128x56xf32, #tpu.memory_space<vmem>>
    %dma_wait3A_73 = tpu.memref_squeeze %dma_wait3A_72 : memref<1x128x56xf32, #tpu.memory_space<vmem>> -> memref<128x56xf32, #tpu.memory_space<vmem>>
    %dma_wait3A_74 = arith.constant 0 : i32
    %dma_wait3A_75 = tpu.memref_slice %arg8[%dma_wait3A_69, %dma_wait3A_74] : memref<80x128xi32, #tpu.memory_space<vmem>> -> memref<1x128xi32, #tpu.memory_space<vmem>>
    %dma_wait3A_76 = tpu.memref_squeeze %dma_wait3A_75 : memref<1x128xi32, #tpu.memory_space<vmem>> -> memref<128xi32, #tpu.memory_space<vmem>>
    %dma_wait3A_77 = arith.constant 0 : i32
    %dma_wait3A_78 = arith.constant 0 : i32
    %dma_wait3A_79 = tpu.memref_slice %arg10[%dma_wait3A_77, %dma_wait3A_78] : memref<10240x56xf32, #tpu.memory_space<vmem_shared>> -> memref<10240x56xf32, #tpu.memory_space<vmem_shared>>
    tpu.wait_indirect_dma semaphore(%arg14 : memref<!tpu.dma_semaphore, #tpu.memory_space<semaphore_mem>>) src(%dma_wait3A_73 : memref<128x56xf32, #tpu.memory_space<vmem>>) dst(%dma_wait3A_79 : memref<10240x56xf32, #tpu.memory_space<vmem_shared>>)
    %dma_wait3A_80 = arith.constant 7 : i32
    %dma_wait3A_81 = arith.constant 79 : i32
    %dma_wait3A_82 = arith.constant 0 : i32
    %dma_wait3A_83 = arith.constant 0 : i32
    %dma_wait3A_84 = tpu.memref_slice %arg9[%dma_wait3A_80, %dma_wait3A_82, %dma_wait3A_83] : memref<8x128x56xf32, #tpu.memory_space<vmem>> -> memref<1x128x56xf32, #tpu.memory_space<vmem>>
    %dma_wait3A_85 = tpu.memref_squeeze %dma_wait3A_84 : memref<1x128x56xf32, #tpu.memory_space<vmem>> -> memref<128x56xf32, #tpu.memory_space<vmem>>
    %dma_wait3A_86 = arith.constant 0 : i32
    %dma_wait3A_87 = tpu.memref_slice %arg8[%dma_wait3A_81, %dma_wait3A_86] : memref<80x128xi32, #tpu.memory_space<vmem>> -> memref<1x128xi32, #tpu.memory_space<vmem>>
    %dma_wait3A_88 = tpu.memref_squeeze %dma_wait3A_87 : memref<1x128xi32, #tpu.memory_space<vmem>> -> memref<128xi32, #tpu.memory_space<vmem>>
    %dma_wait3A_89 = arith.constant 0 : i32
    %dma_wait3A_90 = arith.constant 0 : i32
    %dma_wait3A_91 = tpu.memref_slice %arg10[%dma_wait3A_89, %dma_wait3A_90] : memref<10240x56xf32, #tpu.memory_space<vmem_shared>> -> memref<10240x56xf32, #tpu.memory_space<vmem_shared>>
    tpu.wait_indirect_dma semaphore(%arg14 : memref<!tpu.dma_semaphore, #tpu.memory_space<semaphore_mem>>) src(%dma_wait3A_85 : memref<128x56xf32, #tpu.memory_space<vmem>>) dst(%dma_wait3A_91 : memref<10240x56xf32, #tpu.memory_space<vmem_shared>>)
    %barrier3A_92 = arith.constant 0 : index
    tpu.barrier barrier_id(%barrier3A_92)
    %mul3A_93 = arith.constant 10240 : i32
    %mul3A_94 = arith.muli %arg0, %mul3A_93 : i32
    %mul3A_95 = arith.constant 640 : i32
    %mul3A_96 = arith.muli %arg1, %mul3A_95 : i32
    %add3A = arith.addi %mul3A_94, %mul3A_96 : i32
    %mul3A_97 = arith.constant 640 : i32
    %mul3A_98 = arith.muli %arg1, %mul3A_97 : i32
    "tpu.region"() ({
      %run_scoped3A = tpu.sem_alloc : memref<!tpu.dma_semaphore, #tpu.memory_space<semaphore_mem>>
      %dma_start3A_99 = arith.constant 0 : i32
      %dma_start3A_100 = tpu.memref_slice %arg6[%add3A, %dma_start3A_99] : memref<20480x56xf32, #tpu.memory_space<hbm>> -> memref<640x56xf32, #tpu.memory_space<hbm>>
      %dma_start3A_101 = arith.constant 0 : i32
      %dma_start3A_102 = tpu.memref_slice %arg10[%mul3A_98, %dma_start3A_101] : memref<10240x56xf32, #tpu.memory_space<vmem_shared>> -> memref<640x56xf32, #tpu.memory_space<vmem_shared>>
      tpu.enqueue_dma source(%dma_start3A_102 : memref<640x56xf32, #tpu.memory_space<vmem_shared>>) target(%dma_start3A_100 : memref<640x56xf32, #tpu.memory_space<hbm>>) target_semaphore(%run_scoped3A : memref<!tpu.dma_semaphore, #tpu.memory_space<semaphore_mem>>)
      %dma_wait3A_103 = arith.constant 0 : i32
      %dma_wait3A_104 = tpu.memref_slice %arg6[%add3A, %dma_wait3A_103] : memref<20480x56xf32, #tpu.memory_space<hbm>> -> memref<640x56xf32, #tpu.memory_space<hbm>>
      %dma_wait3A_105 = arith.constant 0 : i32
      %dma_wait3A_106 = tpu.memref_slice %arg10[%mul3A_98, %dma_wait3A_105] : memref<10240x56xf32, #tpu.memory_space<vmem_shared>> -> memref<640x56xf32, #tpu.memory_space<vmem_shared>>
      tpu.wait_dma2 semaphore(%run_scoped3A : memref<!tpu.dma_semaphore, #tpu.memory_space<semaphore_mem>>) src(%dma_wait3A_106 : memref<640x56xf32, #tpu.memory_space<vmem_shared>>) dst(%dma_wait3A_104 : memref<640x56xf32, #tpu.memory_space<hbm>>)
      tpu.yield
    }) : () -> ()
    return
  }
}

module attributes {stable_mosaic.version = 14 : i64} {
  func.func @_mm_body(%arg0: i32, %arg1: memref<1024x256xf32, #tpu.memory_space<vmem>>, %arg2: memref<256x112xf32, #tpu.memory_space<vmem>>, %arg3: memref<1024x112xf32, #tpu.memory_space<vmem>>) attributes {dimension_semantics = [#tpu.dimension_semantics<arbitrary>], iteration_bounds = array<i64: 10>, scalar_prefetch = 0 : i64, scratch_operands = 0 : i64, tpu.core_type = #tpu.core_type<tc>, window_params = [{transform_indices = @transform_0, window_bounds = array<i64: 1024, 256>}, {pipeline_mode = #tpu.pipeline_mode<synchronous>, transform_indices = @transform_1, window_bounds = array<i64: 256, 112>}, {transform_indices = @transform_2, window_bounds = array<i64: 1024, 112>}]} {
    %get3A = arith.constant 0 : index
    %get3A_0 = arith.constant 0 : index
    %get3A_1 = vector.load %arg1[%get3A, %get3A_0] : memref<1024x256xf32, #tpu.memory_space<vmem>>, vector<1024x256xf32>
    %get3A_2 = arith.constant 0 : index
    %get3A_3 = arith.constant 0 : index
    %get3A_4 = vector.load %arg2[%get3A_2, %get3A_3] : memref<256x112xf32, #tpu.memory_space<vmem>>, vector<256x112xf32>
    %dot_general3A = arith.constant dense<0.000000e+00> : vector<1024x112xf32>
    %dot_general3A_5 = tpu.matmul %get3A_1, %get3A_4, %dot_general3A {dimension_numbers = #tpu.dot_dimension_numbers<[1], [0], [0], [1], [0, 0, 1, 1], [], []>, transpose_lhs_hint = false} : vector<1024x256xf32>, vector<256x112xf32>, vector<1024x112xf32> -> vector<1024x112xf32>
    %iota3A = tpu.iota {dimensions = array<i32: 1>} : vector<1024x112xi32>
    %eq3A = arith.constant 100 : i32
    %eq3A_6 = vector.broadcast %eq3A : i32 to vector<1024x112xi32>
    %eq3A_7 = arith.cmpi eq, %iota3A, %eq3A_6 : vector<1024x112xi32>
    %jit3A = arith.constant 1.000000e+00 : f32
    %broadcast_in_dim3A = vector.broadcast %jit3A : f32 to vector<1024x112xf32>
    %select_n3A = arith.select %eq3A_7, %broadcast_in_dim3A, %dot_general3A_5 : vector<1024x112xi1>, vector<1024x112xf32>
    %swap3A = arith.constant 0 : index
    %swap3A_8 = arith.constant 0 : index
    %swap3A_9 = vector.load %arg3[%swap3A, %swap3A_8] : memref<1024x112xf32, #tpu.memory_space<vmem>>, vector<1024x112xf32>
    tpu.vector_store %arg3[%swap3A, %swap3A_8], %select_n3A {strides = array<i32>} : memref<1024x112xf32, #tpu.memory_space<vmem>>, vector<1024x112xf32>,
    return
  }
  func.func @transform_0(%arg0: i32) -> (i32, i32) {
    %c0_i32 = arith.constant 0 : i32
    %c0_i32_0 = arith.constant 0 : i32
    return %arg0, %c0_i32 : i32, i32
  }
  func.func @transform_1(%arg0: i32) -> (i32, i32) {
    %c0_i32 = arith.constant 0 : i32
    %c0_i32_0 = arith.constant 0 : i32
    %c0_i32_1 = arith.constant 0 : i32
    return %c0_i32, %c0_i32_0 : i32, i32
  }
  func.func @transform_2(%arg0: i32) -> (i32, i32) {
    %c0_i32 = arith.constant 0 : i32
    %c0_i32_0 = arith.constant 0 : i32
    return %arg0, %c0_i32 : i32, i32
  }
}

module attributes {stable_mosaic.version = 14 : i64} {
  func.func @_mid_body(%arg0: i32, %arg1: memref<1024x112xf32, #tpu.memory_space<vmem>>, %arg2: memref<1024x56xf32, #tpu.memory_space<vmem>>, %arg3: memref<1024x56xf32, #tpu.memory_space<vmem>>, %arg4: memref<112x32xf32, #tpu.memory_space<vmem>>, %arg5: memref<1x112xf32, #tpu.memory_space<vmem>>, %arg6: memref<1024x32xf32, #tpu.memory_space<vmem>>) attributes {dimension_semantics = [#tpu.dimension_semantics<arbitrary>], iteration_bounds = array<i64: 10>, scalar_prefetch = 0 : i64, scratch_operands = 0 : i64, tpu.core_type = #tpu.core_type<tc>, window_params = [{transform_indices = @transform_0, window_bounds = array<i64: 1024, 112>}, {transform_indices = @transform_1, window_bounds = array<i64: 1024, 56>}, {transform_indices = @transform_2, window_bounds = array<i64: 1024, 56>}, {pipeline_mode = #tpu.pipeline_mode<synchronous>, transform_indices = @transform_3, window_bounds = array<i64: 112, 32>}, {pipeline_mode = #tpu.pipeline_mode<synchronous>, transform_indices = @transform_4, window_bounds = array<i64: 1, 112>}, {transform_indices = @transform_5, window_bounds = array<i64: 1024, 32>}]} {
    %get3A = arith.constant 0 : index
    %get3A_0 = arith.constant 0 : index
    %get3A_1 = vector.load %arg2[%get3A, %get3A_0] : memref<1024x56xf32, #tpu.memory_space<vmem>>, vector<1024x56xf32>
    %get3A_2 = arith.constant 0 : index
    %get3A_3 = arith.constant 0 : index
    %get3A_4 = vector.load %arg3[%get3A_2, %get3A_3] : memref<1024x56xf32, #tpu.memory_space<vmem>>, vector<1024x56xf32>
    %concatenate3A = tpu.concatenate %get3A_1, %get3A_4 in 1 : vector<1024x56xf32>, vector<1024x56xf32> -> vector<1024x112xf32>
    %slice3A = vector.extract_strided_slice %concatenate3A {offsets = [0, 100], sizes = [1024, 1], strides = [1, 1]} : vector<1024x112xf32> to vector<1024x1xf32>
    %max3A = arith.constant 1.000000e+00 : f32
    %max3A_5 = vector.broadcast %max3A : f32 to vector<1024x1xf32>
    %max3A_6 = arith.maximumf %slice3A, %max3A_5 : vector<1024x1xf32>
    %div3A = vector.broadcast %max3A_6 : vector<1024x1xf32> to vector<1024x112xf32>
    %div3A_7 = arith.divf %concatenate3A, %div3A : vector<1024x112xf32>
    %gt3A = arith.constant 0.000000e+00 : f32
    %gt3A_8 = vector.broadcast %gt3A : f32 to vector<1024x1xf32>
    %gt3A_9 = arith.cmpf ogt, %slice3A, %gt3A_8 : vector<1024x1xf32>
    %get3A_10 = arith.constant 0 : index
    %get3A_11 = arith.constant 0 : index
    %get3A_12 = vector.load %arg1[%get3A_10, %get3A_11] : memref<1024x112xf32, #tpu.memory_space<vmem>>, vector<1024x112xf32>
    %broadcast_in_dim3A = vector.shape_cast %gt3A_9 : vector<1024x1xi1> to vector<1024x1xi1>
    %broadcast_in_dim3A_13 = vector.broadcast %broadcast_in_dim3A : vector<1024x1xi1> to vector<1024x112xi1>
    %select_n3A = arith.select %broadcast_in_dim3A_13, %div3A_7, %get3A_12 : vector<1024x112xi1>, vector<1024x112xf32>
    %get3A_14 = arith.constant 0 : index
    %get3A_15 = arith.constant 0 : index
    %get3A_16 = vector.load %arg5[%get3A_14, %get3A_15] : memref<1x112xf32, #tpu.memory_space<vmem>>, vector<1x112xf32>
    %add3A = vector.broadcast %get3A_16 : vector<1x112xf32> to vector<1024x112xf32>
    %add3A_17 = arith.addf %select_n3A, %add3A : vector<1024x112xf32>
    %max3A_18 = arith.constant 0.000000e+00 : f32
    %max3A_19 = vector.broadcast %max3A_18 : f32 to vector<1024x112xf32>
    %max3A_20 = arith.maximumf %add3A_17, %max3A_19 : vector<1024x112xf32>
    %get3A_21 = arith.constant 0 : index
    %get3A_22 = arith.constant 0 : index
    %get3A_23 = vector.load %arg4[%get3A_21, %get3A_22] : memref<112x32xf32, #tpu.memory_space<vmem>>, vector<112x32xf32>
    %dot_general3A = arith.constant dense<0.000000e+00> : vector<1024x32xf32>
    %dot_general3A_24 = tpu.matmul %max3A_20, %get3A_23, %dot_general3A {dimension_numbers = #tpu.dot_dimension_numbers<[1], [0], [0], [1], [0, 0, 1, 1], [], []>, transpose_lhs_hint = false} : vector<1024x112xf32>, vector<112x32xf32>, vector<1024x32xf32> -> vector<1024x32xf32>
    %iota3A = tpu.iota {dimensions = array<i32: 1>} : vector<1024x32xi32>
    %eq3A = arith.constant 20 : i32
    %eq3A_25 = vector.broadcast %eq3A : i32 to vector<1024x32xi32>
    %eq3A_26 = arith.cmpi eq, %iota3A, %eq3A_25 : vector<1024x32xi32>
    %eq3A_27 = arith.constant 21 : i32
    %eq3A_28 = vector.broadcast %eq3A_27 : i32 to vector<1024x32xi32>
    %eq3A_29 = arith.cmpi eq, %iota3A, %eq3A_28 : vector<1024x32xi32>
    %broadcast_in_dim3A_30 = vector.shape_cast %slice3A : vector<1024x1xf32> to vector<1024x1xf32>
    %broadcast_in_dim3A_31 = vector.broadcast %broadcast_in_dim3A_30 : vector<1024x1xf32> to vector<1024x32xf32>
    %select_n3A_32 = arith.select %eq3A_29, %broadcast_in_dim3A_31, %dot_general3A_24 : vector<1024x32xi1>, vector<1024x32xf32>
    %jit3A = arith.constant 1.000000e+00 : f32
    %broadcast_in_dim3A_33 = vector.broadcast %jit3A : f32 to vector<1024x32xf32>
    %select_n3A_34 = arith.select %eq3A_26, %broadcast_in_dim3A_33, %select_n3A_32 : vector<1024x32xi1>, vector<1024x32xf32>
    %swap3A = arith.constant 0 : index
    %swap3A_35 = arith.constant 0 : index
    %swap3A_36 = vector.load %arg6[%swap3A, %swap3A_35] : memref<1024x32xf32, #tpu.memory_space<vmem>>, vector<1024x32xf32>
    tpu.vector_store %arg6[%swap3A, %swap3A_35], %select_n3A_34 {strides = array<i32>} : memref<1024x32xf32, #tpu.memory_space<vmem>>, vector<1024x32xf32>,
    return
  }
  func.func @transform_0(%arg0: i32) -> (i32, i32) {
    %c0_i32 = arith.constant 0 : i32
    %c0_i32_0 = arith.constant 0 : i32
    return %arg0, %c0_i32 : i32, i32
  }
  func.func @transform_1(%arg0: i32) -> (i32, i32) {
    %c0_i32 = arith.constant 0 : i32
    %c0_i32_0 = arith.constant 0 : i32
    return %arg0, %c0_i32 : i32, i32
  }
  func.func @transform_2(%arg0: i32) -> (i32, i32) {
    %c0_i32 = arith.constant 0 : i32
    %c0_i32_0 = arith.constant 0 : i32
    return %arg0, %c0_i32 : i32, i32
  }
  func.func @transform_3(%arg0: i32) -> (i32, i32) {
    %c0_i32 = arith.constant 0 : i32
    %c0_i32_0 = arith.constant 0 : i32
    %c0_i32_1 = arith.constant 0 : i32
    return %c0_i32, %c0_i32_0 : i32, i32
  }
  func.func @transform_4(%arg0: i32) -> (i32, i32) {
    %c0_i32 = arith.constant 0 : i32
    %c0_i32_0 = arith.constant 0 : i32
    %c0_i32_1 = arith.constant 0 : i32
    return %c0_i32, %c0_i32_0 : i32, i32
  }
  func.func @transform_5(%arg0: i32) -> (i32, i32) {
    %c0_i32 = arith.constant 0 : i32
    %c0_i32_0 = arith.constant 0 : i32
    return %arg0, %c0_i32 : i32, i32
  }
}

module attributes {stable_mosaic.version = 14 : i64} {
  func.func @_head_body(%arg0: i32, %arg1: memref<1024x32xf32, #tpu.memory_space<vmem>>, %arg2: memref<1024x16xf32, #tpu.memory_space<vmem>>, %arg3: memref<1024x16xf32, #tpu.memory_space<vmem>>, %arg4: memref<1024x1xi32, #tpu.memory_space<vmem>>, %arg5: memref<1x32xf32, #tpu.memory_space<vmem>>, %arg6: memref<64x200xf32, #tpu.memory_space<vmem>>, %arg7: memref<32x200xf32, #tpu.memory_space<vmem>>, %arg8: memref<200x200xf32, #tpu.memory_space<vmem>>, %arg9: memref<1x200xf32, #tpu.memory_space<vmem>>, %arg10: memref<21x200x128xf32, #tpu.memory_space<vmem>>, %arg11: memref<24x128xf32, #tpu.memory_space<vmem>>, %arg12: memref<1x128xf32, #tpu.memory_space<vmem>>, %arg13: memref<1x128xf32, #tpu.memory_space<vmem>>, %arg14: memref<1x128xf32, #tpu.memory_space<vmem>>, %arg15: memref<128x32xf32, #tpu.memory_space<vmem>>, %arg16: memref<1x32xf32, #tpu.memory_space<vmem>>, %arg17: memref<1x32xf32, #tpu.memory_space<vmem>>, %arg18: memref<1x32xf32, #tpu.memory_space<vmem>>, %arg19: memref<1x32xf32, #tpu.memory_space<vmem>>, %arg20: memref<1x1xf32, #tpu.memory_space<vmem>>, %arg21: memref<64x1xf32, #tpu.memory_space<vmem>>, %arg22: memref<64x32xf32, #tpu.memory_space<vmem>>) attributes {dimension_semantics = [#tpu.dimension_semantics<arbitrary>], iteration_bounds = array<i64: 10>, scalar_prefetch = 0 : i64, scratch_operands = 1 : i64, tpu.core_type = #tpu.core_type<tc>, window_params = [{transform_indices = @transform_0, window_bounds = array<i64: 1024, 32>}, {transform_indices = @transform_1, window_bounds = array<i64: 1024, 16>}, {transform_indices = @transform_2, window_bounds = array<i64: 1024, 16>}, {transform_indices = @transform_3, window_bounds = array<i64: 1024, 1>}, {pipeline_mode = #tpu.pipeline_mode<synchronous>, transform_indices = @transform_4, window_bounds = array<i64: 1, 32>}, {pipeline_mode = #tpu.pipeline_mode<synchronous>, transform_indices = @transform_5, window_bounds = array<i64: 64, 200>}, {pipeline_mode = #tpu.pipeline_mode<synchronous>, transform_indices = @transform_6, window_bounds = array<i64: 32, 200>}, {pipeline_mode = #tpu.pipeline_mode<synchronous>, transform_indices = @transform_7, window_bounds = array<i64: 200, 200>}, {pipeline_mode = #tpu.pipeline_mode<synchronous>, transform_indices = @transform_8, window_bounds = array<i64: 1, 200>}, {pipeline_mode = #tpu.pipeline_mode<synchronous>, transform_indices = @transform_9, window_bounds = array<i64: 21, 200, 128>}, {pipeline_mode = #tpu.pipeline_mode<synchronous>, transform_indices = @transform_10, window_bounds = array<i64: 24, 128>}, {pipeline_mode = #tpu.pipeline_mode<synchronous>, transform_indices = @transform_11, window_bounds = array<i64: 1, 128>}, {pipeline_mode = #tpu.pipeline_mode<synchronous>, transform_indices = @transform_12, window_bounds = array<i64: 1, 128>}, {pipeline_mode = #tpu.pipeline_mode<synchronous>, transform_indices = @transform_13, window_bounds = array<i64: 1, 128>}, {pipeline_mode = #tpu.pipeline_mode<synchronous>, transform_indices = @transform_14, window_bounds = array<i64: 128, 32>}, {pipeline_mode = #tpu.pipeline_mode<synchronous>, transform_indices = @transform_15, window_bounds = array<i64: 1, 32>}, {pipeline_mode = #tpu.pipeline_mode<synchronous>, transform_indices = @transform_16, window_bounds = array<i64: 1, 32>}, {pipeline_mode = #tpu.pipeline_mode<synchronous>, transform_indices = @transform_17, window_bounds = array<i64: 1, 32>}, {pipeline_mode = #tpu.pipeline_mode<synchronous>, transform_indices = @transform_18, window_bounds = array<i64: 1, 32>}, {pipeline_mode = #tpu.pipeline_mode<synchronous>, transform_indices = @transform_19, window_bounds = array<i64: 1, 1>}, {pipeline_mode = #tpu.pipeline_mode<synchronous>, transform_indices = @transform_20, window_bounds = array<i64: 64, 1>}]} {
    %eq3A = arith.constant 0 : i32
    %eq3A_0 = arith.cmpi eq, %arg0, %eq3A : i32
    %convert_element_type3A = arith.extui %eq3A_0 : i1 to i32
    %cond3A = arith.constant 0 : i32
    %cond3A_1 = arith.cmpi ne, %convert_element_type3A, %cond3A : i32
    scf.if %cond3A_1 {
      %broadcast_in_dim3A_48 = arith.constant 0.000000e+00 : f32
      %broadcast_in_dim3A_49 = vector.broadcast %broadcast_in_dim3A_48 : f32 to vector<64x32xf32>
      %swap3A_50 = arith.constant 0 : index
      %swap3A_51 = arith.constant 0 : index
      %swap3A_52 = vector.load %arg22[%swap3A_50, %swap3A_51] : memref<64x32xf32, #tpu.memory_space<vmem>>, vector<64x32xf32>
      tpu.vector_store %arg22[%swap3A_50, %swap3A_51], %broadcast_in_dim3A_49 {strides = array<i32>} : memref<64x32xf32, #tpu.memory_space<vmem>>, vector<64x32xf32>,
    } else {
    }
    %get3A = arith.constant 0 : index
    %get3A_2 = arith.constant 0 : index
    %get3A_3 = vector.load %arg2[%get3A, %get3A_2] : memref<1024x16xf32, #tpu.memory_space<vmem>>, vector<1024x16xf32>
    %get3A_4 = arith.constant 0 : index
    %get3A_5 = arith.constant 0 : index
    %get3A_6 = vector.load %arg3[%get3A_4, %get3A_5] : memref<1024x16xf32, #tpu.memory_space<vmem>>, vector<1024x16xf32>
    %concatenate3A = tpu.concatenate %get3A_3, %get3A_6 in 1 : vector<1024x16xf32>, vector<1024x16xf32> -> vector<1024x32xf32>
    %get3A_7 = arith.constant 0 : index
    %get3A_8 = arith.constant 0 : index
    %get3A_9 = vector.load %arg1[%get3A_7, %get3A_8] : memref<1024x32xf32, #tpu.memory_space<vmem>>, vector<1024x32xf32>
    %slice3A = vector.extract_strided_slice %get3A_9 {offsets = [0, 21], sizes = [1024, 1], strides = [1, 1]} : vector<1024x32xf32> to vector<1024x1xf32>
    %max3A = arith.constant 1.000000e+00 : f32
    %max3A_10 = vector.broadcast %max3A : f32 to vector<1024x1xf32>
    %max3A_11 = arith.maximumf %slice3A, %max3A_10 : vector<1024x1xf32>
    %div3A = vector.broadcast %max3A_11 : vector<1024x1xf32> to vector<1024x32xf32>
    %div3A_12 = arith.divf %concatenate3A, %div3A : vector<1024x32xf32>
    %gt3A = arith.constant 0.000000e+00 : f32
    %gt3A_13 = vector.broadcast %gt3A : f32 to vector<1024x1xf32>
    %gt3A_14 = arith.cmpf ogt, %slice3A, %gt3A_13 : vector<1024x1xf32>
    %broadcast_in_dim3A = vector.shape_cast %gt3A_14 : vector<1024x1xi1> to vector<1024x1xi1>
    %broadcast_in_dim3A_15 = vector.broadcast %broadcast_in_dim3A : vector<1024x1xi1> to vector<1024x32xi1>
    %select_n3A = arith.select %broadcast_in_dim3A_15, %div3A_12, %get3A_9 : vector<1024x32xi1>, vector<1024x32xf32>
    %get3A_16 = arith.constant 0 : index
    %get3A_17 = arith.constant 0 : index
    %get3A_18 = vector.load %arg5[%get3A_16, %get3A_17] : memref<1x32xf32, #tpu.memory_space<vmem>>, vector<1x32xf32>
    %add3A = vector.broadcast %get3A_18 : vector<1x32xf32> to vector<1024x32xf32>
    %add3A_19 = arith.addf %select_n3A, %add3A : vector<1024x32xf32>
    %max3A_20 = arith.constant 0.000000e+00 : f32
    %max3A_21 = vector.broadcast %max3A_20 : f32 to vector<1024x32xf32>
    %max3A_22 = arith.maximumf %add3A_19, %max3A_21 : vector<1024x32xf32>
    %iota3A = tpu.iota {dimensions = array<i32: 1>} : vector<1024x32xi32>
    %gt3A_23 = arith.constant 20 : i32
    %gt3A_24 = vector.broadcast %gt3A_23 : i32 to vector<1024x32xi32>
    %gt3A_25 = arith.cmpi sgt, %iota3A, %gt3A_24 : vector<1024x32xi32>
    %jit3A = arith.constant 0.000000e+00 : f32
    %broadcast_in_dim3A_26 = vector.broadcast %jit3A : f32 to vector<1024x32xf32>
    %select_n3A_27 = arith.select %gt3A_25, %broadcast_in_dim3A_26, %max3A_22 : vector<1024x32xi1>, vector<1024x32xf32>
    %get3A_28 = arith.constant 0 : index
    %get3A_29 = arith.constant 0 : index
    %get3A_30 = vector.load %arg4[%get3A_28, %get3A_29] : memref<1024x1xi32, #tpu.memory_space<vmem>>, vector<1024x1xi32>
    %iota3A_31 = tpu.iota {dimensions = array<i32: 1>} : vector<1024x64xi32>
    %eq3A_32 = vector.broadcast %get3A_30 : vector<1024x1xi32> to vector<1024x64xi32>
    %eq3A_33 = arith.cmpi eq, %eq3A_32, %iota3A_31 : vector<1024x64xi32>
    %convert_element_type3A_34 = arith.extui %eq3A_33 : vector<1024x64xi1> to vector<1024x64xi32>
    %convert_element_type3A_35 = arith.sitofp %convert_element_type3A_34 : vector<1024x64xi32> to vector<1024x64xf32>
    %get3A_36 = arith.constant 0 : index
    %get3A_37 = arith.constant 0 : index
    %get3A_38 = vector.load %arg22[%get3A_36, %get3A_37] : memref<64x32xf32, #tpu.memory_space<vmem>>, vector<64x32xf32>
    %dot_general3A = arith.constant dense<0.000000e+00> : vector<64x32xf32>
    %dot_general3A_39 = tpu.matmul %convert_element_type3A_35, %select_n3A_27, %dot_general3A {dimension_numbers = #tpu.dot_dimension_numbers<[0], [0], [1], [1], [0, 1, 1, 1], [], []>, transpose_lhs_hint = false} : vector<1024x64xf32>, vector<1024x32xf32>, vector<64x32xf32> -> vector<64x32xf32>
    %add3A_40 = arith.addf %get3A_38, %dot_general3A_39 : vector<64x32xf32>
    %swap3A = arith.constant 0 : index
    %swap3A_41 = arith.constant 0 : index
    %swap3A_42 = vector.load %arg22[%swap3A, %swap3A_41] : memref<64x32xf32, #tpu.memory_space<vmem>>, vector<64x32xf32>
    tpu.vector_store %arg22[%swap3A, %swap3A_41], %add3A_40 {strides = array<i32>} : memref<64x32xf32, #tpu.memory_space<vmem>>, vector<64x32xf32>,
    %eq3A_43 = arith.constant 9 : i32
    %eq3A_44 = arith.cmpi eq, %arg0, %eq3A_43 : i32
    %convert_element_type3A_45 = arith.extui %eq3A_44 : i1 to i32
    %cond3A_46 = arith.constant 0 : i32
    %cond3A_47 = arith.cmpi ne, %convert_element_type3A_45, %cond3A_46 : i32
    scf.if %cond3A_47 {
      %get3A_48 = arith.constant 0 : index
      %get3A_49 = arith.constant 0 : index
      %get3A_50 = vector.load %arg22[%get3A_48, %get3A_49] : memref<64x32xf32, #tpu.memory_space<vmem>>, vector<64x32xf32>
      %slice3A_51 = vector.extract_strided_slice %get3A_50 {offsets = [0, 20], sizes = [64, 1], strides = [1, 1]} : vector<64x32xf32> to vector<64x1xf32>
      %max3A_52 = arith.constant 1.000000e+00 : f32
      %max3A_53 = vector.broadcast %max3A_52 : f32 to vector<64x1xf32>
      %max3A_54 = arith.maximumf %slice3A_51, %max3A_53 : vector<64x1xf32>
      %div3A_55 = vector.broadcast %max3A_54 : vector<64x1xf32> to vector<64x32xf32>
      %div3A_56 = arith.divf %get3A_50, %div3A_55 : vector<64x32xf32>
      %iota3A_57 = tpu.iota {dimensions = array<i32: 1>} : vector<64x32xi32>
      %ge3A = arith.constant 20 : i32
      %ge3A_58 = vector.broadcast %ge3A : i32 to vector<64x32xi32>
      %ge3A_59 = arith.cmpi sge, %iota3A_57, %ge3A_58 : vector<64x32xi32>
      %jit3A_60 = arith.constant 0.000000e+00 : f32
      %broadcast_in_dim3A_61 = vector.broadcast %jit3A_60 : f32 to vector<64x32xf32>
      %select_n3A_62 = arith.select %ge3A_59, %broadcast_in_dim3A_61, %div3A_56 : vector<64x32xi1>, vector<64x32xf32>
      %get3A_63 = arith.constant 0 : index
      %get3A_64 = arith.constant 0 : index
      %get3A_65 = vector.load %arg6[%get3A_63, %get3A_64] : memref<64x200xf32, #tpu.memory_space<vmem>>, vector<64x200xf32>
      %get3A_66 = arith.constant 0 : index
      %get3A_67 = arith.constant 0 : index
      %get3A_68 = vector.load %arg7[%get3A_66, %get3A_67] : memref<32x200xf32, #tpu.memory_space<vmem>>, vector<32x200xf32>
      %dot_general3A_69 = arith.constant dense<0.000000e+00> : vector<64x200xf32>
      %dot_general3A_70 = tpu.matmul %select_n3A_62, %get3A_68, %dot_general3A_69 {dimension_numbers = #tpu.dot_dimension_numbers<[1], [0], [0], [1], [0, 0, 1, 1], [], []>, transpose_lhs_hint = false} : vector<64x32xf32>, vector<32x200xf32>, vector<64x200xf32> -> vector<64x200xf32>
      %get3A_71 = arith.constant 0 : index
      %get3A_72 = arith.constant 0 : index
      %get3A_73 = vector.load %arg8[%get3A_71, %get3A_72] : memref<200x200xf32, #tpu.memory_space<vmem>>, vector<200x200xf32>
      %dot_general3A_74 = arith.constant dense<0.000000e+00> : vector<64x200xf32>
      %dot_general3A_75 = tpu.matmul %get3A_65, %get3A_73, %dot_general3A_74 {dimension_numbers = #tpu.dot_dimension_numbers<[1], [0], [0], [1], [0, 0, 1, 1], [], []>, transpose_lhs_hint = false} : vector<64x200xf32>, vector<200x200xf32>, vector<64x200xf32> -> vector<64x200xf32>
      %add3A_76 = arith.addf %dot_general3A_70, %dot_general3A_75 : vector<64x200xf32>
      %get3A_77 = arith.constant 0 : index
      %get3A_78 = arith.constant 0 : index
      %get3A_79 = vector.load %arg9[%get3A_77, %get3A_78] : memref<1x200xf32, #tpu.memory_space<vmem>>, vector<1x200xf32>
      %add3A_80 = vector.broadcast %get3A_79 : vector<1x200xf32> to vector<64x200xf32>
      %add3A_81 = arith.addf %add3A_76, %add3A_80 : vector<64x200xf32>
      %neg3A = arith.constant 0.000000e+00 : f32
      %neg3A_82 = vector.broadcast %neg3A : f32 to vector<64x200xf32>
      %neg3A_83 = arith.subf %neg3A_82, %add3A_81 : vector<64x200xf32>
      %exp3A = math.exp %neg3A_83 : vector<64x200xf32>
      %add3A_84 = arith.constant 1.000000e+00 : f32
      %add3A_85 = vector.broadcast %add3A_84 : f32 to vector<64x200xf32>
      %add3A_86 = arith.addf %add3A_85, %exp3A : vector<64x200xf32>
      %div3A_87 = arith.constant 1.000000e+00 : f32
      %div3A_88 = vector.broadcast %div3A_87 : f32 to vector<64x200xf32>
      %div3A_89 = arith.divf %div3A_88, %add3A_86 : vector<64x200xf32>
      %mul3A = arith.mulf %div3A_89, %get3A_65 : vector<64x200xf32>
      %get3A_90 = arith.constant 0 : index
      %get3A_91 = arith.constant 0 : index
      %get3A_92 = vector.load %arg12[%get3A_90, %get3A_91] : memref<1x128xf32, #tpu.memory_space<vmem>>, vector<1x128xf32>
      %broadcast_in_dim3A_93 = arith.constant 0.000000e+00 : f32
      %broadcast_in_dim3A_94 = vector.broadcast %broadcast_in_dim3A_93 : f32 to vector<64x128xf32>
      %add3A_95 = vector.broadcast %get3A_92 : vector<1x128xf32> to vector<64x128xf32>
      %add3A_96 = arith.addf %add3A_95, %broadcast_in_dim3A_94 : vector<64x128xf32>
      %get3A_97 = arith.constant 0 : index
      %get3A_98 = arith.constant 0 : index
      %get3A_99 = arith.constant 0 : index
      %get3A_100 = vector.load %arg10[%get3A_97, %get3A_98, %get3A_99] : memref<21x200x128xf32, #tpu.memory_space<vmem>>, vector<1x200x128xf32>
      %get3A_101 = vector.shape_cast %get3A_100 : vector<1x200x128xf32> to vector<200x128xf32>
      %dot_general3A_102 = arith.constant dense<0.000000e+00> : vector<64x128xf32>
      %dot_general3A_103 = tpu.matmul %mul3A, %get3A_101, %dot_general3A_102 {dimension_numbers = #tpu.dot_dimension_numbers<[1], [0], [0], [1], [0, 0, 1, 1], [], []>, transpose_lhs_hint = false} : vector<64x200xf32>, vector<200x128xf32>, vector<64x128xf32> -> vector<64x128xf32>
      %get3A_104 = arith.constant 0 : index
      %get3A_105 = arith.constant 0 : index
      %get3A_106 = vector.load %arg11[%get3A_104, %get3A_105] : memref<24x128xf32, #tpu.memory_space<vmem>>, vector<1x128xf32>
      %add3A_107 = vector.broadcast %get3A_106 : vector<1x128xf32> to vector<64x128xf32>
      %add3A_108 = arith.addf %dot_general3A_103, %add3A_107 : vector<64x128xf32>
      %slice3A_109 = vector.extract_strided_slice %select_n3A_62 {offsets = [0, 0], sizes = [64, 1], strides = [1, 1]} : vector<64x32xf32> to vector<64x1xf32>
      %mul3A_110 = vector.broadcast %slice3A_109 : vector<64x1xf32> to vector<64x128xf32>
      %mul3A_111 = arith.mulf %mul3A_110, %add3A_108 : vector<64x128xf32>
      %add3A_112 = arith.addf %add3A_96, %mul3A_111 : vector<64x128xf32>
      %get3A_113 = arith.constant 1 : index
      %get3A_114 = arith.constant 0 : index
      %get3A_115 = arith.constant 0 : index
      %get3A_116 = vector.load %arg10[%get3A_113, %get3A_114, %get3A_115] : memref<21x200x128xf32, #tpu.memory_space<vmem>>, vector<1x200x128xf32>
      %get3A_117 = vector.shape_cast %get3A_116 : vector<1x200x128xf32> to vector<200x128xf32>
      %dot_general3A_118 = arith.constant dense<0.000000e+00> : vector<64x128xf32>
      %dot_general3A_119 = tpu.matmul %mul3A, %get3A_117, %dot_general3A_118 {dimension_numbers = #tpu.dot_dimension_numbers<[1], [0], [0], [1], [0, 0, 1, 1], [], []>, transpose_lhs_hint = false} : vector<64x200xf32>, vector<200x128xf32>, vector<64x128xf32> -> vector<64x128xf32>
      %get3A_120 = arith.constant 1 : index
      %get3A_121 = arith.constant 0 : index
      %get3A_122 = vector.load %arg11[%get3A_120, %get3A_121] : memref<24x128xf32, #tpu.memory_space<vmem>>, vector<1x128xf32>
      %add3A_123 = vector.broadcast %get3A_122 : vector<1x128xf32> to vector<64x128xf32>
      %add3A_124 = arith.addf %dot_general3A_119, %add3A_123 : vector<64x128xf32>
      %slice3A_125 = vector.extract_strided_slice %select_n3A_62 {offsets = [0, 1], sizes = [64, 1], strides = [1, 1]} : vector<64x32xf32> to vector<64x1xf32>
      %mul3A_126 = vector.broadcast %slice3A_125 : vector<64x1xf32> to vector<64x128xf32>
      %mul3A_127 = arith.mulf %mul3A_126, %add3A_124 : vector<64x128xf32>
      %add3A_128 = arith.addf %add3A_112, %mul3A_127 : vector<64x128xf32>
      %get3A_129 = arith.constant 2 : index
      %get3A_130 = arith.constant 0 : index
      %get3A_131 = arith.constant 0 : index
      %get3A_132 = vector.load %arg10[%get3A_129, %get3A_130, %get3A_131] : memref<21x200x128xf32, #tpu.memory_space<vmem>>, vector<1x200x128xf32>
      %get3A_133 = vector.shape_cast %get3A_132 : vector<1x200x128xf32> to vector<200x128xf32>
      %dot_general3A_134 = arith.constant dense<0.000000e+00> : vector<64x128xf32>
      %dot_general3A_135 = tpu.matmul %mul3A, %get3A_133, %dot_general3A_134 {dimension_numbers = #tpu.dot_dimension_numbers<[1], [0], [0], [1], [0, 0, 1, 1], [], []>, transpose_lhs_hint = false} : vector<64x200xf32>, vector<200x128xf32>, vector<64x128xf32> -> vector<64x128xf32>
      %get3A_136 = arith.constant 2 : index
      %get3A_137 = arith.constant 0 : index
      %get3A_138 = vector.load %arg11[%get3A_136, %get3A_137] : memref<24x128xf32, #tpu.memory_space<vmem>>, vector<1x128xf32>
      %add3A_139 = vector.broadcast %get3A_138 : vector<1x128xf32> to vector<64x128xf32>
      %add3A_140 = arith.addf %dot_general3A_135, %add3A_139 : vector<64x128xf32>
      %slice3A_141 = vector.extract_strided_slice %select_n3A_62 {offsets = [0, 2], sizes = [64, 1], strides = [1, 1]} : vector<64x32xf32> to vector<64x1xf32>
      %mul3A_142 = vector.broadcast %slice3A_141 : vector<64x1xf32> to vector<64x128xf32>
      %mul3A_143 = arith.mulf %mul3A_142, %add3A_140 : vector<64x128xf32>
      %add3A_144 = arith.addf %add3A_128, %mul3A_143 : vector<64x128xf32>
      %get3A_145 = arith.constant 3 : index
      %get3A_146 = arith.constant 0 : index
      %get3A_147 = arith.constant 0 : index
      %get3A_148 = vector.load %arg10[%get3A_145, %get3A_146, %get3A_147] : memref<21x200x128xf32, #tpu.memory_space<vmem>>, vector<1x200x128xf32>
      %get3A_149 = vector.shape_cast %get3A_148 : vector<1x200x128xf32> to vector<200x128xf32>
      %dot_general3A_150 = arith.constant dense<0.000000e+00> : vector<64x128xf32>
      %dot_general3A_151 = tpu.matmul %mul3A, %get3A_149, %dot_general3A_150 {dimension_numbers = #tpu.dot_dimension_numbers<[1], [0], [0], [1], [0, 0, 1, 1], [], []>, transpose_lhs_hint = false} : vector<64x200xf32>, vector<200x128xf32>, vector<64x128xf32> -> vector<64x128xf32>
      %get3A_152 = arith.constant 3 : index
      %get3A_153 = arith.constant 0 : index
      %get3A_154 = vector.load %arg11[%get3A_152, %get3A_153] : memref<24x128xf32, #tpu.memory_space<vmem>>, vector<1x128xf32>
      %add3A_155 = vector.broadcast %get3A_154 : vector<1x128xf32> to vector<64x128xf32>
      %add3A_156 = arith.addf %dot_general3A_151, %add3A_155 : vector<64x128xf32>
      %slice3A_157 = vector.extract_strided_slice %select_n3A_62 {offsets = [0, 3], sizes = [64, 1], strides = [1, 1]} : vector<64x32xf32> to vector<64x1xf32>
      %mul3A_158 = vector.broadcast %slice3A_157 : vector<64x1xf32> to vector<64x128xf32>
      %mul3A_159 = arith.mulf %mul3A_158, %add3A_156 : vector<64x128xf32>
      %add3A_160 = arith.addf %add3A_144, %mul3A_159 : vector<64x128xf32>
      %get3A_161 = arith.constant 4 : index
      %get3A_162 = arith.constant 0 : index
      %get3A_163 = arith.constant 0 : index
      %get3A_164 = vector.load %arg10[%get3A_161, %get3A_162, %get3A_163] : memref<21x200x128xf32, #tpu.memory_space<vmem>>, vector<1x200x128xf32>
      %get3A_165 = vector.shape_cast %get3A_164 : vector<1x200x128xf32> to vector<200x128xf32>
      %dot_general3A_166 = arith.constant dense<0.000000e+00> : vector<64x128xf32>
      %dot_general3A_167 = tpu.matmul %mul3A, %get3A_165, %dot_general3A_166 {dimension_numbers = #tpu.dot_dimension_numbers<[1], [0], [0], [1], [0, 0, 1, 1], [], []>, transpose_lhs_hint = false} : vector<64x200xf32>, vector<200x128xf32>, vector<64x128xf32> -> vector<64x128xf32>
      %get3A_168 = arith.constant 4 : index
      %get3A_169 = arith.constant 0 : index
      %get3A_170 = vector.load %arg11[%get3A_168, %get3A_169] : memref<24x128xf32, #tpu.memory_space<vmem>>, vector<1x128xf32>
      %add3A_171 = vector.broadcast %get3A_170 : vector<1x128xf32> to vector<64x128xf32>
      %add3A_172 = arith.addf %dot_general3A_167, %add3A_171 : vector<64x128xf32>
      %slice3A_173 = vector.extract_strided_slice %select_n3A_62 {offsets = [0, 4], sizes = [64, 1], strides = [1, 1]} : vector<64x32xf32> to vector<64x1xf32>
      %mul3A_174 = vector.broadcast %slice3A_173 : vector<64x1xf32> to vector<64x128xf32>
      %mul3A_175 = arith.mulf %mul3A_174, %add3A_172 : vector<64x128xf32>
      %add3A_176 = arith.addf %add3A_160, %mul3A_175 : vector<64x128xf32>
      %get3A_177 = arith.constant 5 : index
      %get3A_178 = arith.constant 0 : index
      %get3A_179 = arith.constant 0 : index
      %get3A_180 = vector.load %arg10[%get3A_177, %get3A_178, %get3A_179] : memref<21x200x128xf32, #tpu.memory_space<vmem>>, vector<1x200x128xf32>
      %get3A_181 = vector.shape_cast %get3A_180 : vector<1x200x128xf32> to vector<200x128xf32>
      %dot_general3A_182 = arith.constant dense<0.000000e+00> : vector<64x128xf32>
      %dot_general3A_183 = tpu.matmul %mul3A, %get3A_181, %dot_general3A_182 {dimension_numbers = #tpu.dot_dimension_numbers<[1], [0], [0], [1], [0, 0, 1, 1], [], []>, transpose_lhs_hint = false} : vector<64x200xf32>, vector<200x128xf32>, vector<64x128xf32> -> vector<64x128xf32>
      %get3A_184 = arith.constant 5 : index
      %get3A_185 = arith.constant 0 : index
      %get3A_186 = vector.load %arg11[%get3A_184, %get3A_185] : memref<24x128xf32, #tpu.memory_space<vmem>>, vector<1x128xf32>
      %add3A_187 = vector.broadcast %get3A_186 : vector<1x128xf32> to vector<64x128xf32>
      %add3A_188 = arith.addf %dot_general3A_183, %add3A_187 : vector<64x128xf32>
      %slice3A_189 = vector.extract_strided_slice %select_n3A_62 {offsets = [0, 5], sizes = [64, 1], strides = [1, 1]} : vector<64x32xf32> to vector<64x1xf32>
      %mul3A_190 = vector.broadcast %slice3A_189 : vector<64x1xf32> to vector<64x128xf32>
      %mul3A_191 = arith.mulf %mul3A_190, %add3A_188 : vector<64x128xf32>
      %add3A_192 = arith.addf %add3A_176, %mul3A_191 : vector<64x128xf32>
      %get3A_193 = arith.constant 6 : index
      %get3A_194 = arith.constant 0 : index
      %get3A_195 = arith.constant 0 : index
      %get3A_196 = vector.load %arg10[%get3A_193, %get3A_194, %get3A_195] : memref<21x200x128xf32, #tpu.memory_space<vmem>>, vector<1x200x128xf32>
      %get3A_197 = vector.shape_cast %get3A_196 : vector<1x200x128xf32> to vector<200x128xf32>
      %dot_general3A_198 = arith.constant dense<0.000000e+00> : vector<64x128xf32>
      %dot_general3A_199 = tpu.matmul %mul3A, %get3A_197, %dot_general3A_198 {dimension_numbers = #tpu.dot_dimension_numbers<[1], [0], [0], [1], [0, 0, 1, 1], [], []>, transpose_lhs_hint = false} : vector<64x200xf32>, vector<200x128xf32>, vector<64x128xf32> -> vector<64x128xf32>
      %get3A_200 = arith.constant 6 : index
      %get3A_201 = arith.constant 0 : index
      %get3A_202 = vector.load %arg11[%get3A_200, %get3A_201] : memref<24x128xf32, #tpu.memory_space<vmem>>, vector<1x128xf32>
      %add3A_203 = vector.broadcast %get3A_202 : vector<1x128xf32> to vector<64x128xf32>
      %add3A_204 = arith.addf %dot_general3A_199, %add3A_203 : vector<64x128xf32>
      %slice3A_205 = vector.extract_strided_slice %select_n3A_62 {offsets = [0, 6], sizes = [64, 1], strides = [1, 1]} : vector<64x32xf32> to vector<64x1xf32>
      %mul3A_206 = vector.broadcast %slice3A_205 : vector<64x1xf32> to vector<64x128xf32>
      %mul3A_207 = arith.mulf %mul3A_206, %add3A_204 : vector<64x128xf32>
      %add3A_208 = arith.addf %add3A_192, %mul3A_207 : vector<64x128xf32>
      %get3A_209 = arith.constant 7 : index
      %get3A_210 = arith.constant 0 : index
      %get3A_211 = arith.constant 0 : index
      %get3A_212 = vector.load %arg10[%get3A_209, %get3A_210, %get3A_211] : memref<21x200x128xf32, #tpu.memory_space<vmem>>, vector<1x200x128xf32>
      %get3A_213 = vector.shape_cast %get3A_212 : vector<1x200x128xf32> to vector<200x128xf32>
      %dot_general3A_214 = arith.constant dense<0.000000e+00> : vector<64x128xf32>
      %dot_general3A_215 = tpu.matmul %mul3A, %get3A_213, %dot_general3A_214 {dimension_numbers = #tpu.dot_dimension_numbers<[1], [0], [0], [1], [0, 0, 1, 1], [], []>, transpose_lhs_hint = false} : vector<64x200xf32>, vector<200x128xf32>, vector<64x128xf32> -> vector<64x128xf32>
      %get3A_216 = arith.constant 7 : index
      %get3A_217 = arith.constant 0 : index
      %get3A_218 = vector.load %arg11[%get3A_216, %get3A_217] : memref<24x128xf32, #tpu.memory_space<vmem>>, vector<1x128xf32>
      %add3A_219 = vector.broadcast %get3A_218 : vector<1x128xf32> to vector<64x128xf32>
      %add3A_220 = arith.addf %dot_general3A_215, %add3A_219 : vector<64x128xf32>
      %slice3A_221 = vector.extract_strided_slice %select_n3A_62 {offsets = [0, 7], sizes = [64, 1], strides = [1, 1]} : vector<64x32xf32> to vector<64x1xf32>
      %mul3A_222 = vector.broadcast %slice3A_221 : vector<64x1xf32> to vector<64x128xf32>
      %mul3A_223 = arith.mulf %mul3A_222, %add3A_220 : vector<64x128xf32>
      %add3A_224 = arith.addf %add3A_208, %mul3A_223 : vector<64x128xf32>
      %get3A_225 = arith.constant 8 : index
      %get3A_226 = arith.constant 0 : index
      %get3A_227 = arith.constant 0 : index
      %get3A_228 = vector.load %arg10[%get3A_225, %get3A_226, %get3A_227] : memref<21x200x128xf32, #tpu.memory_space<vmem>>, vector<1x200x128xf32>
      %get3A_229 = vector.shape_cast %get3A_228 : vector<1x200x128xf32> to vector<200x128xf32>
      %dot_general3A_230 = arith.constant dense<0.000000e+00> : vector<64x128xf32>
      %dot_general3A_231 = tpu.matmul %mul3A, %get3A_229, %dot_general3A_230 {dimension_numbers = #tpu.dot_dimension_numbers<[1], [0], [0], [1], [0, 0, 1, 1], [], []>, transpose_lhs_hint = false} : vector<64x200xf32>, vector<200x128xf32>, vector<64x128xf32> -> vector<64x128xf32>
      %get3A_232 = arith.constant 8 : index
      %get3A_233 = arith.constant 0 : index
      %get3A_234 = vector.load %arg11[%get3A_232, %get3A_233] : memref<24x128xf32, #tpu.memory_space<vmem>>, vector<1x128xf32>
      %add3A_235 = vector.broadcast %get3A_234 : vector<1x128xf32> to vector<64x128xf32>
      %add3A_236 = arith.addf %dot_general3A_231, %add3A_235 : vector<64x128xf32>
      %slice3A_237 = vector.extract_strided_slice %select_n3A_62 {offsets = [0, 8], sizes = [64, 1], strides = [1, 1]} : vector<64x32xf32> to vector<64x1xf32>
      %mul3A_238 = vector.broadcast %slice3A_237 : vector<64x1xf32> to vector<64x128xf32>
      %mul3A_239 = arith.mulf %mul3A_238, %add3A_236 : vector<64x128xf32>
      %add3A_240 = arith.addf %add3A_224, %mul3A_239 : vector<64x128xf32>
      %get3A_241 = arith.constant 9 : index
      %get3A_242 = arith.constant 0 : index
      %get3A_243 = arith.constant 0 : index
      %get3A_244 = vector.load %arg10[%get3A_241, %get3A_242, %get3A_243] : memref<21x200x128xf32, #tpu.memory_space<vmem>>, vector<1x200x128xf32>
      %get3A_245 = vector.shape_cast %get3A_244 : vector<1x200x128xf32> to vector<200x128xf32>
      %dot_general3A_246 = arith.constant dense<0.000000e+00> : vector<64x128xf32>
      %dot_general3A_247 = tpu.matmul %mul3A, %get3A_245, %dot_general3A_246 {dimension_numbers = #tpu.dot_dimension_numbers<[1], [0], [0], [1], [0, 0, 1, 1], [], []>, transpose_lhs_hint = false} : vector<64x200xf32>, vector<200x128xf32>, vector<64x128xf32> -> vector<64x128xf32>
      %get3A_248 = arith.constant 9 : index
      %get3A_249 = arith.constant 0 : index
      %get3A_250 = vector.load %arg11[%get3A_248, %get3A_249] : memref<24x128xf32, #tpu.memory_space<vmem>>, vector<1x128xf32>
      %add3A_251 = vector.broadcast %get3A_250 : vector<1x128xf32> to vector<64x128xf32>
      %add3A_252 = arith.addf %dot_general3A_247, %add3A_251 : vector<64x128xf32>
      %slice3A_253 = vector.extract_strided_slice %select_n3A_62 {offsets = [0, 9], sizes = [64, 1], strides = [1, 1]} : vector<64x32xf32> to vector<64x1xf32>
      %mul3A_254 = vector.broadcast %slice3A_253 : vector<64x1xf32> to vector<64x128xf32>
      %mul3A_255 = arith.mulf %mul3A_254, %add3A_252 : vector<64x128xf32>
      %add3A_256 = arith.addf %add3A_240, %mul3A_255 : vector<64x128xf32>
      %get3A_257 = arith.constant 10 : index
      %get3A_258 = arith.constant 0 : index
      %get3A_259 = arith.constant 0 : index
      %get3A_260 = vector.load %arg10[%get3A_257, %get3A_258, %get3A_259] : memref<21x200x128xf32, #tpu.memory_space<vmem>>, vector<1x200x128xf32>
      %get3A_261 = vector.shape_cast %get3A_260 : vector<1x200x128xf32> to vector<200x128xf32>
      %dot_general3A_262 = arith.constant dense<0.000000e+00> : vector<64x128xf32>
      %dot_general3A_263 = tpu.matmul %mul3A, %get3A_261, %dot_general3A_262 {dimension_numbers = #tpu.dot_dimension_numbers<[1], [0], [0], [1], [0, 0, 1, 1], [], []>, transpose_lhs_hint = false} : vector<64x200xf32>, vector<200x128xf32>, vector<64x128xf32> -> vector<64x128xf32>
      %get3A_264 = arith.constant 10 : index
      %get3A_265 = arith.constant 0 : index
      %get3A_266 = vector.load %arg11[%get3A_264, %get3A_265] : memref<24x128xf32, #tpu.memory_space<vmem>>, vector<1x128xf32>
      %add3A_267 = vector.broadcast %get3A_266 : vector<1x128xf32> to vector<64x128xf32>
      %add3A_268 = arith.addf %dot_general3A_263, %add3A_267 : vector<64x128xf32>
      %slice3A_269 = vector.extract_strided_slice %select_n3A_62 {offsets = [0, 10], sizes = [64, 1], strides = [1, 1]} : vector<64x32xf32> to vector<64x1xf32>
      %mul3A_270 = vector.broadcast %slice3A_269 : vector<64x1xf32> to vector<64x128xf32>
      %mul3A_271 = arith.mulf %mul3A_270, %add3A_268 : vector<64x128xf32>
      %add3A_272 = arith.addf %add3A_256, %mul3A_271 : vector<64x128xf32>
      %get3A_273 = arith.constant 11 : index
      %get3A_274 = arith.constant 0 : index
      %get3A_275 = arith.constant 0 : index
      %get3A_276 = vector.load %arg10[%get3A_273, %get3A_274, %get3A_275] : memref<21x200x128xf32, #tpu.memory_space<vmem>>, vector<1x200x128xf32>
      %get3A_277 = vector.shape_cast %get3A_276 : vector<1x200x128xf32> to vector<200x128xf32>
      %dot_general3A_278 = arith.constant dense<0.000000e+00> : vector<64x128xf32>
      %dot_general3A_279 = tpu.matmul %mul3A, %get3A_277, %dot_general3A_278 {dimension_numbers = #tpu.dot_dimension_numbers<[1], [0], [0], [1], [0, 0, 1, 1], [], []>, transpose_lhs_hint = false} : vector<64x200xf32>, vector<200x128xf32>, vector<64x128xf32> -> vector<64x128xf32>
      %get3A_280 = arith.constant 11 : index
      %get3A_281 = arith.constant 0 : index
      %get3A_282 = vector.load %arg11[%get3A_280, %get3A_281] : memref<24x128xf32, #tpu.memory_space<vmem>>, vector<1x128xf32>
      %add3A_283 = vector.broadcast %get3A_282 : vector<1x128xf32> to vector<64x128xf32>
      %add3A_284 = arith.addf %dot_general3A_279, %add3A_283 : vector<64x128xf32>
      %slice3A_285 = vector.extract_strided_slice %select_n3A_62 {offsets = [0, 11], sizes = [64, 1], strides = [1, 1]} : vector<64x32xf32> to vector<64x1xf32>
      %mul3A_286 = vector.broadcast %slice3A_285 : vector<64x1xf32> to vector<64x128xf32>
      %mul3A_287 = arith.mulf %mul3A_286, %add3A_284 : vector<64x128xf32>
      %add3A_288 = arith.addf %add3A_272, %mul3A_287 : vector<64x128xf32>
      %get3A_289 = arith.constant 12 : index
      %get3A_290 = arith.constant 0 : index
      %get3A_291 = arith.constant 0 : index
      %get3A_292 = vector.load %arg10[%get3A_289, %get3A_290, %get3A_291] : memref<21x200x128xf32, #tpu.memory_space<vmem>>, vector<1x200x128xf32>
      %get3A_293 = vector.shape_cast %get3A_292 : vector<1x200x128xf32> to vector<200x128xf32>
      %dot_general3A_294 = arith.constant dense<0.000000e+00> : vector<64x128xf32>
      %dot_general3A_295 = tpu.matmul %mul3A, %get3A_293, %dot_general3A_294 {dimension_numbers = #tpu.dot_dimension_numbers<[1], [0], [0], [1], [0, 0, 1, 1], [], []>, transpose_lhs_hint = false} : vector<64x200xf32>, vector<200x128xf32>, vector<64x128xf32> -> vector<64x128xf32>
      %get3A_296 = arith.constant 12 : index
      %get3A_297 = arith.constant 0 : index
      %get3A_298 = vector.load %arg11[%get3A_296, %get3A_297] : memref<24x128xf32, #tpu.memory_space<vmem>>, vector<1x128xf32>
      %add3A_299 = vector.broadcast %get3A_298 : vector<1x128xf32> to vector<64x128xf32>
      %add3A_300 = arith.addf %dot_general3A_295, %add3A_299 : vector<64x128xf32>
      %slice3A_301 = vector.extract_strided_slice %select_n3A_62 {offsets = [0, 12], sizes = [64, 1], strides = [1, 1]} : vector<64x32xf32> to vector<64x1xf32>
      %mul3A_302 = vector.broadcast %slice3A_301 : vector<64x1xf32> to vector<64x128xf32>
      %mul3A_303 = arith.mulf %mul3A_302, %add3A_300 : vector<64x128xf32>
      %add3A_304 = arith.addf %add3A_288, %mul3A_303 : vector<64x128xf32>
      %get3A_305 = arith.constant 13 : index
      %get3A_306 = arith.constant 0 : index
      %get3A_307 = arith.constant 0 : index
      %get3A_308 = vector.load %arg10[%get3A_305, %get3A_306, %get3A_307] : memref<21x200x128xf32, #tpu.memory_space<vmem>>, vector<1x200x128xf32>
      %get3A_309 = vector.shape_cast %get3A_308 : vector<1x200x128xf32> to vector<200x128xf32>
      %dot_general3A_310 = arith.constant dense<0.000000e+00> : vector<64x128xf32>
      %dot_general3A_311 = tpu.matmul %mul3A, %get3A_309, %dot_general3A_310 {dimension_numbers = #tpu.dot_dimension_numbers<[1], [0], [0], [1], [0, 0, 1, 1], [], []>, transpose_lhs_hint = false} : vector<64x200xf32>, vector<200x128xf32>, vector<64x128xf32> -> vector<64x128xf32>
      %get3A_312 = arith.constant 13 : index
      %get3A_313 = arith.constant 0 : index
      %get3A_314 = vector.load %arg11[%get3A_312, %get3A_313] : memref<24x128xf32, #tpu.memory_space<vmem>>, vector<1x128xf32>
      %add3A_315 = vector.broadcast %get3A_314 : vector<1x128xf32> to vector<64x128xf32>
      %add3A_316 = arith.addf %dot_general3A_311, %add3A_315 : vector<64x128xf32>
      %slice3A_317 = vector.extract_strided_slice %select_n3A_62 {offsets = [0, 13], sizes = [64, 1], strides = [1, 1]} : vector<64x32xf32> to vector<64x1xf32>
      %mul3A_318 = vector.broadcast %slice3A_317 : vector<64x1xf32> to vector<64x128xf32>
      %mul3A_319 = arith.mulf %mul3A_318, %add3A_316 : vector<64x128xf32>
      %add3A_320 = arith.addf %add3A_304, %mul3A_319 : vector<64x128xf32>
      %get3A_321 = arith.constant 14 : index
      %get3A_322 = arith.constant 0 : index
      %get3A_323 = arith.constant 0 : index
      %get3A_324 = vector.load %arg10[%get3A_321, %get3A_322, %get3A_323] : memref<21x200x128xf32, #tpu.memory_space<vmem>>, vector<1x200x128xf32>
      %get3A_325 = vector.shape_cast %get3A_324 : vector<1x200x128xf32> to vector<200x128xf32>
      %dot_general3A_326 = arith.constant dense<0.000000e+00> : vector<64x128xf32>
      %dot_general3A_327 = tpu.matmul %mul3A, %get3A_325, %dot_general3A_326 {dimension_numbers = #tpu.dot_dimension_numbers<[1], [0], [0], [1], [0, 0, 1, 1], [], []>, transpose_lhs_hint = false} : vector<64x200xf32>, vector<200x128xf32>, vector<64x128xf32> -> vector<64x128xf32>
      %get3A_328 = arith.constant 14 : index
      %get3A_329 = arith.constant 0 : index
      %get3A_330 = vector.load %arg11[%get3A_328, %get3A_329] : memref<24x128xf32, #tpu.memory_space<vmem>>, vector<1x128xf32>
      %add3A_331 = vector.broadcast %get3A_330 : vector<1x128xf32> to vector<64x128xf32>
      %add3A_332 = arith.addf %dot_general3A_327, %add3A_331 : vector<64x128xf32>
      %slice3A_333 = vector.extract_strided_slice %select_n3A_62 {offsets = [0, 14], sizes = [64, 1], strides = [1, 1]} : vector<64x32xf32> to vector<64x1xf32>
      %mul3A_334 = vector.broadcast %slice3A_333 : vector<64x1xf32> to vector<64x128xf32>
      %mul3A_335 = arith.mulf %mul3A_334, %add3A_332 : vector<64x128xf32>
      %add3A_336 = arith.addf %add3A_320, %mul3A_335 : vector<64x128xf32>
      %get3A_337 = arith.constant 15 : index
      %get3A_338 = arith.constant 0 : index
      %get3A_339 = arith.constant 0 : index
      %get3A_340 = vector.load %arg10[%get3A_337, %get3A_338, %get3A_339] : memref<21x200x128xf32, #tpu.memory_space<vmem>>, vector<1x200x128xf32>
      %get3A_341 = vector.shape_cast %get3A_340 : vector<1x200x128xf32> to vector<200x128xf32>
      %dot_general3A_342 = arith.constant dense<0.000000e+00> : vector<64x128xf32>
      %dot_general3A_343 = tpu.matmul %mul3A, %get3A_341, %dot_general3A_342 {dimension_numbers = #tpu.dot_dimension_numbers<[1], [0], [0], [1], [0, 0, 1, 1], [], []>, transpose_lhs_hint = false} : vector<64x200xf32>, vector<200x128xf32>, vector<64x128xf32> -> vector<64x128xf32>
      %get3A_344 = arith.constant 15 : index
      %get3A_345 = arith.constant 0 : index
      %get3A_346 = vector.load %arg11[%get3A_344, %get3A_345] : memref<24x128xf32, #tpu.memory_space<vmem>>, vector<1x128xf32>
      %add3A_347 = vector.broadcast %get3A_346 : vector<1x128xf32> to vector<64x128xf32>
      %add3A_348 = arith.addf %dot_general3A_343, %add3A_347 : vector<64x128xf32>
      %slice3A_349 = vector.extract_strided_slice %select_n3A_62 {offsets = [0, 15], sizes = [64, 1], strides = [1, 1]} : vector<64x32xf32> to vector<64x1xf32>
      %mul3A_350 = vector.broadcast %slice3A_349 : vector<64x1xf32> to vector<64x128xf32>
      %mul3A_351 = arith.mulf %mul3A_350, %add3A_348 : vector<64x128xf32>
      %add3A_352 = arith.addf %add3A_336, %mul3A_351 : vector<64x128xf32>
      %get3A_353 = arith.constant 16 : index
      %get3A_354 = arith.constant 0 : index
      %get3A_355 = arith.constant 0 : index
      %get3A_356 = vector.load %arg10[%get3A_353, %get3A_354, %get3A_355] : memref<21x200x128xf32, #tpu.memory_space<vmem>>, vector<1x200x128xf32>
      %get3A_357 = vector.shape_cast %get3A_356 : vector<1x200x128xf32> to vector<200x128xf32>
      %dot_general3A_358 = arith.constant dense<0.000000e+00> : vector<64x128xf32>
      %dot_general3A_359 = tpu.matmul %mul3A, %get3A_357, %dot_general3A_358 {dimension_numbers = #tpu.dot_dimension_numbers<[1], [0], [0], [1], [0, 0, 1, 1], [], []>, transpose_lhs_hint = false} : vector<64x200xf32>, vector<200x128xf32>, vector<64x128xf32> -> vector<64x128xf32>
      %get3A_360 = arith.constant 16 : index
      %get3A_361 = arith.constant 0 : index
      %get3A_362 = vector.load %arg11[%get3A_360, %get3A_361] : memref<24x128xf32, #tpu.memory_space<vmem>>, vector<1x128xf32>
      %add3A_363 = vector.broadcast %get3A_362 : vector<1x128xf32> to vector<64x128xf32>
      %add3A_364 = arith.addf %dot_general3A_359, %add3A_363 : vector<64x128xf32>
      %slice3A_365 = vector.extract_strided_slice %select_n3A_62 {offsets = [0, 16], sizes = [64, 1], strides = [1, 1]} : vector<64x32xf32> to vector<64x1xf32>
      %mul3A_366 = vector.broadcast %slice3A_365 : vector<64x1xf32> to vector<64x128xf32>
      %mul3A_367 = arith.mulf %mul3A_366, %add3A_364 : vector<64x128xf32>
      %add3A_368 = arith.addf %add3A_352, %mul3A_367 : vector<64x128xf32>
      %get3A_369 = arith.constant 17 : index
      %get3A_370 = arith.constant 0 : index
      %get3A_371 = arith.constant 0 : index
      %get3A_372 = vector.load %arg10[%get3A_369, %get3A_370, %get3A_371] : memref<21x200x128xf32, #tpu.memory_space<vmem>>, vector<1x200x128xf32>
      %get3A_373 = vector.shape_cast %get3A_372 : vector<1x200x128xf32> to vector<200x128xf32>
      %dot_general3A_374 = arith.constant dense<0.000000e+00> : vector<64x128xf32>
      %dot_general3A_375 = tpu.matmul %mul3A, %get3A_373, %dot_general3A_374 {dimension_numbers = #tpu.dot_dimension_numbers<[1], [0], [0], [1], [0, 0, 1, 1], [], []>, transpose_lhs_hint = false} : vector<64x200xf32>, vector<200x128xf32>, vector<64x128xf32> -> vector<64x128xf32>
      %get3A_376 = arith.constant 17 : index
      %get3A_377 = arith.constant 0 : index
      %get3A_378 = vector.load %arg11[%get3A_376, %get3A_377] : memref<24x128xf32, #tpu.memory_space<vmem>>, vector<1x128xf32>
      %add3A_379 = vector.broadcast %get3A_378 : vector<1x128xf32> to vector<64x128xf32>
      %add3A_380 = arith.addf %dot_general3A_375, %add3A_379 : vector<64x128xf32>
      %slice3A_381 = vector.extract_strided_slice %select_n3A_62 {offsets = [0, 17], sizes = [64, 1], strides = [1, 1]} : vector<64x32xf32> to vector<64x1xf32>
      %mul3A_382 = vector.broadcast %slice3A_381 : vector<64x1xf32> to vector<64x128xf32>
      %mul3A_383 = arith.mulf %mul3A_382, %add3A_380 : vector<64x128xf32>
      %add3A_384 = arith.addf %add3A_368, %mul3A_383 : vector<64x128xf32>
      %get3A_385 = arith.constant 18 : index
      %get3A_386 = arith.constant 0 : index
      %get3A_387 = arith.constant 0 : index
      %get3A_388 = vector.load %arg10[%get3A_385, %get3A_386, %get3A_387] : memref<21x200x128xf32, #tpu.memory_space<vmem>>, vector<1x200x128xf32>
      %get3A_389 = vector.shape_cast %get3A_388 : vector<1x200x128xf32> to vector<200x128xf32>
      %dot_general3A_390 = arith.constant dense<0.000000e+00> : vector<64x128xf32>
      %dot_general3A_391 = tpu.matmul %mul3A, %get3A_389, %dot_general3A_390 {dimension_numbers = #tpu.dot_dimension_numbers<[1], [0], [0], [1], [0, 0, 1, 1], [], []>, transpose_lhs_hint = false} : vector<64x200xf32>, vector<200x128xf32>, vector<64x128xf32> -> vector<64x128xf32>
      %get3A_392 = arith.constant 18 : index
      %get3A_393 = arith.constant 0 : index
      %get3A_394 = vector.load %arg11[%get3A_392, %get3A_393] : memref<24x128xf32, #tpu.memory_space<vmem>>, vector<1x128xf32>
      %add3A_395 = vector.broadcast %get3A_394 : vector<1x128xf32> to vector<64x128xf32>
      %add3A_396 = arith.addf %dot_general3A_391, %add3A_395 : vector<64x128xf32>
      %slice3A_397 = vector.extract_strided_slice %select_n3A_62 {offsets = [0, 18], sizes = [64, 1], strides = [1, 1]} : vector<64x32xf32> to vector<64x1xf32>
      %mul3A_398 = vector.broadcast %slice3A_397 : vector<64x1xf32> to vector<64x128xf32>
      %mul3A_399 = arith.mulf %mul3A_398, %add3A_396 : vector<64x128xf32>
      %add3A_400 = arith.addf %add3A_384, %mul3A_399 : vector<64x128xf32>
      %get3A_401 = arith.constant 19 : index
      %get3A_402 = arith.constant 0 : index
      %get3A_403 = arith.constant 0 : index
      %get3A_404 = vector.load %arg10[%get3A_401, %get3A_402, %get3A_403] : memref<21x200x128xf32, #tpu.memory_space<vmem>>, vector<1x200x128xf32>
      %get3A_405 = vector.shape_cast %get3A_404 : vector<1x200x128xf32> to vector<200x128xf32>
      %dot_general3A_406 = arith.constant dense<0.000000e+00> : vector<64x128xf32>
      %dot_general3A_407 = tpu.matmul %mul3A, %get3A_405, %dot_general3A_406 {dimension_numbers = #tpu.dot_dimension_numbers<[1], [0], [0], [1], [0, 0, 1, 1], [], []>, transpose_lhs_hint = false} : vector<64x200xf32>, vector<200x128xf32>, vector<64x128xf32> -> vector<64x128xf32>
      %get3A_408 = arith.constant 19 : index
      %get3A_409 = arith.constant 0 : index
      %get3A_410 = vector.load %arg11[%get3A_408, %get3A_409] : memref<24x128xf32, #tpu.memory_space<vmem>>, vector<1x128xf32>
      %add3A_411 = vector.broadcast %get3A_410 : vector<1x128xf32> to vector<64x128xf32>
      %add3A_412 = arith.addf %dot_general3A_407, %add3A_411 : vector<64x128xf32>
      %slice3A_413 = vector.extract_strided_slice %select_n3A_62 {offsets = [0, 19], sizes = [64, 1], strides = [1, 1]} : vector<64x32xf32> to vector<64x1xf32>
      %mul3A_414 = vector.broadcast %slice3A_413 : vector<64x1xf32> to vector<64x128xf32>
      %mul3A_415 = arith.mulf %mul3A_414, %add3A_412 : vector<64x128xf32>
      %add3A_416 = arith.addf %add3A_400, %mul3A_415 : vector<64x128xf32>
      %get3A_417 = arith.constant 20 : index
      %get3A_418 = arith.constant 0 : index
      %get3A_419 = arith.constant 0 : index
      %get3A_420 = vector.load %arg10[%get3A_417, %get3A_418, %get3A_419] : memref<21x200x128xf32, #tpu.memory_space<vmem>>, vector<1x200x128xf32>
      %get3A_421 = vector.shape_cast %get3A_420 : vector<1x200x128xf32> to vector<200x128xf32>
      %dot_general3A_422 = arith.constant dense<0.000000e+00> : vector<64x128xf32>
      %dot_general3A_423 = tpu.matmul %mul3A, %get3A_421, %dot_general3A_422 {dimension_numbers = #tpu.dot_dimension_numbers<[1], [0], [0], [1], [0, 0, 1, 1], [], []>, transpose_lhs_hint = false} : vector<64x200xf32>, vector<200x128xf32>, vector<64x128xf32> -> vector<64x128xf32>
      %get3A_424 = arith.constant 20 : index
      %get3A_425 = arith.constant 0 : index
      %get3A_426 = vector.load %arg11[%get3A_424, %get3A_425] : memref<24x128xf32, #tpu.memory_space<vmem>>, vector<1x128xf32>
      %add3A_427 = vector.broadcast %get3A_426 : vector<1x128xf32> to vector<64x128xf32>
      %add3A_428 = arith.addf %dot_general3A_423, %add3A_427 : vector<64x128xf32>
      %add3A_429 = arith.addf %add3A_416, %add3A_428 : vector<64x128xf32>
      %reduce_sum3A = arith.constant dense<0.000000e+00> : vector<128xf32>
      %reduce_sum3A_430 = vector.multi_reduction <add>, %add3A_429, %reduce_sum3A [0] : vector<64x128xf32> to vector<128xf32>
      %broadcast_in_dim3A_431 = vector.shape_cast %reduce_sum3A_430 : vector<128xf32> to vector<1x128xf32>
      %div3A_432 = arith.constant 6.400000e+01 : f32
      %div3A_433 = vector.broadcast %div3A_432 : f32 to vector<1x128xf32>
      %div3A_434 = arith.divf %broadcast_in_dim3A_431, %div3A_433 : vector<1x128xf32>
      %sub3A = vector.broadcast %div3A_434 : vector<1x128xf32> to vector<64x128xf32>
      %sub3A_435 = arith.subf %add3A_429, %sub3A : vector<64x128xf32>
      %integer_pow3A = arith.mulf %sub3A_435, %sub3A_435 : vector<64x128xf32>
      %reduce_sum3A_436 = arith.constant dense<0.000000e+00> : vector<128xf32>
      %reduce_sum3A_437 = vector.multi_reduction <add>, %integer_pow3A, %reduce_sum3A_436 [0] : vector<64x128xf32> to vector<128xf32>
      %broadcast_in_dim3A_438 = vector.shape_cast %reduce_sum3A_437 : vector<128xf32> to vector<1x128xf32>
      %div3A_439 = arith.constant 6.400000e+01 : f32
      %div3A_440 = vector.broadcast %div3A_439 : f32 to vector<1x128xf32>
      %div3A_441 = arith.divf %broadcast_in_dim3A_438, %div3A_440 : vector<1x128xf32>
      %sub3A_442 = vector.broadcast %div3A_434 : vector<1x128xf32> to vector<64x128xf32>
      %sub3A_443 = arith.subf %add3A_429, %sub3A_442 : vector<64x128xf32>
      %add3A_444 = arith.constant 9.99999974E-6 : f32
      %add3A_445 = vector.broadcast %add3A_444 : f32 to vector<1x128xf32>
      %add3A_446 = arith.addf %div3A_441, %add3A_445 : vector<1x128xf32>
      %sqrt3A = math.sqrt %add3A_446 : vector<1x128xf32>
      %div3A_447 = vector.broadcast %sqrt3A : vector<1x128xf32> to vector<64x128xf32>
      %div3A_448 = arith.divf %sub3A_443, %div3A_447 : vector<64x128xf32>
      %get3A_449 = arith.constant 0 : index
      %get3A_450 = arith.constant 0 : index
      %get3A_451 = vector.load %arg13[%get3A_449, %get3A_450] : memref<1x128xf32, #tpu.memory_space<vmem>>, vector<1x128xf32>
      %mul3A_452 = vector.broadcast %get3A_451 : vector<1x128xf32> to vector<64x128xf32>
      %mul3A_453 = arith.mulf %div3A_448, %mul3A_452 : vector<64x128xf32>
      %get3A_454 = arith.constant 0 : index
      %get3A_455 = arith.constant 0 : index
      %get3A_456 = vector.load %arg14[%get3A_454, %get3A_455] : memref<1x128xf32, #tpu.memory_space<vmem>>, vector<1x128xf32>
      %add3A_457 = vector.broadcast %get3A_456 : vector<1x128xf32> to vector<64x128xf32>
      %add3A_458 = arith.addf %mul3A_453, %add3A_457 : vector<64x128xf32>
      %max3A_459 = arith.constant 0.000000e+00 : f32
      %max3A_460 = vector.broadcast %max3A_459 : f32 to vector<64x128xf32>
      %max3A_461 = arith.maximumf %add3A_458, %max3A_460 : vector<64x128xf32>
      %get3A_462 = arith.constant 0 : index
      %get3A_463 = arith.constant 0 : index
      %get3A_464 = vector.load %arg15[%get3A_462, %get3A_463] : memref<128x32xf32, #tpu.memory_space<vmem>>, vector<128x32xf32>
      %dot_general3A_465 = arith.constant dense<0.000000e+00> : vector<64x32xf32>
      %dot_general3A_466 = tpu.matmul %max3A_461, %get3A_464, %dot_general3A_465 {dimension_numbers = #tpu.dot_dimension_numbers<[1], [0], [0], [1], [0, 0, 1, 1], [], []>, transpose_lhs_hint = false} : vector<64x128xf32>, vector<128x32xf32>, vector<64x32xf32> -> vector<64x32xf32>
      %get3A_467 = arith.constant 0 : index
      %get3A_468 = arith.constant 0 : index
      %get3A_469 = vector.load %arg16[%get3A_467, %get3A_468] : memref<1x32xf32, #tpu.memory_space<vmem>>, vector<1x32xf32>
      %add3A_470 = vector.broadcast %get3A_469 : vector<1x32xf32> to vector<64x32xf32>
      %add3A_471 = arith.addf %dot_general3A_466, %add3A_470 : vector<64x32xf32>
      %reduce_sum3A_472 = arith.constant dense<0.000000e+00> : vector<32xf32>
      %reduce_sum3A_473 = vector.multi_reduction <add>, %add3A_471, %reduce_sum3A_472 [0] : vector<64x32xf32> to vector<32xf32>
      %broadcast_in_dim3A_474 = vector.shape_cast %reduce_sum3A_473 : vector<32xf32> to vector<1x32xf32>
      %div3A_475 = arith.constant 6.400000e+01 : f32
      %div3A_476 = vector.broadcast %div3A_475 : f32 to vector<1x32xf32>
      %div3A_477 = arith.divf %broadcast_in_dim3A_474, %div3A_476 : vector<1x32xf32>
      %sub3A_478 = vector.broadcast %div3A_477 : vector<1x32xf32> to vector<64x32xf32>
      %sub3A_479 = arith.subf %add3A_471, %sub3A_478 : vector<64x32xf32>
      %integer_pow3A_480 = arith.mulf %sub3A_479, %sub3A_479 : vector<64x32xf32>
      %reduce_sum3A_481 = arith.constant dense<0.000000e+00> : vector<32xf32>
      %reduce_sum3A_482 = vector.multi_reduction <add>, %integer_pow3A_480, %reduce_sum3A_481 [0] : vector<64x32xf32> to vector<32xf32>
      %broadcast_in_dim3A_483 = vector.shape_cast %reduce_sum3A_482 : vector<32xf32> to vector<1x32xf32>
      %div3A_484 = arith.constant 6.400000e+01 : f32
      %div3A_485 = vector.broadcast %div3A_484 : f32 to vector<1x32xf32>
      %div3A_486 = arith.divf %broadcast_in_dim3A_483, %div3A_485 : vector<1x32xf32>
      %sub3A_487 = vector.broadcast %div3A_477 : vector<1x32xf32> to vector<64x32xf32>
      %sub3A_488 = arith.subf %add3A_471, %sub3A_487 : vector<64x32xf32>
      %add3A_489 = arith.constant 9.99999974E-6 : f32
      %add3A_490 = vector.broadcast %add3A_489 : f32 to vector<1x32xf32>
      %add3A_491 = arith.addf %div3A_486, %add3A_490 : vector<1x32xf32>
      %sqrt3A_492 = math.sqrt %add3A_491 : vector<1x32xf32>
      %div3A_493 = vector.broadcast %sqrt3A_492 : vector<1x32xf32> to vector<64x32xf32>
      %div3A_494 = arith.divf %sub3A_488, %div3A_493 : vector<64x32xf32>
      %get3A_495 = arith.constant 0 : index
      %get3A_496 = arith.constant 0 : index
      %get3A_497 = vector.load %arg17[%get3A_495, %get3A_496] : memref<1x32xf32, #tpu.memory_space<vmem>>, vector<1x32xf32>
      %mul3A_498 = vector.broadcast %get3A_497 : vector<1x32xf32> to vector<64x32xf32>
      %mul3A_499 = arith.mulf %div3A_494, %mul3A_498 : vector<64x32xf32>
      %get3A_500 = arith.constant 0 : index
      %get3A_501 = arith.constant 0 : index
      %get3A_502 = vector.load %arg18[%get3A_500, %get3A_501] : memref<1x32xf32, #tpu.memory_space<vmem>>, vector<1x32xf32>
      %add3A_503 = vector.broadcast %get3A_502 : vector<1x32xf32> to vector<64x32xf32>
      %add3A_504 = arith.addf %mul3A_499, %add3A_503 : vector<64x32xf32>
      %max3A_505 = arith.constant 0.000000e+00 : f32
      %max3A_506 = vector.broadcast %max3A_505 : f32 to vector<64x32xf32>
      %max3A_507 = arith.maximumf %add3A_504, %max3A_506 : vector<64x32xf32>
      %get3A_508 = arith.constant 0 : index
      %get3A_509 = arith.constant 0 : index
      %get3A_510 = vector.load %arg19[%get3A_508, %get3A_509] : memref<1x32xf32, #tpu.memory_space<vmem>>, vector<1x32xf32>
      %mul3A_511 = vector.broadcast %get3A_510 : vector<1x32xf32> to vector<64x32xf32>
      %mul3A_512 = arith.mulf %max3A_507, %mul3A_511 : vector<64x32xf32>
      %reduce_sum3A_513 = arith.constant dense<0.000000e+00> : vector<64xf32>
      %reduce_sum3A_514 = vector.multi_reduction <add>, %mul3A_512, %reduce_sum3A_513 [1] : vector<64x32xf32> to vector<64xf32>
      %broadcast_in_dim3A_515 = vector.shape_cast %reduce_sum3A_514 : vector<64xf32> to vector<64x1xf32>
      %get3A_516 = arith.constant 0 : index
      %get3A_517 = arith.constant 0 : index
      %get3A_518 = vector.load %arg20[%get3A_516, %get3A_517] : memref<1x1xf32, #tpu.memory_space<vmem>>, vector<1x1xf32>
      %add3A_519 = vector.broadcast %get3A_518 : vector<1x1xf32> to vector<64x1xf32>
      %add3A_520 = arith.addf %broadcast_in_dim3A_515, %add3A_519 : vector<64x1xf32>
      %swap3A_521 = arith.constant 0 : index
      %swap3A_522 = arith.constant 0 : index
      %swap3A_523 = vector.load %arg21[%swap3A_521, %swap3A_522] : memref<64x1xf32, #tpu.memory_space<vmem>>, vector<64x1xf32>
      tpu.vector_store %arg21[%swap3A_521, %swap3A_522], %add3A_520 {strides = array<i32>} : memref<64x1xf32, #tpu.memory_space<vmem>>, vector<64x1xf32>,
    } else {
    }
    return
  }
  func.func @transform_0(%arg0: i32) -> (i32, i32) {
    %c0_i32 = arith.constant 0 : i32
    %c0_i32_0 = arith.constant 0 : i32
    return %arg0, %c0_i32 : i32, i32
  }
  func.func @transform_1(%arg0: i32) -> (i32, i32) {
    %c0_i32 = arith.constant 0 : i32
    %c0_i32_0 = arith.constant 0 : i32
    return %arg0, %c0_i32 : i32, i32
  }
  func.func @transform_2(%arg0: i32) -> (i32, i32) {
    %c0_i32 = arith.constant 0 : i32
    %c0_i32_0 = arith.constant 0 : i32
    return %arg0, %c0_i32 : i32, i32
  }
  func.func @transform_3(%arg0: i32) -> (i32, i32) {
    %c0_i32 = arith.constant 0 : i32
    %c0_i32_0 = arith.constant 0 : i32
    return %arg0, %c0_i32 : i32, i32
  }
  func.func @transform_4(%arg0: i32) -> (i32, i32) {
    %c0_i32 = arith.constant 0 : i32
    %c0_i32_0 = arith.constant 0 : i32
    %c0_i32_1 = arith.constant 0 : i32
    return %c0_i32, %c0_i32_0 : i32, i32
  }
  func.func @transform_5(%arg0: i32) -> (i32, i32) {
    %c0_i32 = arith.constant 0 : i32
    %c0_i32_0 = arith.constant 0 : i32
    %c0_i32_1 = arith.constant 0 : i32
    return %c0_i32, %c0_i32_0 : i32, i32
  }
  func.func @transform_6(%arg0: i32) -> (i32, i32) {
    %c0_i32 = arith.constant 0 : i32
    %c0_i32_0 = arith.constant 0 : i32
    %c0_i32_1 = arith.constant 0 : i32
    return %c0_i32, %c0_i32_0 : i32, i32
  }
  func.func @transform_7(%arg0: i32) -> (i32, i32) {
    %c0_i32 = arith.constant 0 : i32
    %c0_i32_0 = arith.constant 0 : i32
    %c0_i32_1 = arith.constant 0 : i32
    return %c0_i32, %c0_i32_0 : i32, i32
  }
  func.func @transform_8(%arg0: i32) -> (i32, i32) {
    %c0_i32 = arith.constant 0 : i32
    %c0_i32_0 = arith.constant 0 : i32
    %c0_i32_1 = arith.constant 0 : i32
    return %c0_i32, %c0_i32_0 : i32, i32
  }
  func.func @transform_9(%arg0: i32) -> (i32, i32, i32) {
    %c0_i32 = arith.constant 0 : i32
    %c0_i32_0 = arith.constant 0 : i32
    %c0_i32_1 = arith.constant 0 : i32
    %c0_i32_2 = arith.constant 0 : i32
    return %c0_i32, %c0_i32_0, %c0_i32_1 : i32, i32, i32
  }
  func.func @transform_10(%arg0: i32) -> (i32, i32) {
    %c0_i32 = arith.constant 0 : i32
    %c0_i32_0 = arith.constant 0 : i32
    %c0_i32_1 = arith.constant 0 : i32
    return %c0_i32, %c0_i32_0 : i32, i32
  }
  func.func @transform_11(%arg0: i32) -> (i32, i32) {
    %c0_i32 = arith.constant 0 : i32
    %c0_i32_0 = arith.constant 0 : i32
    %c0_i32_1 = arith.constant 0 : i32
    return %c0_i32, %c0_i32_0 : i32, i32
  }
  func.func @transform_12(%arg0: i32) -> (i32, i32) {
    %c0_i32 = arith.constant 0 : i32
    %c0_i32_0 = arith.constant 0 : i32
    %c0_i32_1 = arith.constant 0 : i32
    return %c0_i32, %c0_i32_0 : i32, i32
  }
  func.func @transform_13(%arg0: i32) -> (i32, i32) {
    %c0_i32 = arith.constant 0 : i32
    %c0_i32_0 = arith.constant 0 : i32
    %c0_i32_1 = arith.constant 0 : i32
    return %c0_i32, %c0_i32_0 : i32, i32
  }
  func.func @transform_14(%arg0: i32) -> (i32, i32) {
    %c0_i32 = arith.constant 0 : i32
    %c0_i32_0 = arith.constant 0 : i32
    %c0_i32_1 = arith.constant 0 : i32
    return %c0_i32, %c0_i32_0 : i32, i32
  }
  func.func @transform_15(%arg0: i32) -> (i32, i32) {
    %c0_i32 = arith.constant 0 : i32
    %c0_i32_0 = arith.constant 0 : i32
    %c0_i32_1 = arith.constant 0 : i32
    return %c0_i32, %c0_i32_0 : i32, i32
  }
  func.func @transform_16(%arg0: i32) -> (i32, i32) {
    %c0_i32 = arith.constant 0 : i32
    %c0_i32_0 = arith.constant 0 : i32
    %c0_i32_1 = arith.constant 0 : i32
    return %c0_i32, %c0_i32_0 : i32, i32
  }
  func.func @transform_17(%arg0: i32) -> (i32, i32) {
    %c0_i32 = arith.constant 0 : i32
    %c0_i32_0 = arith.constant 0 : i32
    %c0_i32_1 = arith.constant 0 : i32
    return %c0_i32, %c0_i32_0 : i32, i32
  }
  func.func @transform_18(%arg0: i32) -> (i32, i32) {
    %c0_i32 = arith.constant 0 : i32
    %c0_i32_0 = arith.constant 0 : i32
    %c0_i32_1 = arith.constant 0 : i32
    return %c0_i32, %c0_i32_0 : i32, i32
  }
  func.func @transform_19(%arg0: i32) -> (i32, i32) {
    %c0_i32 = arith.constant 0 : i32
    %c0_i32_0 = arith.constant 0 : i32
    %c0_i32_1 = arith.constant 0 : i32
    return %c0_i32, %c0_i32_0 : i32, i32
  }
  func.func @transform_20(%arg0: i32) -> (i32, i32) {
    %c0_i32 = arith.constant 0 : i32
    %c0_i32_0 = arith.constant 0 : i32
    %c0_i32_1 = arith.constant 0 : i32
    return %c0_i32, %c0_i32_0 : i32, i32
  }
}

</mosaic_0001>

<sc_bundles>
// kernel: kernel.10.cloned.1.call-start
scs
__scs_entry_jumppad:
0x0: {  	(pc) =	sbr.rel $0x88, $3  }
0x1: {  	(tag) =	ssettag $0x0;
	lr =	simm.s32 $0x1  }
0x2: {  	[smem:$0x3F8D] =	sst lr;
	_ =	strace $0xD0000000  }
0x3: {  	_ = 	snop  }
0x4: {  	_ = 	snop  }
0x5: {  	_ = 	snop  }
0x6: {  	_ = 	snop  }
0x7: {  	_ = 	snop  }
__scs_overlays_trampoline_lowered:
0x8: {  	[smem:$0x3F9C] =	sst s0  }
0x9: {  	[smem:$0x3F9D] =	sst s1  }
0xa: {  	[smem:$0x3F9E] =	sst s2  }
0xb: {  	[smem:$0x3F9F] =	sst s3  }
0xc: {  	[smem:$0x3FA0] =	sst s4  }
0xd: {  	[smem:$0x3FA1] =	sst s5  }
0xe: {  	[smem:$0x3FA2] =	sst s6  }
0xf: {  	[smem:$0x3FA3] =	sst s7  }
0x10: {  	[smem:$0x3FA4] =	sst s8  }
0x11: {  	[smem:$0x3FA5] =	sst s9;
	s0 =	simm.s32 @!p0 $0x0  }
0x12: {  	s1 =	sld [smem:$0x3F8B];
	s0 =	simm.s32 @p0 $0x1  }
0x13: {  	[smem:$0x3FA6] =	sst s0;
	s0 =	simm.s32 @!p1 $0x0  }
0x14: {  	s2 =	sld [smem:$0x3F8A];
	s0 =	simm.s32 @p1 $0x1  }
0x15: {  	[smem:$0x3FA7] =	sst s0;
	s0 =	simm.s32 @!p2 $0x0  }
0x16: {  	s3 =	sld [smem:$0x3FDB];
	s0 =	simm.s32 @p2 $0x1  }
0x17: {  	s4 =	simm.s32 $0x1BF5;
	[smem:$0x3FA9] =	sst s0  }
0x18: {  	s0 =	sld [smem:$0x3F8C];
	_ =	swait.ge [sflag:s4], $0x0  }
0x19: {  	s7 =	sld [smem:$0x3F8D]  }
0x1a: {  	s8 =	sadd.s32 $0xFFFFE003, lr  }
0x1b: {  	s9 =	sadd.s32 $0xFFFFFEF7, lr;
	s5 =	simm.s32 $0xFFFFFFFF;
	p2 =	slt.u32 s8, $0xFFFFF086  }
0x1c: {  	p1 =	slt.u32 s9, $0xF7A;
	s5 =	simm.s32 @!p2 $0x0  }
0x1d: {  	s5 =	simm.s32 @p1 $0x1;
	p0 =	seq.s32 s7, s2  }
0x1e: {  	s7 =	smul.u32 @!p0 $0xF7A, s2;
	p2 =	seq.s32 @!p0 s5, $0x0  }
0x1f: {  	s9 =	smul.u32 $0xF7A, s1;
	s8 =	simm.s32 @!p0 $0x1BF5;
	p2 =	por !p2, p0  }
0x20: {  	[sflag:s8] =	ssyncset.s32 @!p0 $0xFFFFF086;
	s6 =	sadd.s32 @!p0 s3, s7;
	s7 =	simm.s32 @!p0 $0x108  }
0x21: {  	s3 =	sadd.s32 s3, s9;
	s6 =	sadd.s32 @!p0 $0x88, s6;
	s7 =	simm.s32 @p2 $0x1082  }
0x22: {  	[simem:s7], [sflag:s8] =	dma.local @!p0 [hbm:s6], $0xF7A  }
0x23: {  	s9 =	sor.u32 $0xD0000000, s2;
	s6 =	simm.s32 $0x108;
	_ =	swait.ge @!p0 [sflag:s8], $0x0  }
0x24: {  	s3 =	sadd.s32 $0x88, s3;
	s6 =	simm.s32 @!p1 $0x1082;
	[sflag:s4] =	ssyncset.s32 $0xFFFFF086  }
0x25: {  	[simem:s6], [sflag:s4] =	dma.local [hbm:s3], $0xF7A  }
0x26: {  	[smem:$0x3F8D] =	sst s1;
	(tag) =	ssettag s2;
	_ =	strace s9  }
0x27: {  	s1 =	sld [smem:$0x3F9D]  }
0x28: {  	s2 =	sld [smem:$0x3F9E]  }
0x29: {  	s4 =	sld [smem:$0x3FA0]  }
0x2a: {  	p0 =	seq.s32 s5, $0x0;
	s5 =	sld [smem:$0x3FA1]  }
0x2b: {  	s6 =	sld [smem:$0x3FA2]  }
0x2c: {  	s7 =	sld [smem:$0x3FA3]  }
0x2d: {  	s3 =	simm.s32 $0x108;
	s8 =	sld [smem:$0x3FA4]  }
0x2e: {  	s3 =	simm.s32 @!p0 $0x1082;
	s9 =	sld [smem:$0x3FA5]  }
0x2f: {  	lr =	sadd.s32 s0, s3;
	s0 =	sld [smem:$0x3F9C]  }
0x30: {  	s3 =	sld [smem:$0x3F9F]  }
0x31: {  	[smem:$0x3FA8] =	sst s10  }
0x32: {  	s10 =	sld [smem:$0x3FA6];
	_ =	sdelay $0x3  }
0x33: {  	p0 =	seq.s32 s10, $0x1;
	s10 =	sld [smem:$0x3FA8];
	_ =	sdelay $0x3  }
0x34: {  	[smem:$0x3FA8] =	sst s10  }
0x35: {  	s10 =	sld [smem:$0x3FA7];
	_ =	sdelay $0x3  }
0x36: {  	p1 =	seq.s32 s10, $0x1;
	s10 =	sld [smem:$0x3FA8];
	_ =	sdelay $0x3  }
0x37: {  	[smem:$0x3FA8] =	sst s10  }
0x38: {  	s10 =	sld [smem:$0x3FA9]  }
0x39: {  	_ = 	snop;
	(pc) =	sbr.ind lr, $3  }
0x3a: {  	_ = 	snop  }
0x3b: {  	_ = 	snop  }
0x3c: {  	p2 =	seq.s32 s10, $0x1;
	s10 =	sld [smem:$0x3FA8]  }
0x3d: {  	_ =	shalt  }
0x3e: {  	_ =	shalt  }
0x3f: {  	_ =	shalt  }
0x40: {  	_ =	shalt  }
0x41: {  	_ =	shalt  }
0x42: {  	_ =	shalt  }
0x43: {  	_ =	shalt  }
0x44: {  	_ =	shalt  }
0x45: {  	_ =	shalt  }
0x46: {  	_ =	shalt  }
0x47: {  	_ =	shalt  }
0x48: {  	_ =	shalt  }
0x49: {  	_ =	shalt  }
0x4a: {  	_ =	shalt  }
0x4b: {  	_ =	shalt  }
0x4c: {  	_ =	shalt  }
0x4d: {  	_ =	shalt  }
0x4e: {  	_ =	shalt  }
0x4f: {  	_ =	shalt  }
0x50: {  	_ =	shalt  }
0x51: {  	_ =	shalt  }
0x52: {  	_ =	shalt  }
0x53: {  	_ =	shalt  }
0x54: {  	_ =	shalt  }
0x55: {  	_ =	shalt  }
0x56: {  	_ =	shalt  }
0x57: {  	_ =	shalt  }
0x58: {  	_ =	shalt  }
0x59: {  	_ =	shalt  }
0x5a: {  	_ =	shalt  }
0x5b: {  	_ =	shalt  }
0x5c: {  	_ =	shalt  }
0x5d: {  	_ =	shalt  }
0x5e: {  	_ =	shalt  }
0x5f: {  	_ =	shalt  }
0x60: {  	_ =	shalt  }
0x61: {  	_ =	shalt  }
0x62: {  	_ =	shalt  }
0x63: {  	_ =	shalt  }
0x64: {  	_ =	shalt  }
0x65: {  	_ =	shalt  }
0x66: {  	_ =	shalt  }
0x67: {  	_ =	shalt  }
0x68: {  	_ =	shalt  }
0x69: {  	_ =	shalt  }
0x6a: {  	_ =	shalt  }
0x6b: {  	_ =	shalt  }
0x6c: {  	_ =	shalt  }
0x6d: {  	_ =	shalt  }
0x6e: {  	_ =	shalt  }
0x6f: {  	_ =	shalt  }
0x70: {  	_ =	shalt  }
0x71: {  	_ =	shalt  }
0x72: {  	_ =	shalt  }
0x73: {  	_ =	shalt  }
0x74: {  	_ =	shalt  }
0x75: {  	_ =	shalt  }
0x76: {  	_ =	shalt  }
0x77: {  	_ =	shalt  }
0x78: {  	_ =	shalt  }
0x79: {  	_ =	shalt  }
0x7a: {  	_ =	shalt  }
0x7b: {  	_ =	shalt  }
0x7c: {  	_ =	shalt  }
0x7d: {  	_ =	shalt  }
0x7e: {  	_ =	shalt  }
0x7f: {  	_ =	shalt  }
0x80: {  	_ =	shalt  }
0x81: {  	_ =	shalt  }
0x82: {  	_ =	shalt  }
0x83: {  	_ =	shalt  }
0x84: {  	_ =	shalt  }
0x85: {  	_ =	shalt  }
0x86: {  	_ =	shalt  }
0x87: {  	_ =	shalt  }
.Lfunc_end0:
.L_simem_size_0:
called_computation.1_lowered:
.L_overlay_start_0:
0x88: {  	s2 =	sld [smem:$0x3FD9]  }
0x89: {  	s3 =	sld [smem:$0x3FFE];
	_ =	sdelay $0x1  }
0x8a: {  	s1 =	srdreg.scid  }
0x8b: {  	s0 =	sand.u32 $0x1, s1  }
0x8c: {  	s16 =	sshll.u32 s0, $0xA;
	s2 =	sadd.s32 s3, s2  }
0x8d: {  	s2 =	sadd.s32 s2, s16  }
0x8e: {  	[smem:$0x3FB4] =	sst s2  }
0x8f: {  	_ = 	snop  }
0x90: {  	(tm) =	ssettm $0x1  }
0x91: {  	s17 =	sld [smem:$0x3FFB];
	_ =	sdelay $0x3  }
0x92: {  	_ =	strace s17  }
0x93: {  	s2 =	sld [smem:$0x3FFC];
	_ =	sdelay $0x3  }
0x94: {  	_ =	strace s2  }
0x95: {  	s2 =	sld [smem:$0x3FFD];
	_ =	sdelay $0x3  }
0x96: {  	_ =	strace s2  }
0x97: {  	_ =	strace $0x8FFFFFFF  }
0x98: {  	s18 =	sld [smem:$0x3FDB];
	_ =	sdelay $0x1  }
0x99: {  	s19 =	simm.s32 $_scs_section_size  }
0x9a: {  	s4 =	simm.s32 $_size__tile_overlayer_lowered;
	s5 =	simm.s32 $_tile_overlayer_lowered  }
0x9b: {  	s22 =	simm.s32 $0x1BFF;
	s21 =	sshll.u32 s5, $0x1;
	s2 =	sadd.s32 s19, s18  }
0x9c: {  	s6 =	simm.s32 $0x0;
	s20 =	sshll.u32 s4, $0x1;
	s4 =	sadd.s32 s21, s2  }
0x9d: {  	[timem:s6], [sflag:s22] =	dma.local [hbm:s4], s20  }
0x9e: {  	_ =	swait.ge [sflag:s22], s20  }
0x9f: {  	s3 =	ssub.s32 $0x0, s20;
	[sflag:s22] =	ssyncset.done $0x0  }
0xa0: {  	[sflag:s22] =	ssyncadd.s32 s3;
	_ =	sdelay $0x1  }
0xa1: {  	s23 =	simm.s32 $0x1B8B  }
0xa2: {  	_ =	swait.ge [sflag:s23], $0x1  }
0xa3: {  	[sflag:s23] =	ssyncset.done $0x0  }
0xa4: {  	s25 =	simm.s32 $0x1B8E;
	s24 =	sld [smem:$0x3FFE];
	[sflag:s23] =	ssyncadd.s32 $0xFFFFFFFF  }
0xa5: {  	s26 =	simm.s32 $execute0_lowered;
	[smem:$0x3FD2] =	sst s25  }
0xa6: {  	s4 =	sshll.u32 s26, $0x1;
	_ =	strace $0x80000049;
	[dreg:$0x1] =	wrdreg $0xFFFFFFFF  }
0xa7: {  	s28 =	simm.s32 $_size_execute0_lowered;
	s2 =	sadd.s32 s2, s4;
	[dreg:$0x0] =	wrdreg $0x0  }
0xa8: {  	s4 =	sshll.u32 s28, $0x1;
	[dreg:$0x2] =	wrdreg s2  }
0xa9: {  	[dreg:$0x3] =	wrdreg s4  }
0xaa: {  	[dreg:$0x4] =	wrdreg $0xC0  }
0xab: {  	_ =	task [dreg:s6], $0x5FFFF  }
0xac: {  	[dreg:$0x1] =	wrdreg $0xFFFFFFFF  }
0xad: {  	[dreg:$0x0] =	wrdreg $0x60  }
0xae: {  	[dreg:$0x2] =	wrdreg s24  }
0xaf: {  	[dreg:$0x3] =	wrdreg $0x90000  }
0xb0: {  	[dreg:$0x4] =	wrdreg $0x9  }
0xb1: {  	_ =	task.clear_ibuf [dreg:s6], $0x5FFFF;
	_ =	strace $0x90000049  }
0xb2: {  	s29 =	simm.s32 $0x9;
	_ =	strace $0x8000004B  }
0xb3: {  	_ =	swait.ge [sflag:s29], $0x1  }
0xb4: {  	[sflag:s29] =	ssyncadd.s32 $0xFFFFFFFF  }
0xb5: {  	_ =	strace $0x9000004B  }
0xb6: {  	_ =	sfence  }
0xb7: {  	s30 =	sld [smem:$0x0];
	_ =	sdelay $0x2  }
0xb8: {  	s31 =	sshll.u32 s1, $0xD;
	s1 =	sshrl.u32 s1, $0x2  }
0xb9: {  	s3 =	sand.u32 $0x4000, s31;
	s1 =	sadd.s32 s1, s30  }
0xba: {  	s0 =	sor.u32 s3, s0;
	s1 =	sshll.u32 s1, $0x11  }
0xbb: {  	s0 =	sor.u32 s1, s0  }
0xbc: {  	s0 =	sadd.s32 $0x8F2B, s0  }
0xbd: {  	[sflag:s0] =	ssyncadd.remote.s32 $0x1  }
0xbe: {  	_ =	sfence.sel $0xFFFF  }
0xbf: {  	[dreg:$0x0] =	wrdreg $0xFFFFFFFF;
	(pc) =	sbr.abs _section_cstart, $3  }
0xc0: {  	[dreg:$0x1] =	wrdreg $0xFFFFFFFF  }
0xc1: {  	_ =	task.clear_ibuf [dreg:s6], $0x2FFFF;
	_ =	strace $0x9FFFFFFF  }
0xc2: {  	(tm) =	ssettm $0x7FFFFFFF  }
0xc3: {  	_ =	shalt  }
tec
execute0_lowered:
.L_overlay_start_1:
0x0: {  	(tag) =	ssettag $0x1  }
0x1: {  	s0 =	rddreg [dreg:$0x0]  }
0x2: {  	s2 =	rddreg [dreg:$0x1]  }
0x3: {  	s4 =	srdreg.scid;
	s1 =	stileid.u32;
	s3 =	simm.s32 $0x0  }
0x4: {  	s14 =	simm.s32 $0x80;
	s15 =	simm.s32 $0x5000;
	s16 =	simm.s32 $0x5800  }
0x5: {  	s17 =	simm.s32 $0x100;
	s18 =	simm.s32 $0x6000;
	s19 =	simm.s32 $0x180  }
0x6: {  	s20 =	simm.s32 $0x6800;
	s21 =	simm.s32 $0x7000;
	s22 =	simm.s32 $0x7800  }
0x7: {  	s23 =	simm.s32 $0x8000;
	s28 =	simm.s32 $0x3;
	s6 =	smul.u32 $0x2800, s1  }
0x8: {  	s29 =	simm.s32 $0x4;
	s30 =	simm.s32 $0x0;
	s8 =	smul.u32 $0x500, s1  }
0x9: {  	s5 =	sand.u32 $0x1, s4;
	[smem:$0x7FF] =	sst s3;
	s11 =	smul.u32 $0xA000, s1  }
0xa: {  	s4 =	sadd.s32 $0x11E00, s0;
	s31 =	sshll.u32 s1, $0x6;
	s7 =	smul.u32 $0x28000, s5  }
0xb: {  	_ =	strace $0x8000004A;
	s9 =	smul.u32 $0x5000, s5;
	s24 =	ssub.s32 $0x2, s5  }
0xc: {  	s5 =	sadd.s32 $0x1BE00, s0;
	s12 =	sor.u32 $0x1C05, s31;
	s25 =	sshrl.u32 s24, $0x1  }
0xd: {  	s26 =	sshrl.u32 s11, $0x2;
	s11 =	simm.s32 $0x2800;
	s7 =	sadd.s32 s6, s7  }
0xe: {  	s6 =	sshrl.u32 s6, $0x3;
	s8 =	sadd.s32 s8, s9;
	s9 =	ssub.s32 s24, s25  }
.Ltmp0:
0xf: {  	s13 =	sadd.s32 s26, s2;
	s24 =	simm.s32 $0x8800;
	(pc) =	sbr.rel .LBB2_1-.Ltmp0, $4  }
0x10: {  	s25 =	simm.s32 $0x1;
	s26 =	simm.s32 $0x2;
	s7 =	sshrl.u32 s7, $0x3  }
0x11: {  	s10 =	sadd.s32 s6, s0;
	s9 =	smax.u32 s9, $0x1;
	s7 =	sadd.s32 s7, s0  }
0x12: {  	s13 =	sshrl.u32 s13, $0x3;
	s0 =	sadd.s32 s8, s0;
	s6 =	sadd.s32 $0x7E00, s7  }
0x13: {  	s7 =	sadd.s32 $0x2E00, s10;
	s8 =	sadd.s32 $0x1C400, s0;
	s10 =	simm.s32 $0x5  }
.LBB2_4:
0x14: {  	_ =	swait.ge [sflag:s29], $0x800  }
0x15: {  	[sflag:s29] =	ssyncset.done $0x0  }
0x16: {  	[sflag:s29] =	ssyncadd.s32 $0xFFFFF800  }
0x17: {  	_ =	swait.ge [sflag:s29], $0x800  }
0x18: {  	[sflag:s29] =	ssyncset.done $0x0  }
0x19: {  	[sflag:s29] =	ssyncadd.s32 $0xFFFFF800  }
0x1a: {  	_ =	swait.ge [sflag:s29], $0x800  }
0x1b: {  	[sflag:s29] =	ssyncset.done $0x0  }
0x1c: {  	[sflag:s29] =	ssyncadd.s32 $0xFFFFF800  }
0x1d: {  	_ =	swait.ge [sflag:s29], $0x800  }
0x1e: {  	s30 =	sadd.s32 $0x1, s30;
	[sflag:s29] =	ssyncset.done $0x0  }
0x1f: {  	p0 =	sne.s32 s30, s9;
	[sflag:s29] =	ssyncadd.s32 $0xFFFFF800  }
.Ltmp1:
0x20: {  	[bflag:$0x0] =	sbarrier.arrive $0xFFFF;
	(pc) =	sbr.rel @!p0 .LBB2_5-.Ltmp1, $4  }
0x21: {  	[hbm:s8], [sflag:s12] =	dma.local [spmem:s13], $0x500  }
0x22: {  	_ =	swait.ge [sflag:s10], $0x500  }
0x23: {  	[sflag:s10] =	ssyncset.done $0x0  }
0x24: {  	[sflag:s10] =	ssyncadd.s32 $0xFFFFFB00  }
.LBB2_1:
0x25: {  	[tilespmem:s3], [sflag:$0x5] =	stream.linear.gather [hbm4b:s6+s3], $0x2800, $0x38;
	[tilespmem:$0xB800] =	vst v63  }
0x26: {  	_ =	swait.ge [sflag:s10], $0x2800  }
0x27: {  	[sflag:s10] =	ssyncset.done $0x0  }
0x28: {  	[sflag:s10] =	ssyncadd.s32 $0xFFFFD800  }
0x29: {  	[tilespmem:s11], [sflag:$0x5] =	stream.linear.gather [hbm4b:s7+s3], $0x2800, $0x38;
	[tilespmem:$0xB800] =	vst v63  }
0x2a: {  	_ =	swait.ge [sflag:s10], $0x2800  }
0x2b: {  	[sflag:s10] =	ssyncset.done $0x0  }
0x2c: {  	[sflag:s10] =	ssyncadd.s32 $0xFFFFD800  }
0x2d: {  	[spmem:s13], [sflag:s12] =	dma.local [hbm:s5], $0x500  }
0x2e: {  	_ =	swait.ge [sflag:s10], $0x500  }
0x2f: {  	[sflag:s10] =	ssyncset.done $0x0  }
0x30: {  	[sflag:s10] =	ssyncadd.s32 $0xFFFFFB00  }
0x31: {  	[bflag:$0x0] =	sbarrier.arrive $0xFFFF  }
0x32: {  	[tilespmem:s15], [sflag:$0x1] =	stream.indirect.gather [hbm4b:s4+s14], $0x10, s3, s14, $0xb8;
	[tilespmem:$0xB800] =	vst v63  }
0x33: {  	_ = 	snop  }
0x34: {  	[tilespmem:s16], [sflag:$0x1] =	stream.indirect.gather [hbm4b:s4+s14], $0x10, s14, s14, $0xb8;
	[tilespmem:$0xB800] =	vst v63  }
0x35: {  	_ = 	snop  }
0x36: {  	[tilespmem:s18], [sflag:$0x1] =	stream.indirect.gather [hbm4b:s4+s14], $0x10, s17, s14, $0xb8;
	[tilespmem:$0xB800] =	vst v63  }
0x37: {  	s31 =	simm.s32 $0x0  }
0x38: {  	[tilespmem:s20], [sflag:$0x1] =	stream.indirect.gather [hbm4b:s4+s14], $0x10, s19, s14, $0xb8;
	[tilespmem:$0xB800] =	vst v63  }
.LBB2_2:
0x39: {  	p0 =	seq.s32 s31, $0x0  }
0x3a: {  	s1 =	simm.s32 @!p0 $0x4  }
0x3b: {  	_ =	swait.ge @!p0 [sflag:s1], $0x800  }
0x3c: {  	[sflag:s1] =	ssyncset.done @!p0 $0x0  }
0x3d: {  	[sflag:s1] =	ssyncadd.s32 @!p0 $0xFFFFF800  }
0x3e: {  	_ =	swait.ge @!p0 [sflag:s1], $0x800  }
0x3f: {  	[sflag:s1] =	ssyncset.done @!p0 $0x0  }
0x40: {  	[sflag:s1] =	ssyncadd.s32 @!p0 $0xFFFFF800  }
0x41: {  	_ =	swait.ge @!p0 [sflag:s1], $0x800  }
0x42: {  	[sflag:s1] =	ssyncset.done @!p0 $0x0  }
0x43: {  	[sflag:s1] =	ssyncadd.s32 @!p0 $0xFFFFF800  }
0x44: {  	_ =	swait.ge @!p0 [sflag:s1], $0x800  }
0x45: {  	s0 =	sshra.s32 s31, $0x2;
	[sflag:s1] =	ssyncset.done @!p0 $0x0  }
0x46: {  	[sflag:s1] =	ssyncadd.s32 @!p0 $0xFFFFF800;
	s1 =	sadd.s32 $0x200, s0  }
0x47: {  	[tilespmem:s21], [sflag:$0x2] =	stream.indirect.gather [hbm4b:s4+s14], $0x10, s1, s14, $0xb8;
	[tilespmem:$0xB800] =	vst v63  }
0x48: {  	s1 =	sadd.s32 $0x280, s0  }
0x49: {  	[tilespmem:s22], [sflag:$0x2] =	stream.indirect.gather [hbm4b:s4+s14], $0x10, s1, s14, $0xb8;
	[tilespmem:$0xB800] =	vst v63  }
0x4a: {  	s1 =	sadd.s32 $0x300, s0  }
0x4b: {  	[tilespmem:s23], [sflag:$0x2] =	stream.indirect.gather [hbm4b:s4+s14], $0x10, s1, s14, $0xb8;
	[tilespmem:$0xB800] =	vst v63  }
0x4c: {  	s1 =	sadd.s32 $0x380, s0  }
0x4d: {  	[tilespmem:s24], [sflag:$0x2] =	stream.indirect.gather [hbm4b:s4+s14], $0x10, s1, s14, $0xb8;
	[tilespmem:$0xB800] =	vst v63  }
0x4e: {  	_ =	swait.ge [sflag:s25], $0x800  }
0x4f: {  	[sflag:s25] =	ssyncset.done $0x0  }
0x50: {  	[sflag:s25] =	ssyncadd.s32 $0xFFFFF800  }
0x51: {  	_ =	swait.ge [sflag:s25], $0x800  }
0x52: {  	[sflag:s25] =	ssyncset.done $0x0  }
0x53: {  	[sflag:s25] =	ssyncadd.s32 $0xFFFFF800  }
0x54: {  	_ =	swait.ge [sflag:s25], $0x800  }
0x55: {  	[sflag:s25] =	ssyncset.done $0x0  }
0x56: {  	[sflag:s25] =	ssyncadd.s32 $0xFFFFF800  }
0x57: {  	_ =	swait.ge [sflag:s25], $0x800  }
0x58: {  	[sflag:s25] =	ssyncset.done $0x0  }
0x59: {  	s1 =	sadd.s32 $0x2800, s0;
	[sflag:s25] =	ssyncadd.s32 $0xFFFFF800  }
0x5a: {  	[spmem:s2] =	stream.indirect.scatter.add.f32 [tilespmem:s15], [sflag:$0x3], $0x10, s1, s14, $0xb8;
	[tilespmem:$0xB800] =	vst v63  }
0x5b: {  	s1 =	sadd.s32 $0x2880, s0  }
0x5c: {  	[spmem:s2] =	stream.indirect.scatter.add.f32 [tilespmem:s16], [sflag:$0x3], $0x10, s1, s14, $0xb8;
	[tilespmem:$0xB800] =	vst v63  }
0x5d: {  	s1 =	sadd.s32 $0x2900, s0  }
0x5e: {  	[spmem:s2] =	stream.indirect.scatter.add.f32 [tilespmem:s18], [sflag:$0x3], $0x10, s1, s14, $0xb8;
	[tilespmem:$0xB800] =	vst v63  }
0x5f: {  	s1 =	sadd.s32 $0x2980, s0  }
0x60: {  	[spmem:s2] =	stream.indirect.scatter.add.f32 [tilespmem:s20], [sflag:$0x3], $0x10, s1, s14, $0xb8;
	[tilespmem:$0xB800] =	vst v63  }
0x61: {  	_ =	swait.ge [sflag:s26], $0x800  }
0x62: {  	[sflag:s26] =	ssyncset.done $0x0  }
0x63: {  	[sflag:s26] =	ssyncadd.s32 $0xFFFFF800  }
0x64: {  	_ =	swait.ge [sflag:s26], $0x800  }
0x65: {  	[sflag:s26] =	ssyncset.done $0x0  }
0x66: {  	[sflag:s26] =	ssyncadd.s32 $0xFFFFF800  }
0x67: {  	_ =	swait.ge [sflag:s26], $0x800  }
0x68: {  	[sflag:s26] =	ssyncset.done $0x0  }
0x69: {  	[sflag:s26] =	ssyncadd.s32 $0xFFFFF800  }
0x6a: {  	_ =	swait.ge [sflag:s26], $0x800  }
0x6b: {  	[sflag:s26] =	ssyncset.done $0x0  }
0x6c: {  	s1 =	sadd.s32 $0x2A00, s0;
	[sflag:s26] =	ssyncadd.s32 $0xFFFFF800  }
0x6d: {  	[spmem:s2] =	stream.indirect.scatter.add.f32 [tilespmem:s21], [sflag:$0x4], $0x10, s1, s14, $0xb8;
	[tilespmem:$0xB800] =	vst v63  }
0x6e: {  	s1 =	sadd.s32 $0x2A80, s0  }
0x6f: {  	[spmem:s2] =	stream.indirect.scatter.add.f32 [tilespmem:s22], [sflag:$0x4], $0x10, s1, s14, $0xb8;
	[tilespmem:$0xB800] =	vst v63  }
0x70: {  	s1 =	sadd.s32 $0x2B00, s0  }
0x71: {  	[spmem:s2] =	stream.indirect.scatter.add.f32 [tilespmem:s23], [sflag:$0x4], $0x10, s1, s14, $0xb8;
	[tilespmem:$0xB800] =	vst v63  }
0x72: {  	s1 =	sadd.s32 $0x2B80, s0  }
0x73: {  	[spmem:s2] =	stream.indirect.scatter.add.f32 [tilespmem:s24], [sflag:$0x4], $0x10, s1, s14, $0xb8;
	[tilespmem:$0xB800] =	vst v63  }
0x74: {  	_ =	swait.ge [sflag:s28], $0x800  }
0x75: {  	[sflag:s28] =	ssyncset.done $0x0  }
0x76: {  	[sflag:s28] =	ssyncadd.s32 $0xFFFFF800  }
0x77: {  	_ =	swait.ge [sflag:s28], $0x800  }
0x78: {  	[sflag:s28] =	ssyncset.done $0x0  }
0x79: {  	[sflag:s28] =	ssyncadd.s32 $0xFFFFF800  }
0x7a: {  	p0 =	seq.s32 s31, $0x9000;
	_ =	swait.ge [sflag:s28], $0x800  }
.Ltmp2:
0x7b: {  	[sflag:s28] =	ssyncset.done $0x0;
	(pc) =	sbr.rel @p0 .LBB2_4-.Ltmp2, $4  }
0x7c: {  	[sflag:s28] =	ssyncadd.s32 $0xFFFFF800  }
0x7d: {  	_ =	swait.ge [sflag:s28], $0x800  }
0x7e: {  	[sflag:s28] =	ssyncset.done $0x0  }
0x7f: {  	[sflag:s28] =	ssyncadd.s32 $0xFFFFF800  }
0x80: {  	s1 =	sadd.s32 $0x400, s0  }
0x81: {  	[tilespmem:s15], [sflag:$0x1] =	stream.indirect.gather [hbm4b:s4+s14], $0x10, s1, s14, $0xb8;
	[tilespmem:$0xB800] =	vst v63  }
0x82: {  	s1 =	sadd.s32 $0x480, s0  }
0x83: {  	[tilespmem:s16], [sflag:$0x1] =	stream.indirect.gather [hbm4b:s4+s14], $0x10, s1, s14, $0xb8;
	[tilespmem:$0xB800] =	vst v63  }
.Ltmp3:
0x84: {  	_ = 	snop;
	(pc) =	sbr.rel .LBB2_2-.Ltmp3, $4  }
0x85: {  	s1 =	sadd.s32 $0x500, s0  }
0x86: {  	[tilespmem:s18], [sflag:$0x1] =	stream.indirect.gather [hbm4b:s4+s14], $0x10, s1, s14, $0xb8;
	[tilespmem:$0xB800] =	vst v63  }
0x87: {  	s31 =	sadd.s32 $0x1000, s31;
	s1 =	sadd.s32 $0x580, s0  }
0x88: {  	[tilespmem:s20], [sflag:$0x1] =	stream.indirect.gather [hbm4b:s4+s14], $0x10, s1, s14, $0xb8;
	[tilespmem:$0xB800] =	vst v63  }
.LBB2_5:
0x89: {  	_ =	sfence.sel $0x180000  }
0x8a: {  	[bflag:$0x0] =	sbarrier.arrive $0xFFFF  }
0x8b: {  	_ =	strace $0x9000004A  }
0x8c: {  	s0 =	stileid.u32;
	[bflag:$0x2] =	sbarrier.arrive $0xFFFF  }
0x8d: {  	p0 =	sne.s32 s0, $0x0;
	s0 =	rddreg [dreg:$0x2]  }
0x8e: {  	s0 =	sadd.s32 @!p0 $0x100000, s0  }
0x8f: {  	[sflag:s0] =	ssyncadd.tile.s32 @!p0 $0x1;
	_ =	shalt  }
.Lfunc_end2:
_tile_overlayer_lowered:
.L_overlay_start_2:
0x90: {  	(tag) =	ssettag $0x2  }
0x91: {  	s0 =	rddreg [dreg:$0x0];
	s2 =	stileid.u32  }
0x92: {  	s1 =	rddreg [dreg:$0x1];
	p0 =	sne.s32 s2, $0x0  }
0x93: {  	s3 =	rddreg [dreg:$0x2];
	[bflag:$0x3] =	sbarrier.arrive $0xFFFF;
	s2 =	simm.s32 @!p0 $0x1C05  }
0x94: {  	[timem:s3], [sflag:s2] =	dma.local @!p0 [hbm:s0], s1  }
0x95: {  	s0 =	simm.s32 @!p0 $0x5  }
0x96: {  	_ =	swait.ge @!p0 [sflag:s0], s1  }
0x97: {  	s1 =	ssub.s32 @!p0 $0x0, s1;
	[sflag:s0] =	ssyncset.done @!p0 $0x0  }
0x98: {  	[sflag:s0] =	ssyncadd.s32 @!p0 s1  }
0x99: {  	[bflag:$0x3] =	sbarrier.arrive $0xFFFF  }
0x9a: {  	_ =	shalt  }

// kernel: kernel.7.cloned.1.call-start
scs
__scs_entry_jumppad:
0x0: {  	(pc) =	sbr.rel $0x88, $3  }
0x1: {  	(tag) =	ssettag $0x0;
	lr =	simm.s32 $0x1  }
0x2: {  	[smem:$0x3F8D] =	sst lr;
	_ =	strace $0xD0000000  }
0x3: {  	_ = 	snop  }
0x4: {  	_ = 	snop  }
0x5: {  	_ = 	snop  }
0x6: {  	_ = 	snop  }
0x7: {  	_ = 	snop  }
__scs_overlays_trampoline_lowered:
0x8: {  	[smem:$0x3F9C] =	sst s0  }
0x9: {  	[smem:$0x3F9D] =	sst s1  }
0xa: {  	[smem:$0x3F9E] =	sst s2  }
0xb: {  	[smem:$0x3F9F] =	sst s3  }
0xc: {  	[smem:$0x3FA0] =	sst s4  }
0xd: {  	[smem:$0x3FA1] =	sst s5  }
0xe: {  	[smem:$0x3FA2] =	sst s6  }
0xf: {  	[smem:$0x3FA3] =	sst s7  }
0x10: {  	[smem:$0x3FA4] =	sst s8  }
0x11: {  	[smem:$0x3FA5] =	sst s9;
	s0 =	simm.s32 @!p0 $0x0  }
0x12: {  	s1 =	sld [smem:$0x3F8B];
	s0 =	simm.s32 @p0 $0x1  }
0x13: {  	[smem:$0x3FA6] =	sst s0;
	s0 =	simm.s32 @!p1 $0x0  }
0x14: {  	s2 =	sld [smem:$0x3F8A];
	s0 =	simm.s32 @p1 $0x1  }
0x15: {  	[smem:$0x3FA7] =	sst s0;
	s0 =	simm.s32 @!p2 $0x0  }
0x16: {  	s3 =	sld [smem:$0x3FDB];
	s0 =	simm.s32 @p2 $0x1  }
0x17: {  	s4 =	simm.s32 $0x1BF5;
	[smem:$0x3FA9] =	sst s0  }
0x18: {  	s0 =	sld [smem:$0x3F8C];
	_ =	swait.ge [sflag:s4], $0x0  }
0x19: {  	s7 =	sld [smem:$0x3F8D]  }
0x1a: {  	s8 =	sadd.s32 $0xFFFFE003, lr  }
0x1b: {  	s9 =	sadd.s32 $0xFFFFFEF7, lr;
	s5 =	simm.s32 $0xFFFFFFFF;
	p2 =	slt.u32 s8, $0xFFFFF086  }
0x1c: {  	p1 =	slt.u32 s9, $0xF7A;
	s5 =	simm.s32 @!p2 $0x0  }
0x1d: {  	s5 =	simm.s32 @p1 $0x1;
	p0 =	seq.s32 s7, s2  }
0x1e: {  	s7 =	smul.u32 @!p0 $0xF7A, s2;
	p2 =	seq.s32 @!p0 s5, $0x0  }
0x1f: {  	s9 =	smul.u32 $0xF7A, s1;
	s8 =	simm.s32 @!p0 $0x1BF5;
	p2 =	por !p2, p0  }
0x20: {  	[sflag:s8] =	ssyncset.s32 @!p0 $0xFFFFF086;
	s6 =	sadd.s32 @!p0 s3, s7;
	s7 =	simm.s32 @!p0 $0x108  }
0x21: {  	s3 =	sadd.s32 s3, s9;
	s6 =	sadd.s32 @!p0 $0x88, s6;
	s7 =	simm.s32 @p2 $0x1082  }
0x22: {  	[simem:s7], [sflag:s8] =	dma.local @!p0 [hbm:s6], $0xF7A  }
0x23: {  	s9 =	sor.u32 $0xD0000000, s2;
	s6 =	simm.s32 $0x108;
	_ =	swait.ge @!p0 [sflag:s8], $0x0  }
0x24: {  	s3 =	sadd.s32 $0x88, s3;
	s6 =	simm.s32 @!p1 $0x1082;
	[sflag:s4] =	ssyncset.s32 $0xFFFFF086  }
0x25: {  	[simem:s6], [sflag:s4] =	dma.local [hbm:s3], $0xF7A  }
0x26: {  	[smem:$0x3F8D] =	sst s1;
	(tag) =	ssettag s2;
	_ =	strace s9  }
0x27: {  	s1 =	sld [smem:$0x3F9D]  }
0x28: {  	s2 =	sld [smem:$0x3F9E]  }
0x29: {  	s4 =	sld [smem:$0x3FA0]  }
0x2a: {  	p0 =	seq.s32 s5, $0x0;
	s5 =	sld [smem:$0x3FA1]  }
0x2b: {  	s6 =	sld [smem:$0x3FA2]  }
0x2c: {  	s7 =	sld [smem:$0x3FA3]  }
0x2d: {  	s3 =	simm.s32 $0x108;
	s8 =	sld [smem:$0x3FA4]  }
0x2e: {  	s3 =	simm.s32 @!p0 $0x1082;
	s9 =	sld [smem:$0x3FA5]  }
0x2f: {  	lr =	sadd.s32 s0, s3;
	s0 =	sld [smem:$0x3F9C]  }
0x30: {  	s3 =	sld [smem:$0x3F9F]  }
0x31: {  	[smem:$0x3FA8] =	sst s10  }
0x32: {  	s10 =	sld [smem:$0x3FA6];
	_ =	sdelay $0x3  }
0x33: {  	p0 =	seq.s32 s10, $0x1;
	s10 =	sld [smem:$0x3FA8];
	_ =	sdelay $0x3  }
0x34: {  	[smem:$0x3FA8] =	sst s10  }
0x35: {  	s10 =	sld [smem:$0x3FA7];
	_ =	sdelay $0x3  }
0x36: {  	p1 =	seq.s32 s10, $0x1;
	s10 =	sld [smem:$0x3FA8];
	_ =	sdelay $0x3  }
0x37: {  	[smem:$0x3FA8] =	sst s10  }
0x38: {  	s10 =	sld [smem:$0x3FA9]  }
0x39: {  	_ = 	snop;
	(pc) =	sbr.ind lr, $3  }
0x3a: {  	_ = 	snop  }
0x3b: {  	_ = 	snop  }
0x3c: {  	p2 =	seq.s32 s10, $0x1;
	s10 =	sld [smem:$0x3FA8]  }
0x3d: {  	_ =	shalt  }
0x3e: {  	_ =	shalt  }
0x3f: {  	_ =	shalt  }
0x40: {  	_ =	shalt  }
0x41: {  	_ =	shalt  }
0x42: {  	_ =	shalt  }
0x43: {  	_ =	shalt  }
0x44: {  	_ =	shalt  }
0x45: {  	_ =	shalt  }
0x46: {  	_ =	shalt  }
0x47: {  	_ =	shalt  }
0x48: {  	_ =	shalt  }
0x49: {  	_ =	shalt  }
0x4a: {  	_ =	shalt  }
0x4b: {  	_ =	shalt  }
0x4c: {  	_ =	shalt  }
0x4d: {  	_ =	shalt  }
0x4e: {  	_ =	shalt  }
0x4f: {  	_ =	shalt  }
0x50: {  	_ =	shalt  }
0x51: {  	_ =	shalt  }
0x52: {  	_ =	shalt  }
0x53: {  	_ =	shalt  }
0x54: {  	_ =	shalt  }
0x55: {  	_ =	shalt  }
0x56: {  	_ =	shalt  }
0x57: {  	_ =	shalt  }
0x58: {  	_ =	shalt  }
0x59: {  	_ =	shalt  }
0x5a: {  	_ =	shalt  }
0x5b: {  	_ =	shalt  }
0x5c: {  	_ =	shalt  }
0x5d: {  	_ =	shalt  }
0x5e: {  	_ =	shalt  }
0x5f: {  	_ =	shalt  }
0x60: {  	_ =	shalt  }
0x61: {  	_ =	shalt  }
0x62: {  	_ =	shalt  }
0x63: {  	_ =	shalt  }
0x64: {  	_ =	shalt  }
0x65: {  	_ =	shalt  }
0x66: {  	_ =	shalt  }
0x67: {  	_ =	shalt  }
0x68: {  	_ =	shalt  }
0x69: {  	_ =	shalt  }
0x6a: {  	_ =	shalt  }
0x6b: {  	_ =	shalt  }
0x6c: {  	_ =	shalt  }
0x6d: {  	_ =	shalt  }
0x6e: {  	_ =	shalt  }
0x6f: {  	_ =	shalt  }
0x70: {  	_ =	shalt  }
0x71: {  	_ =	shalt  }
0x72: {  	_ =	shalt  }
0x73: {  	_ =	shalt  }
0x74: {  	_ =	shalt  }
0x75: {  	_ =	shalt  }
0x76: {  	_ =	shalt  }
0x77: {  	_ =	shalt  }
0x78: {  	_ =	shalt  }
0x79: {  	_ =	shalt  }
0x7a: {  	_ =	shalt  }
0x7b: {  	_ =	shalt  }
0x7c: {  	_ =	shalt  }
0x7d: {  	_ =	shalt  }
0x7e: {  	_ =	shalt  }
0x7f: {  	_ =	shalt  }
0x80: {  	_ =	shalt  }
0x81: {  	_ =	shalt  }
0x82: {  	_ =	shalt  }
0x83: {  	_ =	shalt  }
0x84: {  	_ =	shalt  }
0x85: {  	_ =	shalt  }
0x86: {  	_ =	shalt  }
0x87: {  	_ =	shalt  }
.Lfunc_end0:
.L_simem_size_0:
called_computation_lowered:
.L_overlay_start_0:
0x88: {  	s2 =	sld [smem:$0x3FD9]  }
0x89: {  	s3 =	sld [smem:$0x3FFE];
	_ =	sdelay $0x1  }
0x8a: {  	s1 =	srdreg.scid  }
0x8b: {  	s0 =	sand.u32 $0x1, s1  }
0x8c: {  	s16 =	sshll.u32 s0, $0xA;
	s2 =	sadd.s32 s3, s2  }
0x8d: {  	s2 =	sadd.s32 s2, s16  }
0x8e: {  	[smem:$0x3FB4] =	sst s2  }
0x8f: {  	_ = 	snop  }
0x90: {  	(tm) =	ssettm $0x1  }
0x91: {  	s17 =	sld [smem:$0x3FFB];
	_ =	sdelay $0x3  }
0x92: {  	_ =	strace s17  }
0x93: {  	s2 =	sld [smem:$0x3FFC];
	_ =	sdelay $0x3  }
0x94: {  	_ =	strace s2  }
0x95: {  	s2 =	sld [smem:$0x3FFD];
	_ =	sdelay $0x3  }
0x96: {  	_ =	strace s2  }
0x97: {  	_ =	strace $0x8FFFFFFF  }
0x98: {  	s18 =	sld [smem:$0x3FDB];
	_ =	sdelay $0x1  }
0x99: {  	s19 =	simm.s32 $_scs_section_size  }
0x9a: {  	s4 =	simm.s32 $_size__tile_overlayer_lowered;
	s5 =	simm.s32 $_tile_overlayer_lowered  }
0x9b: {  	s22 =	simm.s32 $0x1BFF;
	s21 =	sshll.u32 s5, $0x1;
	s2 =	sadd.s32 s19, s18  }
0x9c: {  	s6 =	simm.s32 $0x0;
	s20 =	sshll.u32 s4, $0x1;
	s4 =	sadd.s32 s21, s2  }
0x9d: {  	[timem:s6], [sflag:s22] =	dma.local [hbm:s4], s20  }
0x9e: {  	_ =	swait.ge [sflag:s22], s20  }
0x9f: {  	s3 =	ssub.s32 $0x0, s20;
	[sflag:s22] =	ssyncset.done $0x0  }
0xa0: {  	[sflag:s22] =	ssyncadd.s32 s3;
	_ =	sdelay $0x1  }
0xa1: {  	s23 =	simm.s32 $0x1B8B  }
0xa2: {  	_ =	swait.ge [sflag:s23], $0x1  }
0xa3: {  	[sflag:s23] =	ssyncset.done $0x0  }
0xa4: {  	s25 =	simm.s32 $0x1B8E;
	s24 =	sld [smem:$0x3FFE];
	[sflag:s23] =	ssyncadd.s32 $0xFFFFFFFF  }
0xa5: {  	s26 =	simm.s32 $execute0_lowered;
	[smem:$0x3FD2] =	sst s25  }
0xa6: {  	s4 =	sshll.u32 s26, $0x1;
	_ =	strace $0x80000046;
	[dreg:$0x1] =	wrdreg $0xFFFFFFFF  }
0xa7: {  	s28 =	simm.s32 $_size_execute0_lowered;
	s2 =	sadd.s32 s2, s4;
	[dreg:$0x0] =	wrdreg $0x0  }
0xa8: {  	s4 =	sshll.u32 s28, $0x1;
	[dreg:$0x2] =	wrdreg s2  }
0xa9: {  	[dreg:$0x3] =	wrdreg s4  }
0xaa: {  	[dreg:$0x4] =	wrdreg $0xC0  }
0xab: {  	_ =	task [dreg:s6], $0x5FFFF  }
0xac: {  	[dreg:$0x1] =	wrdreg $0xFFFFFFFF  }
0xad: {  	[dreg:$0x0] =	wrdreg $0x60  }
0xae: {  	[dreg:$0x2] =	wrdreg s24  }
0xaf: {  	[dreg:$0x3] =	wrdreg $0x130000  }
0xb0: {  	[dreg:$0x4] =	wrdreg $0x9  }
0xb1: {  	_ =	task.clear_ibuf [dreg:s6], $0x5FFFF;
	_ =	strace $0x90000046  }
0xb2: {  	s29 =	simm.s32 $0x9;
	_ =	strace $0x80000048  }
0xb3: {  	_ =	swait.ge [sflag:s29], $0x1  }
0xb4: {  	[sflag:s29] =	ssyncadd.s32 $0xFFFFFFFF  }
0xb5: {  	_ =	strace $0x90000048  }
0xb6: {  	_ =	sfence  }
0xb7: {  	s30 =	sld [smem:$0x0];
	_ =	sdelay $0x2  }
0xb8: {  	s31 =	sshll.u32 s1, $0xD;
	s1 =	sshrl.u32 s1, $0x2  }
0xb9: {  	s3 =	sand.u32 $0x4000, s31;
	s1 =	sadd.s32 s1, s30  }
0xba: {  	s0 =	sor.u32 s3, s0;
	s1 =	sshll.u32 s1, $0x11  }
0xbb: {  	s0 =	sor.u32 s1, s0  }
0xbc: {  	s0 =	sadd.s32 $0x8F2B, s0  }
0xbd: {  	[sflag:s0] =	ssyncadd.remote.s32 $0x1  }
0xbe: {  	_ =	sfence.sel $0xFFFF  }
0xbf: {  	[dreg:$0x0] =	wrdreg $0xFFFFFFFF;
	(pc) =	sbr.abs _section_cstart, $3  }
0xc0: {  	[dreg:$0x1] =	wrdreg $0xFFFFFFFF  }
0xc1: {  	_ =	task.clear_ibuf [dreg:s6], $0x2FFFF;
	_ =	strace $0x9FFFFFFF  }
0xc2: {  	(tm) =	ssettm $0x7FFFFFFF  }
0xc3: {  	_ =	shalt  }
tec
execute0_lowered:
.L_overlay_start_1:
0x0: {  	(tag) =	ssettag $0x1  }
0x1: {  	s0 =	rddreg [dreg:$0x0]  }
0x2: {  	s2 =	rddreg [dreg:$0x1]  }
0x3: {  	s4 =	srdreg.scid;
	s1 =	stileid.u32;
	s3 =	simm.s32 $0x0  }
0x4: {  	s14 =	simm.s32 $0x80;
	s15 =	simm.s32 $0x5000;
	s16 =	simm.s32 $0x6C00  }
0x5: {  	s17 =	simm.s32 $0x100;
	s18 =	simm.s32 $0x8800;
	s19 =	simm.s32 $0x180  }
0x6: {  	s20 =	simm.s32 $0xA400;
	s21 =	simm.s32 $0xC000;
	s22 =	simm.s32 $0xDC00  }
0x7: {  	s23 =	simm.s32 $0xF800;
	s28 =	simm.s32 $0x3;
	s6 =	smul.u32 $0x2800, s1  }
0x8: {  	s29 =	simm.s32 $0x4;
	s30 =	simm.s32 $0x0;
	s8 =	smul.u32 $0x1180, s1  }
0x9: {  	s5 =	sand.u32 $0x1, s4;
	[smem:$0x7FF] =	sst s3;
	s11 =	smul.u32 $0x23000, s1  }
0xa: {  	s4 =	sadd.s32 $0x11E00, s0;
	s31 =	sshll.u32 s1, $0x6;
	s7 =	smul.u32 $0x28000, s5  }
0xb: {  	_ =	strace $0x80000047;
	s9 =	smul.u32 $0x11800, s5;
	s24 =	ssub.s32 $0x2, s5  }
0xc: {  	s5 =	sadd.s32 $0x34E00, s0;
	s12 =	sor.u32 $0x1C05, s31;
	s25 =	sshrl.u32 s24, $0x1  }
0xd: {  	s26 =	sshrl.u32 s11, $0x2;
	s11 =	simm.s32 $0x2800;
	s7 =	sadd.s32 s6, s7  }
0xe: {  	s6 =	sshrl.u32 s6, $0x3;
	s8 =	sadd.s32 s8, s9;
	s9 =	ssub.s32 s24, s25  }
.Ltmp0:
0xf: {  	s13 =	sadd.s32 s26, s2;
	s24 =	simm.s32 $0x11400;
	(pc) =	sbr.rel .LBB2_1-.Ltmp0, $4  }
0x10: {  	s25 =	simm.s32 $0x1;
	s26 =	simm.s32 $0x2;
	s7 =	sshrl.u32 s7, $0x3  }
0x11: {  	s10 =	sadd.s32 s6, s0;
	s9 =	smax.u32 s9, $0x1;
	s7 =	sadd.s32 s7, s0  }
0x12: {  	s13 =	sshrl.u32 s13, $0x3;
	s0 =	sadd.s32 s8, s0;
	s6 =	sadd.s32 $0x7E00, s7  }
0x13: {  	s7 =	sadd.s32 $0x2E00, s10;
	s8 =	sadd.s32 $0x36000, s0;
	s10 =	simm.s32 $0x5  }
.LBB2_4:
0x14: {  	_ =	swait.ge [sflag:s29], $0x1C00  }
0x15: {  	[sflag:s29] =	ssyncset.done $0x0  }
0x16: {  	[sflag:s29] =	ssyncadd.s32 $0xFFFFE400  }
0x17: {  	_ =	swait.ge [sflag:s29], $0x1C00  }
0x18: {  	[sflag:s29] =	ssyncset.done $0x0  }
0x19: {  	[sflag:s29] =	ssyncadd.s32 $0xFFFFE400  }
0x1a: {  	_ =	swait.ge [sflag:s29], $0x1C00  }
0x1b: {  	[sflag:s29] =	ssyncset.done $0x0  }
0x1c: {  	[sflag:s29] =	ssyncadd.s32 $0xFFFFE400  }
0x1d: {  	_ =	swait.ge [sflag:s29], $0x1C00  }
0x1e: {  	s30 =	sadd.s32 $0x1, s30;
	[sflag:s29] =	ssyncset.done $0x0  }
0x1f: {  	p0 =	sne.s32 s30, s9;
	[sflag:s29] =	ssyncadd.s32 $0xFFFFE400  }
.Ltmp1:
0x20: {  	[bflag:$0x0] =	sbarrier.arrive $0xFFFF;
	(pc) =	sbr.rel @!p0 .LBB2_5-.Ltmp1, $4  }
0x21: {  	[hbm:s8], [sflag:s12] =	dma.local [spmem:s13], $0x1180  }
0x22: {  	_ =	swait.ge [sflag:s10], $0x1180  }
0x23: {  	[sflag:s10] =	ssyncset.done $0x0  }
0x24: {  	[sflag:s10] =	ssyncadd.s32 $0xFFFFEE80  }
.LBB2_1:
0x25: {  	[tilespmem:s3], [sflag:$0x5] =	stream.linear.gather [hbm4b:s6+s3], $0x2800, $0x38;
	[tilespmem:$0x1BC00] =	vst v63  }
0x26: {  	_ =	swait.ge [sflag:s10], $0x2800  }
0x27: {  	[sflag:s10] =	ssyncset.done $0x0  }
0x28: {  	[sflag:s10] =	ssyncadd.s32 $0xFFFFD800  }
0x29: {  	[tilespmem:s11], [sflag:$0x5] =	stream.linear.gather [hbm4b:s7+s3], $0x2800, $0x38;
	[tilespmem:$0x1BC00] =	vst v63  }
0x2a: {  	_ =	swait.ge [sflag:s10], $0x2800  }
0x2b: {  	[sflag:s10] =	ssyncset.done $0x0  }
0x2c: {  	[sflag:s10] =	ssyncadd.s32 $0xFFFFD800  }
0x2d: {  	[spmem:s13], [sflag:s12] =	dma.local [hbm:s5], $0x1180  }
0x2e: {  	_ =	swait.ge [sflag:s10], $0x1180  }
0x2f: {  	[sflag:s10] =	ssyncset.done $0x0  }
0x30: {  	[sflag:s10] =	ssyncadd.s32 $0xFFFFEE80  }
0x31: {  	[bflag:$0x0] =	sbarrier.arrive $0xFFFF  }
0x32: {  	[tilespmem:s15], [sflag:$0x1] =	stream.indirect.gather [hbm4b:s4+s14], $0x38, s3, s14, $0xb8;
	[tilespmem:$0x1BC00] =	vst v63  }
0x33: {  	_ = 	snop  }
0x34: {  	[tilespmem:s16], [sflag:$0x1] =	stream.indirect.gather [hbm4b:s4+s14], $0x38, s14, s14, $0xb8;
	[tilespmem:$0x1BC00] =	vst v63  }
0x35: {  	_ = 	snop  }
0x36: {  	[tilespmem:s18], [sflag:$0x1] =	stream.indirect.gather [hbm4b:s4+s14], $0x38, s17, s14, $0xb8;
	[tilespmem:$0x1BC00] =	vst v63  }
0x37: {  	s31 =	simm.s32 $0x0  }
0x38: {  	[tilespmem:s20], [sflag:$0x1] =	stream.indirect.gather [hbm4b:s4+s14], $0x38, s19, s14, $0xb8;
	[tilespmem:$0x1BC00] =	vst v63  }
.LBB2_2:
0x39: {  	p0 =	seq.s32 s31, $0x0  }
0x3a: {  	s1 =	simm.s32 @!p0 $0x4  }
0x3b: {  	_ =	swait.ge @!p0 [sflag:s1], $0x1C00  }
0x3c: {  	[sflag:s1] =	ssyncset.done @!p0 $0x0  }
0x3d: {  	[sflag:s1] =	ssyncadd.s32 @!p0 $0xFFFFE400  }
0x3e: {  	_ =	swait.ge @!p0 [sflag:s1], $0x1C00  }
0x3f: {  	[sflag:s1] =	ssyncset.done @!p0 $0x0  }
0x40: {  	[sflag:s1] =	ssyncadd.s32 @!p0 $0xFFFFE400  }
0x41: {  	_ =	swait.ge @!p0 [sflag:s1], $0x1C00  }
0x42: {  	[sflag:s1] =	ssyncset.done @!p0 $0x0  }
0x43: {  	[sflag:s1] =	ssyncadd.s32 @!p0 $0xFFFFE400  }
0x44: {  	_ =	swait.ge @!p0 [sflag:s1], $0x1C00  }
0x45: {  	s0 =	sshra.s32 s31, $0x2;
	[sflag:s1] =	ssyncset.done @!p0 $0x0  }
0x46: {  	[sflag:s1] =	ssyncadd.s32 @!p0 $0xFFFFE400;
	s1 =	sadd.s32 $0x200, s0  }
0x47: {  	[tilespmem:s21], [sflag:$0x2] =	stream.indirect.gather [hbm4b:s4+s14], $0x38, s1, s14, $0xb8;
	[tilespmem:$0x1BC00] =	vst v63  }
0x48: {  	s1 =	sadd.s32 $0x280, s0  }
0x49: {  	[tilespmem:s22], [sflag:$0x2] =	stream.indirect.gather [hbm4b:s4+s14], $0x38, s1, s14, $0xb8;
	[tilespmem:$0x1BC00] =	vst v63  }
0x4a: {  	s1 =	sadd.s32 $0x300, s0  }
0x4b: {  	[tilespmem:s23], [sflag:$0x2] =	stream.indirect.gather [hbm4b:s4+s14], $0x38, s1, s14, $0xb8;
	[tilespmem:$0x1BC00] =	vst v63  }
0x4c: {  	s1 =	sadd.s32 $0x380, s0  }
0x4d: {  	[tilespmem:s24], [sflag:$0x2] =	stream.indirect.gather [hbm4b:s4+s14], $0x38, s1, s14, $0xb8;
	[tilespmem:$0x1BC00] =	vst v63  }
0x4e: {  	_ =	swait.ge [sflag:s25], $0x1C00  }
0x4f: {  	[sflag:s25] =	ssyncset.done $0x0  }
0x50: {  	[sflag:s25] =	ssyncadd.s32 $0xFFFFE400  }
0x51: {  	_ =	swait.ge [sflag:s25], $0x1C00  }
0x52: {  	[sflag:s25] =	ssyncset.done $0x0  }
0x53: {  	[sflag:s25] =	ssyncadd.s32 $0xFFFFE400  }
0x54: {  	_ =	swait.ge [sflag:s25], $0x1C00  }
0x55: {  	[sflag:s25] =	ssyncset.done $0x0  }
0x56: {  	[sflag:s25] =	ssyncadd.s32 $0xFFFFE400  }
0x57: {  	_ =	swait.ge [sflag:s25], $0x1C00  }
0x58: {  	[sflag:s25] =	ssyncset.done $0x0  }
0x59: {  	s1 =	sadd.s32 $0x2800, s0;
	[sflag:s25] =	ssyncadd.s32 $0xFFFFE400  }
0x5a: {  	[spmem:s2] =	stream.indirect.scatter.add.f32 [tilespmem:s15], [sflag:$0x3], $0x38, s1, s14, $0xb8;
	[tilespmem:$0x1BC00] =	vst v63  }
0x5b: {  	s1 =	sadd.s32 $0x2880, s0  }
0x5c: {  	[spmem:s2] =	stream.indirect.scatter.add.f32 [tilespmem:s16], [sflag:$0x3], $0x38, s1, s14, $0xb8;
	[tilespmem:$0x1BC00] =	vst v63  }
0x5d: {  	s1 =	sadd.s32 $0x2900, s0  }
0x5e: {  	[spmem:s2] =	stream.indirect.scatter.add.f32 [tilespmem:s18], [sflag:$0x3], $0x38, s1, s14, $0xb8;
	[tilespmem:$0x1BC00] =	vst v63  }
0x5f: {  	s1 =	sadd.s32 $0x2980, s0  }
0x60: {  	[spmem:s2] =	stream.indirect.scatter.add.f32 [tilespmem:s20], [sflag:$0x3], $0x38, s1, s14, $0xb8;
	[tilespmem:$0x1BC00] =	vst v63  }
0x61: {  	_ =	swait.ge [sflag:s26], $0x1C00  }
0x62: {  	[sflag:s26] =	ssyncset.done $0x0  }
0x63: {  	[sflag:s26] =	ssyncadd.s32 $0xFFFFE400  }
0x64: {  	_ =	swait.ge [sflag:s26], $0x1C00  }
0x65: {  	[sflag:s26] =	ssyncset.done $0x0  }
0x66: {  	[sflag:s26] =	ssyncadd.s32 $0xFFFFE400  }
0x67: {  	_ =	swait.ge [sflag:s26], $0x1C00  }
0x68: {  	[sflag:s26] =	ssyncset.done $0x0  }
0x69: {  	[sflag:s26] =	ssyncadd.s32 $0xFFFFE400  }
0x6a: {  	_ =	swait.ge [sflag:s26], $0x1C00  }
0x6b: {  	[sflag:s26] =	ssyncset.done $0x0  }
0x6c: {  	s1 =	sadd.s32 $0x2A00, s0;
	[sflag:s26] =	ssyncadd.s32 $0xFFFFE400  }
0x6d: {  	[spmem:s2] =	stream.indirect.scatter.add.f32 [tilespmem:s21], [sflag:$0x4], $0x38, s1, s14, $0xb8;
	[tilespmem:$0x1BC00] =	vst v63  }
0x6e: {  	s1 =	sadd.s32 $0x2A80, s0  }
0x6f: {  	[spmem:s2] =	stream.indirect.scatter.add.f32 [tilespmem:s22], [sflag:$0x4], $0x38, s1, s14, $0xb8;
	[tilespmem:$0x1BC00] =	vst v63  }
0x70: {  	s1 =	sadd.s32 $0x2B00, s0  }
0x71: {  	[spmem:s2] =	stream.indirect.scatter.add.f32 [tilespmem:s23], [sflag:$0x4], $0x38, s1, s14, $0xb8;
	[tilespmem:$0x1BC00] =	vst v63  }
0x72: {  	s1 =	sadd.s32 $0x2B80, s0  }
0x73: {  	[spmem:s2] =	stream.indirect.scatter.add.f32 [tilespmem:s24], [sflag:$0x4], $0x38, s1, s14, $0xb8;
	[tilespmem:$0x1BC00] =	vst v63  }
0x74: {  	_ =	swait.ge [sflag:s28], $0x1C00  }
0x75: {  	[sflag:s28] =	ssyncset.done $0x0  }
0x76: {  	[sflag:s28] =	ssyncadd.s32 $0xFFFFE400  }
0x77: {  	_ =	swait.ge [sflag:s28], $0x1C00  }
0x78: {  	[sflag:s28] =	ssyncset.done $0x0  }
0x79: {  	[sflag:s28] =	ssyncadd.s32 $0xFFFFE400  }
0x7a: {  	p0 =	seq.s32 s31, $0x9000;
	_ =	swait.ge [sflag:s28], $0x1C00  }
.Ltmp2:
0x7b: {  	[sflag:s28] =	ssyncset.done $0x0;
	(pc) =	sbr.rel @p0 .LBB2_4-.Ltmp2, $4  }
0x7c: {  	[sflag:s28] =	ssyncadd.s32 $0xFFFFE400  }
0x7d: {  	_ =	swait.ge [sflag:s28], $0x1C00  }
0x7e: {  	[sflag:s28] =	ssyncset.done $0x0  }
0x7f: {  	[sflag:s28] =	ssyncadd.s32 $0xFFFFE400  }
0x80: {  	s1 =	sadd.s32 $0x400, s0  }
0x81: {  	[tilespmem:s15], [sflag:$0x1] =	stream.indirect.gather [hbm4b:s4+s14], $0x38, s1, s14, $0xb8;
	[tilespmem:$0x1BC00] =	vst v63  }
0x82: {  	s1 =	sadd.s32 $0x480, s0  }
0x83: {  	[tilespmem:s16], [sflag:$0x1] =	stream.indirect.gather [hbm4b:s4+s14], $0x38, s1, s14, $0xb8;
	[tilespmem:$0x1BC00] =	vst v63  }
.Ltmp3:
0x84: {  	_ = 	snop;
	(pc) =	sbr.rel .LBB2_2-.Ltmp3, $4  }
0x85: {  	s1 =	sadd.s32 $0x500, s0  }
0x86: {  	[tilespmem:s18], [sflag:$0x1] =	stream.indirect.gather [hbm4b:s4+s14], $0x38, s1, s14, $0xb8;
	[tilespmem:$0x1BC00] =	vst v63  }
0x87: {  	s31 =	sadd.s32 $0x1000, s31;
	s1 =	sadd.s32 $0x580, s0  }
0x88: {  	[tilespmem:s20], [sflag:$0x1] =	stream.indirect.gather [hbm4b:s4+s14], $0x38, s1, s14, $0xb8;
	[tilespmem:$0x1BC00] =	vst v63  }
.LBB2_5:
0x89: {  	_ =	sfence.sel $0x180000  }
0x8a: {  	[bflag:$0x0] =	sbarrier.arrive $0xFFFF  }
0x8b: {  	_ =	strace $0x90000047  }
0x8c: {  	s0 =	stileid.u32;
	[bflag:$0x2] =	sbarrier.arrive $0xFFFF  }
0x8d: {  	p0 =	sne.s32 s0, $0x0;
	s0 =	rddreg [dreg:$0x2]  }
0x8e: {  	s0 =	sadd.s32 @!p0 $0x100000, s0  }
0x8f: {  	[sflag:s0] =	ssyncadd.tile.s32 @!p0 $0x1;
	_ =	shalt  }
.Lfunc_end2:
_tile_overlayer_lowered:
.L_overlay_start_2:
0x90: {  	(tag) =	ssettag $0x2  }
0x91: {  	s0 =	rddreg [dreg:$0x0];
	s2 =	stileid.u32  }
0x92: {  	s1 =	rddreg [dreg:$0x1];
	p0 =	sne.s32 s2, $0x0  }
0x93: {  	s3 =	rddreg [dreg:$0x2];
	[bflag:$0x3] =	sbarrier.arrive $0xFFFF;
	s2 =	simm.s32 @!p0 $0x1C05  }
0x94: {  	[timem:s3], [sflag:s2] =	dma.local @!p0 [hbm:s0], s1  }
0x95: {  	s0 =	simm.s32 @!p0 $0x5  }
0x96: {  	_ =	swait.ge @!p0 [sflag:s0], s1  }
0x97: {  	s1 =	ssub.s32 @!p0 $0x0, s1;
	[sflag:s0] =	ssyncset.done @!p0 $0x0  }
0x98: {  	[sflag:s0] =	ssyncadd.s32 @!p0 s1  }
0x99: {  	[bflag:$0x3] =	sbarrier.arrive $0xFFFF  }
0x9a: {  	_ =	shalt  }

</sc_bundles>
